<compile_context>
chip_gen: v7x
topology: tpu7x:2x2x1
jax: 0.10.2.dev20260603
libtpu: 0.0.44.dev20260713+nightly
codegen_flags: <defaults>
</compile_context>

<pallas_src>
import functools

import jax
import jax.numpy as jnp
from jax import lax
from jax.experimental import pallas as pl
from jax.experimental.pallas import tpu as pltpu
from jax.experimental.pallas import tpu_sc as plsc

IMG_H, IMG_W = 256, 704
NCAM = 6
Hf, Wf = 64, 176
HW = Hf * Wf
GPX = NCAM * HW
NPTS = 100000
NPAD = 100352
ROWS = NPAD // 128
KEYTOT = NCAM * NPAD
KPT = KEYTOT // 16
KCH = 6272
NV_B = KCH // 16
TBL = 29568
OUTCH = GPX // 16
NV_O = OUTCH // 16
SENT = 63



def _project_body(xr, yr, zr, pr, outr):
    xw = _bf16r(xr[0])
    yw = _bf16r(yr[0])
    zw = _bf16r(zr[0])
    for cam in range(NCAM):
        (m00, m01, m02, m03, m10, m11, m12, m13,
         m20, m21, m22, m23, fx, fy, cx, cy, lo, hi) = [
            pr[0, cam, j] for j in range(18)]
        px = m00 * xw + m01 * yw + m02 * zw + m03
        py = m10 * xw + m11 * yw + m12 * zw + m13
        pz = m20 * xw + m21 * yw + m22 * zw + m23
        zc = jnp.maximum(pz, 1e-6)
        u = fx * (px / zc) + cx
        v = fy * (py / zc) + cy
        m = (pz > 0.1) & (u >= 0.0) & (u <= IMG_W - 1.0) \
            & (v >= 0.0) & (v <= IMG_H - 1.0)
        uf = (u * 0.25).astype(jnp.int32)
        vf = (v * 0.25).astype(jnp.int32)
        dcl = jnp.clip(pz, lo, hi)
        binv = (dcl - 1.5).astype(jnp.int32)
        binv = binv - (binv.astype(jnp.float32) + 1.5 >= dcl).astype(jnp.int32)
        binv = jnp.clip(binv, 0, 47)
        camoff = cam * (HW * 64)
        key = jnp.where(m, vf * (Wf * 64) + uf * 64 + binv + camoff,
                        camoff + SENT)
        outr[0, cam] = key


def _bf16r(x):
    return x.astype(jnp.bfloat16).astype(jnp.float32)


_project = pl.pallas_call(
    _project_body,
    grid=(2,),
    in_specs=[
        pl.BlockSpec((1, ROWS, 128), lambda b: (b, 0, 0)),
        pl.BlockSpec((1, ROWS, 128), lambda b: (b, 0, 0)),
        pl.BlockSpec((1, ROWS, 128), lambda b: (b, 0, 0)),
        pl.BlockSpec((1, NCAM, 18), lambda b: (b, 0, 0),
                     memory_space=pltpu.SMEM),
    ],
    out_specs=pl.BlockSpec((1, NCAM, ROWS, 128), lambda b: (b, 0, 0, 0)),
    out_shape=jax.ShapeDtypeStruct((2, NCAM, ROWS, 128), jnp.int32),
    compiler_params=pltpu.CompilerParams(
        dimension_semantics=("parallel",)),
)



def _tbl_base(tile):
    cam_lo = (tile * KPT) // NPAD
    return (cam_lo * HW) // OUTCH * OUTCH


def _sc_body(keys, out_hbm, kb0, kb1, table, win, acc, outv,
             sem0, sem1, spt):
    c = lax.axis_index("c")
    s = lax.axis_index("s")
    kbs = (kb0, kb1)
    sems = (sem0, sem1)

    sent16 = jnp.full((16,), SENT, jnp.int32)

    def ibody(i, _):
        for k in range(4):
            table[pl.ds(i * 64 + k * 16, 16)] = sent16
        return 0

    lax.fori_loop(0, TBL // 64, ibody, 0)

    cam_lo = (s * KPT) // NPAD
    base = (cam_lo * HW) // OUTCH * OUTCH
    basev = jnp.full((16,), 0, jnp.int32) + base
    lane = lax.iota(jnp.int32, 16)
    prev_ix = jnp.maximum(lane - 1, 0)

    def mk_bbody(buf):
        def bbody(i, _):
            kv = buf[pl.ds(i * 16, 16)]
            skv, _ = plsc.sort_key_val(kv, kv)
            locv = jnp.right_shift(skv, 6) - basev
            bv = skv & SENT
            prev = lax.gather(
                locv, prev_ix[:, None],
                dimension_numbers=lax.GatherDimensionNumbers(
                    offset_dims=(), collapsed_slice_dims=(0,),
                    start_index_map=(0,)),
                slice_sizes=(1,),
                mode=lax.GatherScatterMode.PROMISE_IN_BOUNDS)
            first = (locv != prev) | (lane == 0)
            cur = plsc.load_gather(table, [locv])
            need = first & (bv < cur)
            plsc.store_scatter(table, [locv], bv, mask=need)
            return 0
        return bbody

    h = pltpu.async_copy(keys.at[pl.ds(c * KEYTOT + s * KPT, KCH)], kb0, sem0)
    for j in range(KPT // KCH):
        buf = kbs[j % 2]
        h.wait()
        if j < KPT // KCH - 1:
            h = pltpu.async_copy(
                keys.at[pl.ds(c * KEYTOT + s * KPT + (j + 1) * KCH, KCH)],
                kbs[(j + 1) % 2], sems[(j + 1) % 2])
        lax.fori_loop(0, NV_B, mk_bbody(buf), 0)

    pltpu.sync_copy(table, spt.at[s])
    plsc.subcore_barrier()

    def zbody(i, _):
        acc[pl.ds(i * 16, 16)] = sent16
        return 0

    lax.fori_loop(0, NV_O, zbody, 0)

    g0 = s * OUTCH
    for t2 in range(16):
        b2 = _tbl_base(t2)
        valid = (g0 >= b2) & (g0 + OUTCH <= b2 + TBL)

        @pl.when(valid)
        def _(t2=t2, b2=b2):
            pltpu.sync_copy(spt.at[t2, pl.ds(g0 - b2, OUTCH)], win)

            def mbody(i, _):
                acc[pl.ds(i * 16, 16)] = jnp.minimum(
                    acc[pl.ds(i * 16, 16)], win[pl.ds(i * 16, 16)])
                return 0

            lax.fori_loop(0, NV_O, mbody, 0)

    def obody(i, _):
        a = acc[pl.ds(i * 16, 16)]
        outv[pl.ds(i * 16, 16)] = jnp.where(a >= 48, -1, a)
        return 0

    lax.fori_loop(0, NV_O, obody, 0)
    pltpu.sync_copy(outv, out_hbm.at[pl.ds(c * GPX + g0, OUTCH)])


_labeler = functools.partial(
    pl.kernel,
    mesh=plsc.VectorSubcoreMesh(core_axis_name="c", subcore_axis_name="s"),
    out_type=jax.ShapeDtypeStruct((2 * GPX,), jnp.int32),
    compiler_params=pltpu.CompilerParams(needs_layout_passes=False),
    scratch_types=[
        pltpu.VMEM((KCH,), jnp.int32),
        pltpu.VMEM((KCH,), jnp.int32),
        pltpu.VMEM((TBL,), jnp.int32),
        pltpu.VMEM((OUTCH,), jnp.int32),
        pltpu.VMEM((OUTCH,), jnp.int32),
        pltpu.VMEM((OUTCH,), jnp.int32),
        pltpu.SemaphoreType.DMA,
        pltpu.SemaphoreType.DMA,
        pltpu.VMEM_SHARED((16, TBL), jnp.int32),
    ],
)(_sc_body)


def kernel(points_ego, intrinsics, cam2ego, feat_hw):
    B = points_ego.shape[0]
    ego2cam = jnp.linalg.inv(cam2ego)

    pad = NPAD - NPTS
    xyz = jnp.pad(points_ego[..., :3], ((0, 0), (0, pad), (0, 0)),
                  constant_values=float('nan'))
    xs = xyz[..., 0].reshape(B, ROWS, 128)
    ys = xyz[..., 1].reshape(B, ROWS, 128)
    zs = xyz[..., 2].reshape(B, ROWS, 128)

    dv = 2.0 + jnp.arange(48, dtype=jnp.float32)
    step = dv[1] - dv[0]
    edges = jnp.concatenate([dv[:1] - step / 2.0, dv + step / 2.0])
    lo = edges[0] + 0.001
    hi = edges[-1] - 0.001

    mat = ego2cam[:, :, :3, :].reshape(B, NCAM, 12)
    mat = mat.astype(jnp.bfloat16).astype(jnp.float32)
    fx = intrinsics[:, :, 0, 0][..., None]
    fy = intrinsics[:, :, 1, 1][..., None]
    cx = intrinsics[:, :, 0, 2][..., None]
    cy = intrinsics[:, :, 1, 2][..., None]
    ones = jnp.ones((B, NCAM, 1), jnp.float32)
    par = jnp.concatenate([mat, fx, fy, cx, cy, lo * ones, hi * ones], axis=-1)

    keys = _project(xs, ys, zs, par).reshape(-1)
    out = _labeler(keys)
    return out.reshape(B, NCAM, Hf, Wf).astype(jnp.int64)

# --- scband reference (transcript-rebuilt; emitter-appended) ---
"""Pipeline reference for scband-sparse-depth-labeler-18133351923970 (READ-ONLY COPY).

The authoritative reference and input builder live on the scoring server;
editing this copy changes nothing except your own understanding.
"""

import jax, jax.numpy as jnp
import numpy as np

IMG_H, IMG_W = 256, 704
STRIDE = 4.0
NCAM = 6
D_BINS = 48


def _depth_values():
    return 2.0 + jnp.arange(D_BINS, dtype=jnp.float32)


def _bin_edges():
    dv = _depth_values()
    step = dv[1] - dv[0]
    return jnp.concatenate([dv[:1] - step / 2.0, dv + step / 2.0])


def setup_inputs(seed: int = 0):
    key = jax.random.key(seed)
    k1, k2, k3 = jax.random.split(key, 3)
    B, Npts = 2, 100000
    xy = jax.random.uniform(k1, (B, Npts, 2), minval=-50.0, maxval=50.0, dtype=jnp.float32)
    z = jax.random.uniform(k2, (B, Npts, 1), minval=-5.0, maxval=3.0, dtype=jnp.float32)
    inten = jax.random.uniform(k3, (B, Npts, 1), dtype=jnp.float32)
    points_ego = jnp.concatenate([xy, z, inten], axis=-1)
    intr = np.zeros((B, NCAM, 3, 3), dtype=np.float32)
    intr[..., 0, 0] = 560.0
    intr[..., 1, 1] = 560.0
    intr[..., 0, 2] = IMG_W / 2.0
    intr[..., 1, 2] = IMG_H / 2.0
    intr[..., 2, 2] = 1.0
    cam2ego = np.zeros((B, NCAM, 4, 4), dtype=np.float32)
    for n in range(NCAM):
        yaw = 2.0 * np.pi * n / NCAM
        f = np.array([np.cos(yaw), np.sin(yaw), 0.0])
        r = np.array([np.sin(yaw), -np.cos(yaw), 0.0])
        d = np.array([0.0, 0.0, -1.0])
        R = np.stack([r, d, f], axis=1)
        t = 1.0 * f + np.array([0.0, 0.0, 1.6])
        cam2ego[:, n, :3, :3] = R
        cam2ego[:, n, :3, 3] = t
        cam2ego[:, n, 3, 3] = 1.0
    return {
        'points_ego': points_ego,
        'intrinsics': jnp.asarray(intr),
        'cam2ego': jnp.asarray(cam2ego),
        'feat_hw': np.array([IMG_H // 4, IMG_W // 4], dtype=np.int64),
    }


def _forward(points_ego, intrinsics, cam2ego, Hf, Wf, feat_hw):
    edges = _bin_edges()
    B, Npts, _ = points_ego.shape
    Ncam = intrinsics.shape[1]
    ego2cam = jnp.linalg.inv(cam2ego)
    pts_h = jnp.concatenate([points_ego[..., :3], jnp.ones((B, Npts, 1), points_ego.dtype)], axis=-1)
    p_cam = jnp.einsum('bnij,bpj->bnpi', ego2cam, pts_h)
    x, y, z = p_cam[..., 0], p_cam[..., 1], p_cam[..., 2]
    zc = jnp.clip(z, 1e-06, None)
    fx = intrinsics[:, :, 0, 0][:, :, None]
    fy = intrinsics[:, :, 1, 1][:, :, None]
    cx = intrinsics[:, :, 0, 2][:, :, None]
    cy = intrinsics[:, :, 1, 2][:, :, None]
    u = fx * (x / zc) + cx
    v = fy * (y / zc) + cy
    m = (z > 0.1) & (u >= 0) & (u <= IMG_W - 1) & (v >= 0) & (v <= IMG_H - 1)
    uf = jnp.floor(u / STRIDE).astype(jnp.int32)
    vf = jnp.floor(v / STRIDE).astype(jnp.int32)
    m = m & (uf >= 0) & (uf < feat_hw[1]) & (vf >= 0) & (vf < feat_hw[0])
    idx = jnp.where(m, vf * Wf + uf, 0)
    zval = jnp.where(m, z, jnp.inf)
    bn = jnp.arange(B)[:, None, None] * Ncam + jnp.arange(Ncam)[None, :, None]
    flat = (bn * (Hf * Wf) + idx).reshape(-1)
    # per-pixel z-buffer: torch code's sort-by-(idx,z) + first-occurrence == scatter-min over z
    zmin = jnp.full((B * Ncam * Hf * Wf,), jnp.inf, dtype=points_ego.dtype).at[flat].min(zval.reshape(-1))
    dcl = jnp.clip(zmin, edges[0] + 0.001, edges[-1] - 0.001)
    # torch.bucketize(right=False) == searchsorted side='left'
    bin_id = jnp.clip(jnp.searchsorted(edges, dcl, side='left') - 1, 0, D_BINS - 1)
    labels = jnp.where(jnp.isfinite(zmin), bin_id, -1).astype(jnp.int64)
    return labels.reshape(B, Ncam, Hf, Wf)


def reference(points_ego, intrinsics, cam2ego, feat_hw):
    Hf, Wf = IMG_H // int(STRIDE), IMG_W // int(STRIDE)
    return _forward(points_ego, intrinsics, cam2ego, Hf, Wf, feat_hw)

if __name__ == "__main__":
    import jax
    _d = setup_inputs()
    print(jax.jit(kernel)(*tuple(_d.values())))

</pallas_src>

<mosaic_0001>
#map = affine_map<(d0, d1) -> (0)>
module attributes {stable_mosaic.version = 14 : i64} {
  func.func @_sc_body(%arg0: i32, %arg1: i32, %arg2: memref<1204224xi32, #tpu.memory_space<hbm>>, %arg3: memref<135168xi32, #tpu.memory_space<hbm>>, %arg4: memref<6272xi32, #tpu.memory_space<vmem>>, %arg5: memref<6272xi32, #tpu.memory_space<vmem>>, %arg6: memref<29568xi32, #tpu.memory_space<vmem>>, %arg7: memref<4224xi32, #tpu.memory_space<vmem>>, %arg8: memref<4224xi32, #tpu.memory_space<vmem>>, %arg9: memref<4224xi32, #tpu.memory_space<vmem>>, %arg10: memref<!tpu.dma_semaphore, #tpu.memory_space<semaphore_mem>>, %arg11: memref<!tpu.dma_semaphore, #tpu.memory_space<semaphore_mem>>, %arg12: memref<16x29568xi32, #tpu.memory_space<vmem_shared>>) attributes {dimension_semantics = [#tpu.dimension_semantics<core_parallel>, #tpu.dimension_semantics<subcore_parallel>], iteration_bounds = array<i64: 2, 16>, scalar_prefetch = 0 : i64, scratch_operands = 9 : i64, tpu.core_type = #tpu.core_type<sc_vector_subcore>, window_params = [{transform_indices = #map}, {transform_indices = #map}]} {
    %broadcast_in_dim3A = arith.constant 63 : i32
    %broadcast_in_dim3A_0 = vector.broadcast %broadcast_in_dim3A : i32 to vector<16xi32>
    %scan3A = arith.constant 0 : i32
    %scan3A_1 = arith.constant 0 : i32
    %scan3A_2 = arith.constant 462 : i32
    %scan3A_3 = arith.addi %scan3A_1, %scan3A_2 : i32
    %scan3A_4 = arith.constant 1 : i32
    %scan3A_5 = scf.for %scan3A_339 = %scan3A_1 to %scan3A_3 step %scan3A_4 iter_args(%scan3A_340 = %scan3A) -> (i32)  : i32 {
      %mul3A_341 = arith.constant 64 : i32
      %mul3A_342 = arith.muli %scan3A_339, %mul3A_341 : i32
      %add3A_343 = arith.constant 0 : i32
      %add3A_344 = arith.addi %mul3A_342, %add3A_343 : i32
      %swap3A = arith.index_cast %add3A_344 : i32 to index
      %swap3A_345 = tpu.vector_load %arg6[%swap3A] {strides = array<i32>} : memref<29568xi32, #tpu.memory_space<vmem>>, vector<16xi32>,
      tpu.vector_store %arg6[%swap3A], %broadcast_in_dim3A_0 {strides = array<i32>} : memref<29568xi32, #tpu.memory_space<vmem>>, vector<16xi32>,
      %mul3A_346 = arith.constant 64 : i32
      %mul3A_347 = arith.muli %scan3A_339, %mul3A_346 : i32
      %add3A_348 = arith.constant 16 : i32
      %add3A_349 = arith.addi %mul3A_347, %add3A_348 : i32
      %swap3A_350 = arith.index_cast %add3A_349 : i32 to index
      %swap3A_351 = tpu.vector_load %arg6[%swap3A_350] {strides = array<i32>} : memref<29568xi32, #tpu.memory_space<vmem>>, vector<16xi32>,
      tpu.vector_store %arg6[%swap3A_350], %broadcast_in_dim3A_0 {strides = array<i32>} : memref<29568xi32, #tpu.memory_space<vmem>>, vector<16xi32>,
      %mul3A_352 = arith.constant 64 : i32
      %mul3A_353 = arith.muli %scan3A_339, %mul3A_352 : i32
      %add3A_354 = arith.constant 32 : i32
      %add3A_355 = arith.addi %mul3A_353, %add3A_354 : i32
      %swap3A_356 = arith.index_cast %add3A_355 : i32 to index
      %swap3A_357 = tpu.vector_load %arg6[%swap3A_356] {strides = array<i32>} : memref<29568xi32, #tpu.memory_space<vmem>>, vector<16xi32>,
      tpu.vector_store %arg6[%swap3A_356], %broadcast_in_dim3A_0 {strides = array<i32>} : memref<29568xi32, #tpu.memory_space<vmem>>, vector<16xi32>,
      %mul3A_358 = arith.constant 64 : i32
      %mul3A_359 = arith.muli %scan3A_339, %mul3A_358 : i32
      %add3A_360 = arith.constant 48 : i32
      %add3A_361 = arith.addi %mul3A_359, %add3A_360 : i32
      %swap3A_362 = arith.index_cast %add3A_361 : i32 to index
      %swap3A_363 = tpu.vector_load %arg6[%swap3A_362] {strides = array<i32>} : memref<29568xi32, #tpu.memory_space<vmem>>, vector<16xi32>,
      tpu.vector_store %arg6[%swap3A_362], %broadcast_in_dim3A_0 {strides = array<i32>} : memref<29568xi32, #tpu.memory_space<vmem>>, vector<16xi32>,
      %scan3A_364 = arith.constant 0 : i32
      scf.yield %scan3A_364 : i32
    }
    %scan3A_6 = arith.constant 462 : i32
    %mul3A = arith.constant 37632 : i32
    %mul3A_7 = arith.muli %arg1, %mul3A : i32
    %jit3A = arith.constant 100352 : i32
    %div3A = arith.divsi %mul3A_7, %jit3A : i32
    %sign3A = arith.constant 0 : i32
    %sign3A_8 = arith.cmpi sgt, %mul3A_7, %sign3A : i32
    %sign3A_9 = arith.extui %sign3A_8 : i1 to i32
    %sign3A_10 = arith.constant 0 : i32
    %sign3A_11 = arith.cmpi slt, %mul3A_7, %sign3A_10 : i32
    %sign3A_12 = arith.extui %sign3A_11 : i1 to i32
    %sign3A_13 = arith.subi %sign3A_9, %sign3A_12 : i32
    %sign3A_14 = arith.constant 0 : i32
    %sign3A_15 = arith.cmpi sgt, %jit3A, %sign3A_14 : i32
    %sign3A_16 = arith.extui %sign3A_15 : i1 to i32
    %sign3A_17 = arith.constant 0 : i32
    %sign3A_18 = arith.cmpi slt, %jit3A, %sign3A_17 : i32
    %sign3A_19 = arith.extui %sign3A_18 : i1 to i32
    %sign3A_20 = arith.subi %sign3A_16, %sign3A_19 : i32
    %ne3A = arith.cmpi ne, %sign3A_13, %sign3A_20 : i32
    %rem3A = arith.remsi %mul3A_7, %jit3A : i32
    %ne3A_21 = arith.constant 0 : i32
    %ne3A_22 = arith.cmpi ne, %rem3A, %ne3A_21 : i32
    %and3A = arith.andi %ne3A, %ne3A_22 : i1
    %sub3A = arith.constant 1 : i32
    %sub3A_23 = arith.subi %div3A, %sub3A : i32
    %select_n3A = arith.select %and3A, %sub3A_23, %div3A : i32
    %mul3A_24 = arith.constant 11264 : i32
    %mul3A_25 = arith.muli %select_n3A, %mul3A_24 : i32
    %jit3A_26 = arith.constant 4224 : i32
    %div3A_27 = arith.divsi %mul3A_25, %jit3A_26 : i32
    %sign3A_28 = arith.constant 0 : i32
    %sign3A_29 = arith.cmpi sgt, %mul3A_25, %sign3A_28 : i32
    %sign3A_30 = arith.extui %sign3A_29 : i1 to i32
    %sign3A_31 = arith.constant 0 : i32
    %sign3A_32 = arith.cmpi slt, %mul3A_25, %sign3A_31 : i32
    %sign3A_33 = arith.extui %sign3A_32 : i1 to i32
    %sign3A_34 = arith.subi %sign3A_30, %sign3A_33 : i32
    %sign3A_35 = arith.constant 0 : i32
    %sign3A_36 = arith.cmpi sgt, %jit3A_26, %sign3A_35 : i32
    %sign3A_37 = arith.extui %sign3A_36 : i1 to i32
    %sign3A_38 = arith.constant 0 : i32
    %sign3A_39 = arith.cmpi slt, %jit3A_26, %sign3A_38 : i32
    %sign3A_40 = arith.extui %sign3A_39 : i1 to i32
    %sign3A_41 = arith.subi %sign3A_37, %sign3A_40 : i32
    %ne3A_42 = arith.cmpi ne, %sign3A_34, %sign3A_41 : i32
    %rem3A_43 = arith.remsi %mul3A_25, %jit3A_26 : i32
    %ne3A_44 = arith.constant 0 : i32
    %ne3A_45 = arith.cmpi ne, %rem3A_43, %ne3A_44 : i32
    %and3A_46 = arith.andi %ne3A_42, %ne3A_45 : i1
    %sub3A_47 = arith.constant 1 : i32
    %sub3A_48 = arith.subi %div3A_27, %sub3A_47 : i32
    %select_n3A_49 = arith.select %and3A_46, %sub3A_48, %div3A_27 : i32
    %mul3A_50 = arith.constant 4224 : i32
    %mul3A_51 = arith.muli %select_n3A_49, %mul3A_50 : i32
    %broadcast_in_dim3A_52 = arith.constant 0 : i32
    %broadcast_in_dim3A_53 = vector.broadcast %broadcast_in_dim3A_52 : i32 to vector<16xi32>
    %add3A = vector.broadcast %mul3A_51 : i32 to vector<16xi32>
    %add3A_54 = arith.addi %broadcast_in_dim3A_53, %add3A : vector<16xi32>
    %iota3A = tpu.iota {dimensions = array<i32: 0>} : vector<16xi32>
    %sub3A_55 = arith.constant 1 : i32
    %sub3A_56 = vector.broadcast %sub3A_55 : i32 to vector<16xi32>
    %sub3A_57 = arith.subi %iota3A, %sub3A_56 : vector<16xi32>
    %max3A = arith.constant 0 : i32
    %max3A_58 = vector.broadcast %max3A : i32 to vector<16xi32>
    %max3A_59 = arith.maxsi %sub3A_57, %max3A_58 : vector<16xi32>
    %mul3A_60 = arith.constant 602112 : i32
    %mul3A_61 = arith.muli %arg0, %mul3A_60 : i32
    %mul3A_62 = arith.constant 37632 : i32
    %mul3A_63 = arith.muli %arg1, %mul3A_62 : i32
    %add3A_64 = arith.addi %mul3A_61, %mul3A_63 : i32
    %dma_start3A = tpu.memref_slice %arg2[%add3A_64] : memref<1204224xi32, #tpu.memory_space<hbm>> -> memref<6272xi32, #tpu.memory_space<hbm>>
    %dma_start3A_65 = tpu.memref_slice %arg2[%add3A_64] : memref<1204224xi32, #tpu.memory_space<hbm>> -> memref<6272xi32, #tpu.memory_space<hbm>>
    tpu.enqueue_dma source(%dma_start3A_65 : memref<6272xi32, #tpu.memory_space<hbm>>) target(%arg4 : memref<6272xi32, #tpu.memory_space<vmem>>) target_semaphore(%arg10 : memref<!tpu.dma_semaphore, #tpu.memory_space<semaphore_mem>>)
    %dma_wait3A = tpu.memref_slice %arg2[%add3A_64] : memref<1204224xi32, #tpu.memory_space<hbm>> -> memref<6272xi32, #tpu.memory_space<hbm>>
    %dma_wait3A_66 = tpu.memref_slice %arg2[%add3A_64] : memref<1204224xi32, #tpu.memory_space<hbm>> -> memref<6272xi32, #tpu.memory_space<hbm>>
    tpu.wait_dma2 semaphore(%arg10 : memref<!tpu.dma_semaphore, #tpu.memory_space<semaphore_mem>>) src(%dma_wait3A_66 : memref<6272xi32, #tpu.memory_space<hbm>>) dst(%arg4 : memref<6272xi32, #tpu.memory_space<vmem>>)
    %mul3A_67 = arith.constant 602112 : i32
    %mul3A_68 = arith.muli %arg0, %mul3A_67 : i32
    %mul3A_69 = arith.constant 37632 : i32
    %mul3A_70 = arith.muli %arg1, %mul3A_69 : i32
    %add3A_71 = arith.addi %mul3A_68, %mul3A_70 : i32
    %add3A_72 = arith.constant 6272 : i32
    %add3A_73 = arith.addi %add3A_71, %add3A_72 : i32
    %dma_start3A_74 = tpu.memref_slice %arg2[%add3A_73] : memref<1204224xi32, #tpu.memory_space<hbm>> -> memref<6272xi32, #tpu.memory_space<hbm>>
    %dma_start3A_75 = tpu.memref_slice %arg2[%add3A_73] : memref<1204224xi32, #tpu.memory_space<hbm>> -> memref<6272xi32, #tpu.memory_space<hbm>>
    tpu.enqueue_dma source(%dma_start3A_75 : memref<6272xi32, #tpu.memory_space<hbm>>) target(%arg5 : memref<6272xi32, #tpu.memory_space<vmem>>) target_semaphore(%arg11 : memref<!tpu.dma_semaphore, #tpu.memory_space<semaphore_mem>>)
    %scan3A_76 = arith.constant 0 : i32
    %scan3A_77 = arith.constant 0 : i32
    %scan3A_78 = arith.constant 392 : i32
    %scan3A_79 = arith.addi %scan3A_77, %scan3A_78 : i32
    %scan3A_80 = arith.constant 1 : i32
    %scan3A_81 = scf.for %scan3A_339 = %scan3A_77 to %scan3A_79 step %scan3A_80 iter_args(%scan3A_340 = %scan3A_76) -> (i32)  : i32 {
      %mul3A_341 = arith.constant 16 : i32
      %mul3A_342 = arith.muli %scan3A_339, %mul3A_341 : i32
      %get3A = arith.index_cast %mul3A_342 : i32 to index
      %get3A_343 = tpu.vector_load %arg4[%get3A] {strides = array<i32>} : memref<6272xi32, #tpu.memory_space<vmem>>, vector<16xi32>,
      %masked_sort3A = arith.constant dense<true> : vector<16xi1>
      %masked_sort3A_344 = arith.constant -2147483648 : i32
      %masked_sort3A_345 = vector.broadcast %masked_sort3A_344 : i32 to vector<16xi32>
      %masked_sort3A_346 = arith.xori %get3A_343, %masked_sort3A_345 : vector<16xi32>
      %masked_sort3A_347, %masked_sort3A_348, %masked_sort3A_349 = tpu.sort %masked_sort3A_346, %get3A_343 masked %masked_sort3A : (vector<16xi32>, vector<16xi32>, vector<16xi1>) -> (vector<16xi1>, vector<16xi32>, vector<16xi32>)
      %masked_sort3A_350 = arith.xori %masked_sort3A_348, %masked_sort3A_345 : vector<16xi32>
      %shift_right_arithmetic3A = arith.constant 6 : i32
      %shift_right_arithmetic3A_351 = vector.broadcast %shift_right_arithmetic3A : i32 to vector<16xi32>
      %shift_right_arithmetic3A_352 = arith.shrsi %masked_sort3A_350, %shift_right_arithmetic3A_351 : vector<16xi32>
      %sub3A_353 = arith.subi %shift_right_arithmetic3A_352, %add3A_54 : vector<16xi32>
      %and3A_354 = arith.constant 63 : i32
      %and3A_355 = vector.broadcast %and3A_354 : i32 to vector<16xi32>
      %and3A_356 = arith.andi %masked_sort3A_350, %and3A_355 : vector<16xi32>
      %broadcast_in_dim3A_357 = vector.shape_cast %max3A_59 : vector<16xi32> to vector<16x1xi32>
      %gather3A = vector.shape_cast %broadcast_in_dim3A_357 : vector<16x1xi32> to vector<16xi32>
      %gather3A_358 = tpu.dynamic_gather %sub3A_353[%gather3A] in [0] : vector<16xi32>, vector<16xi32> -> vector<16xi32>
      %ne3A_359 = arith.cmpi ne, %sub3A_353, %gather3A_358 : vector<16xi32>
      %eq3A = arith.constant 0 : i32
      %eq3A_360 = vector.broadcast %eq3A : i32 to vector<16xi32>
      %eq3A_361 = arith.cmpi eq, %iota3A, %eq3A_360 : vector<16xi32>
      %or3A = arith.ori %ne3A_359, %eq3A_361 : vector<16xi1>
      %gather3A_362 = tpu.vector_load_idx %arg6[%sub3A_353] : memref<29568xi32, #tpu.memory_space<vmem>>[vector<16xi32>], vector<16xi32>,
      %lt3A = arith.cmpi slt, %and3A_356, %gather3A_362 : vector<16xi32>
      %and3A_363 = arith.andi %or3A, %lt3A : vector<16xi1>
      tpu.vector_store_idx %arg6[%sub3A_353], %and3A_356 masked %and3A_363 : memref<29568xi32, #tpu.memory_space<vmem>>[vector<16xi32>], vector<16xi32>, vector<16xi1>
      %scan3A_364 = arith.constant 0 : i32
      scf.yield %scan3A_364 : i32
    }
    %scan3A_82 = arith.constant 392 : i32
    %dma_wait3A_83 = tpu.memref_slice %arg2[%add3A_73] : memref<1204224xi32, #tpu.memory_space<hbm>> -> memref<6272xi32, #tpu.memory_space<hbm>>
    %dma_wait3A_84 = tpu.memref_slice %arg2[%add3A_73] : memref<1204224xi32, #tpu.memory_space<hbm>> -> memref<6272xi32, #tpu.memory_space<hbm>>
    tpu.wait_dma2 semaphore(%arg11 : memref<!tpu.dma_semaphore, #tpu.memory_space<semaphore_mem>>) src(%dma_wait3A_84 : memref<6272xi32, #tpu.memory_space<hbm>>) dst(%arg5 : memref<6272xi32, #tpu.memory_space<vmem>>)
    %mul3A_85 = arith.constant 602112 : i32
    %mul3A_86 = arith.muli %arg0, %mul3A_85 : i32
    %mul3A_87 = arith.constant 37632 : i32
    %mul3A_88 = arith.muli %arg1, %mul3A_87 : i32
    %add3A_89 = arith.addi %mul3A_86, %mul3A_88 : i32
    %add3A_90 = arith.constant 12544 : i32
    %add3A_91 = arith.addi %add3A_89, %add3A_90 : i32
    %dma_start3A_92 = tpu.memref_slice %arg2[%add3A_91] : memref<1204224xi32, #tpu.memory_space<hbm>> -> memref<6272xi32, #tpu.memory_space<hbm>>
    %dma_start3A_93 = tpu.memref_slice %arg2[%add3A_91] : memref<1204224xi32, #tpu.memory_space<hbm>> -> memref<6272xi32, #tpu.memory_space<hbm>>
    tpu.enqueue_dma source(%dma_start3A_93 : memref<6272xi32, #tpu.memory_space<hbm>>) target(%arg4 : memref<6272xi32, #tpu.memory_space<vmem>>) target_semaphore(%arg10 : memref<!tpu.dma_semaphore, #tpu.memory_space<semaphore_mem>>)
    %scan3A_94 = arith.constant 0 : i32
    %scan3A_95 = arith.constant 0 : i32
    %scan3A_96 = arith.constant 392 : i32
    %scan3A_97 = arith.addi %scan3A_95, %scan3A_96 : i32
    %scan3A_98 = arith.constant 1 : i32
    %scan3A_99 = scf.for %scan3A_339 = %scan3A_95 to %scan3A_97 step %scan3A_98 iter_args(%scan3A_340 = %scan3A_94) -> (i32)  : i32 {
      %mul3A_341 = arith.constant 16 : i32
      %mul3A_342 = arith.muli %scan3A_339, %mul3A_341 : i32
      %get3A = arith.index_cast %mul3A_342 : i32 to index
      %get3A_343 = tpu.vector_load %arg5[%get3A] {strides = array<i32>} : memref<6272xi32, #tpu.memory_space<vmem>>, vector<16xi32>,
      %masked_sort3A = arith.constant dense<true> : vector<16xi1>
      %masked_sort3A_344 = arith.constant -2147483648 : i32
      %masked_sort3A_345 = vector.broadcast %masked_sort3A_344 : i32 to vector<16xi32>
      %masked_sort3A_346 = arith.xori %get3A_343, %masked_sort3A_345 : vector<16xi32>
      %masked_sort3A_347, %masked_sort3A_348, %masked_sort3A_349 = tpu.sort %masked_sort3A_346, %get3A_343 masked %masked_sort3A : (vector<16xi32>, vector<16xi32>, vector<16xi1>) -> (vector<16xi1>, vector<16xi32>, vector<16xi32>)
      %masked_sort3A_350 = arith.xori %masked_sort3A_348, %masked_sort3A_345 : vector<16xi32>
      %shift_right_arithmetic3A = arith.constant 6 : i32
      %shift_right_arithmetic3A_351 = vector.broadcast %shift_right_arithmetic3A : i32 to vector<16xi32>
      %shift_right_arithmetic3A_352 = arith.shrsi %masked_sort3A_350, %shift_right_arithmetic3A_351 : vector<16xi32>
      %sub3A_353 = arith.subi %shift_right_arithmetic3A_352, %add3A_54 : vector<16xi32>
      %and3A_354 = arith.constant 63 : i32
      %and3A_355 = vector.broadcast %and3A_354 : i32 to vector<16xi32>
      %and3A_356 = arith.andi %masked_sort3A_350, %and3A_355 : vector<16xi32>
      %broadcast_in_dim3A_357 = vector.shape_cast %max3A_59 : vector<16xi32> to vector<16x1xi32>
      %gather3A = vector.shape_cast %broadcast_in_dim3A_357 : vector<16x1xi32> to vector<16xi32>
      %gather3A_358 = tpu.dynamic_gather %sub3A_353[%gather3A] in [0] : vector<16xi32>, vector<16xi32> -> vector<16xi32>
      %ne3A_359 = arith.cmpi ne, %sub3A_353, %gather3A_358 : vector<16xi32>
      %eq3A = arith.constant 0 : i32
      %eq3A_360 = vector.broadcast %eq3A : i32 to vector<16xi32>
      %eq3A_361 = arith.cmpi eq, %iota3A, %eq3A_360 : vector<16xi32>
      %or3A = arith.ori %ne3A_359, %eq3A_361 : vector<16xi1>
      %gather3A_362 = tpu.vector_load_idx %arg6[%sub3A_353] : memref<29568xi32, #tpu.memory_space<vmem>>[vector<16xi32>], vector<16xi32>,
      %lt3A = arith.cmpi slt, %and3A_356, %gather3A_362 : vector<16xi32>
      %and3A_363 = arith.andi %or3A, %lt3A : vector<16xi1>
      tpu.vector_store_idx %arg6[%sub3A_353], %and3A_356 masked %and3A_363 : memref<29568xi32, #tpu.memory_space<vmem>>[vector<16xi32>], vector<16xi32>, vector<16xi1>
      %scan3A_364 = arith.constant 0 : i32
      scf.yield %scan3A_364 : i32
    }
    %scan3A_100 = arith.constant 392 : i32
    %dma_wait3A_101 = tpu.memref_slice %arg2[%add3A_91] : memref<1204224xi32, #tpu.memory_space<hbm>> -> memref<6272xi32, #tpu.memory_space<hbm>>
    %dma_wait3A_102 = tpu.memref_slice %arg2[%add3A_91] : memref<1204224xi32, #tpu.memory_space<hbm>> -> memref<6272xi32, #tpu.memory_space<hbm>>
    tpu.wait_dma2 semaphore(%arg10 : memref<!tpu.dma_semaphore, #tpu.memory_space<semaphore_mem>>) src(%dma_wait3A_102 : memref<6272xi32, #tpu.memory_space<hbm>>) dst(%arg4 : memref<6272xi32, #tpu.memory_space<vmem>>)
    %mul3A_103 = arith.constant 602112 : i32
    %mul3A_104 = arith.muli %arg0, %mul3A_103 : i32
    %mul3A_105 = arith.constant 37632 : i32
    %mul3A_106 = arith.muli %arg1, %mul3A_105 : i32
    %add3A_107 = arith.addi %mul3A_104, %mul3A_106 : i32
    %add3A_108 = arith.constant 18816 : i32
    %add3A_109 = arith.addi %add3A_107, %add3A_108 : i32
    %dma_start3A_110 = tpu.memref_slice %arg2[%add3A_109] : memref<1204224xi32, #tpu.memory_space<hbm>> -> memref<6272xi32, #tpu.memory_space<hbm>>
    %dma_start3A_111 = tpu.memref_slice %arg2[%add3A_109] : memref<1204224xi32, #tpu.memory_space<hbm>> -> memref<6272xi32, #tpu.memory_space<hbm>>
    tpu.enqueue_dma source(%dma_start3A_111 : memref<6272xi32, #tpu.memory_space<hbm>>) target(%arg5 : memref<6272xi32, #tpu.memory_space<vmem>>) target_semaphore(%arg11 : memref<!tpu.dma_semaphore, #tpu.memory_space<semaphore_mem>>)
    %scan3A_112 = arith.constant 0 : i32
    %scan3A_113 = arith.constant 0 : i32
    %scan3A_114 = arith.constant 392 : i32
    %scan3A_115 = arith.addi %scan3A_113, %scan3A_114 : i32
    %scan3A_116 = arith.constant 1 : i32
    %scan3A_117 = scf.for %scan3A_339 = %scan3A_113 to %scan3A_115 step %scan3A_116 iter_args(%scan3A_340 = %scan3A_112) -> (i32)  : i32 {
      %mul3A_341 = arith.constant 16 : i32
      %mul3A_342 = arith.muli %scan3A_339, %mul3A_341 : i32
      %get3A = arith.index_cast %mul3A_342 : i32 to index
      %get3A_343 = tpu.vector_load %arg4[%get3A] {strides = array<i32>} : memref<6272xi32, #tpu.memory_space<vmem>>, vector<16xi32>,
      %masked_sort3A = arith.constant dense<true> : vector<16xi1>
      %masked_sort3A_344 = arith.constant -2147483648 : i32
      %masked_sort3A_345 = vector.broadcast %masked_sort3A_344 : i32 to vector<16xi32>
      %masked_sort3A_346 = arith.xori %get3A_343, %masked_sort3A_345 : vector<16xi32>
      %masked_sort3A_347, %masked_sort3A_348, %masked_sort3A_349 = tpu.sort %masked_sort3A_346, %get3A_343 masked %masked_sort3A : (vector<16xi32>, vector<16xi32>, vector<16xi1>) -> (vector<16xi1>, vector<16xi32>, vector<16xi32>)
      %masked_sort3A_350 = arith.xori %masked_sort3A_348, %masked_sort3A_345 : vector<16xi32>
      %shift_right_arithmetic3A = arith.constant 6 : i32
      %shift_right_arithmetic3A_351 = vector.broadcast %shift_right_arithmetic3A : i32 to vector<16xi32>
      %shift_right_arithmetic3A_352 = arith.shrsi %masked_sort3A_350, %shift_right_arithmetic3A_351 : vector<16xi32>
      %sub3A_353 = arith.subi %shift_right_arithmetic3A_352, %add3A_54 : vector<16xi32>
      %and3A_354 = arith.constant 63 : i32
      %and3A_355 = vector.broadcast %and3A_354 : i32 to vector<16xi32>
      %and3A_356 = arith.andi %masked_sort3A_350, %and3A_355 : vector<16xi32>
      %broadcast_in_dim3A_357 = vector.shape_cast %max3A_59 : vector<16xi32> to vector<16x1xi32>
      %gather3A = vector.shape_cast %broadcast_in_dim3A_357 : vector<16x1xi32> to vector<16xi32>
      %gather3A_358 = tpu.dynamic_gather %sub3A_353[%gather3A] in [0] : vector<16xi32>, vector<16xi32> -> vector<16xi32>
      %ne3A_359 = arith.cmpi ne, %sub3A_353, %gather3A_358 : vector<16xi32>
      %eq3A = arith.constant 0 : i32
      %eq3A_360 = vector.broadcast %eq3A : i32 to vector<16xi32>
      %eq3A_361 = arith.cmpi eq, %iota3A, %eq3A_360 : vector<16xi32>
      %or3A = arith.ori %ne3A_359, %eq3A_361 : vector<16xi1>
      %gather3A_362 = tpu.vector_load_idx %arg6[%sub3A_353] : memref<29568xi32, #tpu.memory_space<vmem>>[vector<16xi32>], vector<16xi32>,
      %lt3A = arith.cmpi slt, %and3A_356, %gather3A_362 : vector<16xi32>
      %and3A_363 = arith.andi %or3A, %lt3A : vector<16xi1>
      tpu.vector_store_idx %arg6[%sub3A_353], %and3A_356 masked %and3A_363 : memref<29568xi32, #tpu.memory_space<vmem>>[vector<16xi32>], vector<16xi32>, vector<16xi1>
      %scan3A_364 = arith.constant 0 : i32
      scf.yield %scan3A_364 : i32
    }
    %scan3A_118 = arith.constant 392 : i32
    %dma_wait3A_119 = tpu.memref_slice %arg2[%add3A_109] : memref<1204224xi32, #tpu.memory_space<hbm>> -> memref<6272xi32, #tpu.memory_space<hbm>>
    %dma_wait3A_120 = tpu.memref_slice %arg2[%add3A_109] : memref<1204224xi32, #tpu.memory_space<hbm>> -> memref<6272xi32, #tpu.memory_space<hbm>>
    tpu.wait_dma2 semaphore(%arg11 : memref<!tpu.dma_semaphore, #tpu.memory_space<semaphore_mem>>) src(%dma_wait3A_120 : memref<6272xi32, #tpu.memory_space<hbm>>) dst(%arg5 : memref<6272xi32, #tpu.memory_space<vmem>>)
    %mul3A_121 = arith.constant 602112 : i32
    %mul3A_122 = arith.muli %arg0, %mul3A_121 : i32
    %mul3A_123 = arith.constant 37632 : i32
    %mul3A_124 = arith.muli %arg1, %mul3A_123 : i32
    %add3A_125 = arith.addi %mul3A_122, %mul3A_124 : i32
    %add3A_126 = arith.constant 25088 : i32
    %add3A_127 = arith.addi %add3A_125, %add3A_126 : i32
    %dma_start3A_128 = tpu.memref_slice %arg2[%add3A_127] : memref<1204224xi32, #tpu.memory_space<hbm>> -> memref<6272xi32, #tpu.memory_space<hbm>>
    %dma_start3A_129 = tpu.memref_slice %arg2[%add3A_127] : memref<1204224xi32, #tpu.memory_space<hbm>> -> memref<6272xi32, #tpu.memory_space<hbm>>
    tpu.enqueue_dma source(%dma_start3A_129 : memref<6272xi32, #tpu.memory_space<hbm>>) target(%arg4 : memref<6272xi32, #tpu.memory_space<vmem>>) target_semaphore(%arg10 : memref<!tpu.dma_semaphore, #tpu.memory_space<semaphore_mem>>)
    %scan3A_130 = arith.constant 0 : i32
    %scan3A_131 = arith.constant 0 : i32
    %scan3A_132 = arith.constant 392 : i32
    %scan3A_133 = arith.addi %scan3A_131, %scan3A_132 : i32
    %scan3A_134 = arith.constant 1 : i32
    %scan3A_135 = scf.for %scan3A_339 = %scan3A_131 to %scan3A_133 step %scan3A_134 iter_args(%scan3A_340 = %scan3A_130) -> (i32)  : i32 {
      %mul3A_341 = arith.constant 16 : i32
      %mul3A_342 = arith.muli %scan3A_339, %mul3A_341 : i32
      %get3A = arith.index_cast %mul3A_342 : i32 to index
      %get3A_343 = tpu.vector_load %arg5[%get3A] {strides = array<i32>} : memref<6272xi32, #tpu.memory_space<vmem>>, vector<16xi32>,
      %masked_sort3A = arith.constant dense<true> : vector<16xi1>
      %masked_sort3A_344 = arith.constant -2147483648 : i32
      %masked_sort3A_345 = vector.broadcast %masked_sort3A_344 : i32 to vector<16xi32>
      %masked_sort3A_346 = arith.xori %get3A_343, %masked_sort3A_345 : vector<16xi32>
      %masked_sort3A_347, %masked_sort3A_348, %masked_sort3A_349 = tpu.sort %masked_sort3A_346, %get3A_343 masked %masked_sort3A : (vector<16xi32>, vector<16xi32>, vector<16xi1>) -> (vector<16xi1>, vector<16xi32>, vector<16xi32>)
      %masked_sort3A_350 = arith.xori %masked_sort3A_348, %masked_sort3A_345 : vector<16xi32>
      %shift_right_arithmetic3A = arith.constant 6 : i32
      %shift_right_arithmetic3A_351 = vector.broadcast %shift_right_arithmetic3A : i32 to vector<16xi32>
      %shift_right_arithmetic3A_352 = arith.shrsi %masked_sort3A_350, %shift_right_arithmetic3A_351 : vector<16xi32>
      %sub3A_353 = arith.subi %shift_right_arithmetic3A_352, %add3A_54 : vector<16xi32>
      %and3A_354 = arith.constant 63 : i32
      %and3A_355 = vector.broadcast %and3A_354 : i32 to vector<16xi32>
      %and3A_356 = arith.andi %masked_sort3A_350, %and3A_355 : vector<16xi32>
      %broadcast_in_dim3A_357 = vector.shape_cast %max3A_59 : vector<16xi32> to vector<16x1xi32>
      %gather3A = vector.shape_cast %broadcast_in_dim3A_357 : vector<16x1xi32> to vector<16xi32>
      %gather3A_358 = tpu.dynamic_gather %sub3A_353[%gather3A] in [0] : vector<16xi32>, vector<16xi32> -> vector<16xi32>
      %ne3A_359 = arith.cmpi ne, %sub3A_353, %gather3A_358 : vector<16xi32>
      %eq3A = arith.constant 0 : i32
      %eq3A_360 = vector.broadcast %eq3A : i32 to vector<16xi32>
      %eq3A_361 = arith.cmpi eq, %iota3A, %eq3A_360 : vector<16xi32>
      %or3A = arith.ori %ne3A_359, %eq3A_361 : vector<16xi1>
      %gather3A_362 = tpu.vector_load_idx %arg6[%sub3A_353] : memref<29568xi32, #tpu.memory_space<vmem>>[vector<16xi32>], vector<16xi32>,
      %lt3A = arith.cmpi slt, %and3A_356, %gather3A_362 : vector<16xi32>
      %and3A_363 = arith.andi %or3A, %lt3A : vector<16xi1>
      tpu.vector_store_idx %arg6[%sub3A_353], %and3A_356 masked %and3A_363 : memref<29568xi32, #tpu.memory_space<vmem>>[vector<16xi32>], vector<16xi32>, vector<16xi1>
      %scan3A_364 = arith.constant 0 : i32
      scf.yield %scan3A_364 : i32
    }
    %scan3A_136 = arith.constant 392 : i32
    %dma_wait3A_137 = tpu.memref_slice %arg2[%add3A_127] : memref<1204224xi32, #tpu.memory_space<hbm>> -> memref<6272xi32, #tpu.memory_space<hbm>>
    %dma_wait3A_138 = tpu.memref_slice %arg2[%add3A_127] : memref<1204224xi32, #tpu.memory_space<hbm>> -> memref<6272xi32, #tpu.memory_space<hbm>>
    tpu.wait_dma2 semaphore(%arg10 : memref<!tpu.dma_semaphore, #tpu.memory_space<semaphore_mem>>) src(%dma_wait3A_138 : memref<6272xi32, #tpu.memory_space<hbm>>) dst(%arg4 : memref<6272xi32, #tpu.memory_space<vmem>>)
    %mul3A_139 = arith.constant 602112 : i32
    %mul3A_140 = arith.muli %arg0, %mul3A_139 : i32
    %mul3A_141 = arith.constant 37632 : i32
    %mul3A_142 = arith.muli %arg1, %mul3A_141 : i32
    %add3A_143 = arith.addi %mul3A_140, %mul3A_142 : i32
    %add3A_144 = arith.constant 31360 : i32
    %add3A_145 = arith.addi %add3A_143, %add3A_144 : i32
    %dma_start3A_146 = tpu.memref_slice %arg2[%add3A_145] : memref<1204224xi32, #tpu.memory_space<hbm>> -> memref<6272xi32, #tpu.memory_space<hbm>>
    %dma_start3A_147 = tpu.memref_slice %arg2[%add3A_145] : memref<1204224xi32, #tpu.memory_space<hbm>> -> memref<6272xi32, #tpu.memory_space<hbm>>
    tpu.enqueue_dma source(%dma_start3A_147 : memref<6272xi32, #tpu.memory_space<hbm>>) target(%arg5 : memref<6272xi32, #tpu.memory_space<vmem>>) target_semaphore(%arg11 : memref<!tpu.dma_semaphore, #tpu.memory_space<semaphore_mem>>)
    %scan3A_148 = arith.constant 0 : i32
    %scan3A_149 = arith.constant 0 : i32
    %scan3A_150 = arith.constant 392 : i32
    %scan3A_151 = arith.addi %scan3A_149, %scan3A_150 : i32
    %scan3A_152 = arith.constant 1 : i32
    %scan3A_153 = scf.for %scan3A_339 = %scan3A_149 to %scan3A_151 step %scan3A_152 iter_args(%scan3A_340 = %scan3A_148) -> (i32)  : i32 {
      %mul3A_341 = arith.constant 16 : i32
      %mul3A_342 = arith.muli %scan3A_339, %mul3A_341 : i32
      %get3A = arith.index_cast %mul3A_342 : i32 to index
      %get3A_343 = tpu.vector_load %arg4[%get3A] {strides = array<i32>} : memref<6272xi32, #tpu.memory_space<vmem>>, vector<16xi32>,
      %masked_sort3A = arith.constant dense<true> : vector<16xi1>
      %masked_sort3A_344 = arith.constant -2147483648 : i32
      %masked_sort3A_345 = vector.broadcast %masked_sort3A_344 : i32 to vector<16xi32>
      %masked_sort3A_346 = arith.xori %get3A_343, %masked_sort3A_345 : vector<16xi32>
      %masked_sort3A_347, %masked_sort3A_348, %masked_sort3A_349 = tpu.sort %masked_sort3A_346, %get3A_343 masked %masked_sort3A : (vector<16xi32>, vector<16xi32>, vector<16xi1>) -> (vector<16xi1>, vector<16xi32>, vector<16xi32>)
      %masked_sort3A_350 = arith.xori %masked_sort3A_348, %masked_sort3A_345 : vector<16xi32>
      %shift_right_arithmetic3A = arith.constant 6 : i32
      %shift_right_arithmetic3A_351 = vector.broadcast %shift_right_arithmetic3A : i32 to vector<16xi32>
      %shift_right_arithmetic3A_352 = arith.shrsi %masked_sort3A_350, %shift_right_arithmetic3A_351 : vector<16xi32>
      %sub3A_353 = arith.subi %shift_right_arithmetic3A_352, %add3A_54 : vector<16xi32>
      %and3A_354 = arith.constant 63 : i32
      %and3A_355 = vector.broadcast %and3A_354 : i32 to vector<16xi32>
      %and3A_356 = arith.andi %masked_sort3A_350, %and3A_355 : vector<16xi32>
      %broadcast_in_dim3A_357 = vector.shape_cast %max3A_59 : vector<16xi32> to vector<16x1xi32>
      %gather3A = vector.shape_cast %broadcast_in_dim3A_357 : vector<16x1xi32> to vector<16xi32>
      %gather3A_358 = tpu.dynamic_gather %sub3A_353[%gather3A] in [0] : vector<16xi32>, vector<16xi32> -> vector<16xi32>
      %ne3A_359 = arith.cmpi ne, %sub3A_353, %gather3A_358 : vector<16xi32>
      %eq3A = arith.constant 0 : i32
      %eq3A_360 = vector.broadcast %eq3A : i32 to vector<16xi32>
      %eq3A_361 = arith.cmpi eq, %iota3A, %eq3A_360 : vector<16xi32>
      %or3A = arith.ori %ne3A_359, %eq3A_361 : vector<16xi1>
      %gather3A_362 = tpu.vector_load_idx %arg6[%sub3A_353] : memref<29568xi32, #tpu.memory_space<vmem>>[vector<16xi32>], vector<16xi32>,
      %lt3A = arith.cmpi slt, %and3A_356, %gather3A_362 : vector<16xi32>
      %and3A_363 = arith.andi %or3A, %lt3A : vector<16xi1>
      tpu.vector_store_idx %arg6[%sub3A_353], %and3A_356 masked %and3A_363 : memref<29568xi32, #tpu.memory_space<vmem>>[vector<16xi32>], vector<16xi32>, vector<16xi1>
      %scan3A_364 = arith.constant 0 : i32
      scf.yield %scan3A_364 : i32
    }
    %scan3A_154 = arith.constant 392 : i32
    %dma_wait3A_155 = tpu.memref_slice %arg2[%add3A_145] : memref<1204224xi32, #tpu.memory_space<hbm>> -> memref<6272xi32, #tpu.memory_space<hbm>>
    %dma_wait3A_156 = tpu.memref_slice %arg2[%add3A_145] : memref<1204224xi32, #tpu.memory_space<hbm>> -> memref<6272xi32, #tpu.memory_space<hbm>>
    tpu.wait_dma2 semaphore(%arg11 : memref<!tpu.dma_semaphore, #tpu.memory_space<semaphore_mem>>) src(%dma_wait3A_156 : memref<6272xi32, #tpu.memory_space<hbm>>) dst(%arg5 : memref<6272xi32, #tpu.memory_space<vmem>>)
    %scan3A_157 = arith.constant 0 : i32
    %scan3A_158 = arith.constant 0 : i32
    %scan3A_159 = arith.constant 392 : i32
    %scan3A_160 = arith.addi %scan3A_158, %scan3A_159 : i32
    %scan3A_161 = arith.constant 1 : i32
    %scan3A_162 = scf.for %scan3A_339 = %scan3A_158 to %scan3A_160 step %scan3A_161 iter_args(%scan3A_340 = %scan3A_157) -> (i32)  : i32 {
      %mul3A_341 = arith.constant 16 : i32
      %mul3A_342 = arith.muli %scan3A_339, %mul3A_341 : i32
      %get3A = arith.index_cast %mul3A_342 : i32 to index
      %get3A_343 = tpu.vector_load %arg5[%get3A] {strides = array<i32>} : memref<6272xi32, #tpu.memory_space<vmem>>, vector<16xi32>,
      %masked_sort3A = arith.constant dense<true> : vector<16xi1>
      %masked_sort3A_344 = arith.constant -2147483648 : i32
      %masked_sort3A_345 = vector.broadcast %masked_sort3A_344 : i32 to vector<16xi32>
      %masked_sort3A_346 = arith.xori %get3A_343, %masked_sort3A_345 : vector<16xi32>
      %masked_sort3A_347, %masked_sort3A_348, %masked_sort3A_349 = tpu.sort %masked_sort3A_346, %get3A_343 masked %masked_sort3A : (vector<16xi32>, vector<16xi32>, vector<16xi1>) -> (vector<16xi1>, vector<16xi32>, vector<16xi32>)
      %masked_sort3A_350 = arith.xori %masked_sort3A_348, %masked_sort3A_345 : vector<16xi32>
      %shift_right_arithmetic3A = arith.constant 6 : i32
      %shift_right_arithmetic3A_351 = vector.broadcast %shift_right_arithmetic3A : i32 to vector<16xi32>
      %shift_right_arithmetic3A_352 = arith.shrsi %masked_sort3A_350, %shift_right_arithmetic3A_351 : vector<16xi32>
      %sub3A_353 = arith.subi %shift_right_arithmetic3A_352, %add3A_54 : vector<16xi32>
      %and3A_354 = arith.constant 63 : i32
      %and3A_355 = vector.broadcast %and3A_354 : i32 to vector<16xi32>
      %and3A_356 = arith.andi %masked_sort3A_350, %and3A_355 : vector<16xi32>
      %broadcast_in_dim3A_357 = vector.shape_cast %max3A_59 : vector<16xi32> to vector<16x1xi32>
      %gather3A = vector.shape_cast %broadcast_in_dim3A_357 : vector<16x1xi32> to vector<16xi32>
      %gather3A_358 = tpu.dynamic_gather %sub3A_353[%gather3A] in [0] : vector<16xi32>, vector<16xi32> -> vector<16xi32>
      %ne3A_359 = arith.cmpi ne, %sub3A_353, %gather3A_358 : vector<16xi32>
      %eq3A = arith.constant 0 : i32
      %eq3A_360 = vector.broadcast %eq3A : i32 to vector<16xi32>
      %eq3A_361 = arith.cmpi eq, %iota3A, %eq3A_360 : vector<16xi32>
      %or3A = arith.ori %ne3A_359, %eq3A_361 : vector<16xi1>
      %gather3A_362 = tpu.vector_load_idx %arg6[%sub3A_353] : memref<29568xi32, #tpu.memory_space<vmem>>[vector<16xi32>], vector<16xi32>,
      %lt3A = arith.cmpi slt, %and3A_356, %gather3A_362 : vector<16xi32>
      %and3A_363 = arith.andi %or3A, %lt3A : vector<16xi1>
      tpu.vector_store_idx %arg6[%sub3A_353], %and3A_356 masked %and3A_363 : memref<29568xi32, #tpu.memory_space<vmem>>[vector<16xi32>], vector<16xi32>, vector<16xi1>
      %scan3A_364 = arith.constant 0 : i32
      scf.yield %scan3A_364 : i32
    }
    %scan3A_163 = arith.constant 392 : i32
    "tpu.region"() ({
      %run_scoped3A = tpu.sem_alloc : memref<!tpu.dma_semaphore, #tpu.memory_space<semaphore_mem>>
      %dma_start3A_339 = arith.constant 0 : i32
      %dma_start3A_340 = tpu.memref_slice %arg12[%arg1, %dma_start3A_339] : memref<16x29568xi32, #tpu.memory_space<vmem_shared>> -> memref<1x29568xi32, #tpu.memory_space<vmem_shared>>
      %dma_start3A_341 = tpu.memref_squeeze %dma_start3A_340 : memref<1x29568xi32, #tpu.memory_space<vmem_shared>> -> memref<29568xi32, #tpu.memory_space<vmem_shared>>
      %dma_start3A_342 = arith.constant 0 : i32
      %dma_start3A_343 = tpu.memref_slice %arg12[%arg1, %dma_start3A_342] : memref<16x29568xi32, #tpu.memory_space<vmem_shared>> -> memref<1x29568xi32, #tpu.memory_space<vmem_shared>>
      %dma_start3A_344 = tpu.memref_squeeze %dma_start3A_343 : memref<1x29568xi32, #tpu.memory_space<vmem_shared>> -> memref<29568xi32, #tpu.memory_space<vmem_shared>>
      tpu.enqueue_dma source(%arg6 : memref<29568xi32, #tpu.memory_space<vmem>>) target(%dma_start3A_344 : memref<29568xi32, #tpu.memory_space<vmem_shared>>) target_semaphore(%run_scoped3A : memref<!tpu.dma_semaphore, #tpu.memory_space<semaphore_mem>>)
      %dma_wait3A_345 = arith.constant 0 : i32
      %dma_wait3A_346 = tpu.memref_slice %arg12[%arg1, %dma_wait3A_345] : memref<16x29568xi32, #tpu.memory_space<vmem_shared>> -> memref<1x29568xi32, #tpu.memory_space<vmem_shared>>
      %dma_wait3A_347 = tpu.memref_squeeze %dma_wait3A_346 : memref<1x29568xi32, #tpu.memory_space<vmem_shared>> -> memref<29568xi32, #tpu.memory_space<vmem_shared>>
      %dma_wait3A_348 = arith.constant 0 : i32
      %dma_wait3A_349 = tpu.memref_slice %arg12[%arg1, %dma_wait3A_348] : memref<16x29568xi32, #tpu.memory_space<vmem_shared>> -> memref<1x29568xi32, #tpu.memory_space<vmem_shared>>
      %dma_wait3A_350 = tpu.memref_squeeze %dma_wait3A_349 : memref<1x29568xi32, #tpu.memory_space<vmem_shared>> -> memref<29568xi32, #tpu.memory_space<vmem_shared>>
      tpu.wait_dma2 semaphore(%run_scoped3A : memref<!tpu.dma_semaphore, #tpu.memory_space<semaphore_mem>>) src(%arg6 : memref<29568xi32, #tpu.memory_space<vmem>>) dst(%dma_wait3A_350 : memref<29568xi32, #tpu.memory_space<vmem_shared>>)
      tpu.yield
    }) : () -> ()
    %barrier3A = arith.constant 0 : index
    tpu.barrier barrier_id(%barrier3A)
    %scan3A_164 = arith.constant 0 : i32
    %scan3A_165 = arith.constant 0 : i32
    %scan3A_166 = arith.constant 264 : i32
    %scan3A_167 = arith.addi %scan3A_165, %scan3A_166 : i32
    %scan3A_168 = arith.constant 1 : i32
    %scan3A_169 = scf.for %scan3A_339 = %scan3A_165 to %scan3A_167 step %scan3A_168 iter_args(%scan3A_340 = %scan3A_164) -> (i32)  : i32 {
      %mul3A_341 = arith.constant 16 : i32
      %mul3A_342 = arith.muli %scan3A_339, %mul3A_341 : i32
      %swap3A = arith.index_cast %mul3A_342 : i32 to index
      %swap3A_343 = tpu.vector_load %arg8[%swap3A] {strides = array<i32>} : memref<4224xi32, #tpu.memory_space<vmem>>, vector<16xi32>,
      tpu.vector_store %arg8[%swap3A], %broadcast_in_dim3A_0 {strides = array<i32>} : memref<4224xi32, #tpu.memory_space<vmem>>, vector<16xi32>,
      %scan3A_344 = arith.constant 0 : i32
      scf.yield %scan3A_344 : i32
    }
    %scan3A_170 = arith.constant 264 : i32
    %mul3A_171 = arith.constant 4224 : i32
    %mul3A_172 = arith.muli %arg1, %mul3A_171 : i32
    %ge3A = arith.constant 0 : i32
    %ge3A_173 = arith.cmpi sge, %mul3A_172, %ge3A : i32
    %add3A_174 = arith.constant 4224 : i32
    %add3A_175 = arith.addi %mul3A_172, %add3A_174 : i32
    %le3A = arith.constant 29568 : i32
    %le3A_176 = arith.cmpi sle, %add3A_175, %le3A : i32
    %and3A_177 = arith.andi %ge3A_173, %le3A_176 : i1
    %convert_element_type3A = arith.extui %and3A_177 : i1 to i32
    %cond3A = arith.constant 0 : i32
    %cond3A_178 = arith.cmpi ne, %convert_element_type3A, %cond3A : i32
    scf.if %cond3A_178 {
      %sub3A_339 = arith.constant 0 : i32
      %sub3A_340 = arith.subi %mul3A_172, %sub3A_339 : i32
      %run_scoped3A = arith.constant 0 : i32
      "tpu.region"() ({
        %run_scoped3A_348 = tpu.sem_alloc : memref<!tpu.dma_semaphore, #tpu.memory_space<semaphore_mem>>
        %dma_start3A_349 = tpu.memref_slice %arg12[%run_scoped3A, %sub3A_340] : memref<16x29568xi32, #tpu.memory_space<vmem_shared>> -> memref<1x4224xi32, #tpu.memory_space<vmem_shared>>
        %dma_start3A_350 = tpu.memref_squeeze %dma_start3A_349 : memref<1x4224xi32, #tpu.memory_space<vmem_shared>> -> memref<4224xi32, #tpu.memory_space<vmem_shared>>
        %dma_start3A_351 = tpu.memref_slice %arg12[%run_scoped3A, %sub3A_340] : memref<16x29568xi32, #tpu.memory_space<vmem_shared>> -> memref<1x4224xi32, #tpu.memory_space<vmem_shared>>
        %dma_start3A_352 = tpu.memref_squeeze %dma_start3A_351 : memref<1x4224xi32, #tpu.memory_space<vmem_shared>> -> memref<4224xi32, #tpu.memory_space<vmem_shared>>
        tpu.enqueue_dma source(%dma_start3A_352 : memref<4224xi32, #tpu.memory_space<vmem_shared>>) target(%arg7 : memref<4224xi32, #tpu.memory_space<vmem>>) target_semaphore(%run_scoped3A_348 : memref<!tpu.dma_semaphore, #tpu.memory_space<semaphore_mem>>)
        %dma_wait3A_353 = tpu.memref_slice %arg12[%run_scoped3A, %sub3A_340] : memref<16x29568xi32, #tpu.memory_space<vmem_shared>> -> memref<1x4224xi32, #tpu.memory_space<vmem_shared>>
        %dma_wait3A_354 = tpu.memref_squeeze %dma_wait3A_353 : memref<1x4224xi32, #tpu.memory_space<vmem_shared>> -> memref<4224xi32, #tpu.memory_space<vmem_shared>>
        %dma_wait3A_355 = tpu.memref_slice %arg12[%run_scoped3A, %sub3A_340] : memref<16x29568xi32, #tpu.memory_space<vmem_shared>> -> memref<1x4224xi32, #tpu.memory_space<vmem_shared>>
        %dma_wait3A_356 = tpu.memref_squeeze %dma_wait3A_355 : memref<1x4224xi32, #tpu.memory_space<vmem_shared>> -> memref<4224xi32, #tpu.memory_space<vmem_shared>>
        tpu.wait_dma2 semaphore(%run_scoped3A_348 : memref<!tpu.dma_semaphore, #tpu.memory_space<semaphore_mem>>) src(%dma_wait3A_356 : memref<4224xi32, #tpu.memory_space<vmem_shared>>) dst(%arg7 : memref<4224xi32, #tpu.memory_space<vmem>>)
        tpu.yield
      }) : () -> ()
      %scan3A_341 = arith.constant 0 : i32
      %scan3A_342 = arith.constant 0 : i32
      %scan3A_343 = arith.constant 264 : i32
      %scan3A_344 = arith.addi %scan3A_342, %scan3A_343 : i32
      %scan3A_345 = arith.constant 1 : i32
      %scan3A_346 = scf.for %scan3A_348 = %scan3A_342 to %scan3A_344 step %scan3A_345 iter_args(%scan3A_349 = %scan3A_341) -> (i32)  : i32 {
        %mul3A_350 = arith.constant 16 : i32
        %mul3A_351 = arith.muli %scan3A_348, %mul3A_350 : i32
        %get3A = arith.index_cast %mul3A_351 : i32 to index
        %get3A_352 = tpu.vector_load %arg8[%get3A] {strides = array<i32>} : memref<4224xi32, #tpu.memory_space<vmem>>, vector<16xi32>,
        %mul3A_353 = arith.constant 16 : i32
        %mul3A_354 = arith.muli %scan3A_348, %mul3A_353 : i32
        %get3A_355 = arith.index_cast %mul3A_354 : i32 to index
        %get3A_356 = tpu.vector_load %arg7[%get3A_355] {strides = array<i32>} : memref<4224xi32, #tpu.memory_space<vmem>>, vector<16xi32>,
        %min3A = arith.minsi %get3A_352, %get3A_356 : vector<16xi32>
        %mul3A_357 = arith.constant 16 : i32
        %mul3A_358 = arith.muli %scan3A_348, %mul3A_357 : i32
        %swap3A = arith.index_cast %mul3A_358 : i32 to index
        %swap3A_359 = tpu.vector_load %arg8[%swap3A] {strides = array<i32>} : memref<4224xi32, #tpu.memory_space<vmem>>, vector<16xi32>,
        tpu.vector_store %arg8[%swap3A], %min3A {strides = array<i32>} : memref<4224xi32, #tpu.memory_space<vmem>>, vector<16xi32>,
        %scan3A_360 = arith.constant 0 : i32
        scf.yield %scan3A_360 : i32
      }
      %scan3A_347 = arith.constant 264 : i32
    } else {
    }
    %ge3A_179 = arith.constant 0 : i32
    %ge3A_180 = arith.cmpi sge, %mul3A_172, %ge3A_179 : i32
    %add3A_181 = arith.constant 4224 : i32
    %add3A_182 = arith.addi %mul3A_172, %add3A_181 : i32
    %le3A_183 = arith.constant 29568 : i32
    %le3A_184 = arith.cmpi sle, %add3A_182, %le3A_183 : i32
    %and3A_185 = arith.andi %ge3A_180, %le3A_184 : i1
    %convert_element_type3A_186 = arith.extui %and3A_185 : i1 to i32
    %cond3A_187 = arith.constant 0 : i32
    %cond3A_188 = arith.cmpi ne, %convert_element_type3A_186, %cond3A_187 : i32
    scf.if %cond3A_188 {
      %sub3A_339 = arith.constant 0 : i32
      %sub3A_340 = arith.subi %mul3A_172, %sub3A_339 : i32
      %run_scoped3A = arith.constant 1 : i32
      "tpu.region"() ({
        %run_scoped3A_348 = tpu.sem_alloc : memref<!tpu.dma_semaphore, #tpu.memory_space<semaphore_mem>>
        %dma_start3A_349 = tpu.memref_slice %arg12[%run_scoped3A, %sub3A_340] : memref<16x29568xi32, #tpu.memory_space<vmem_shared>> -> memref<1x4224xi32, #tpu.memory_space<vmem_shared>>
        %dma_start3A_350 = tpu.memref_squeeze %dma_start3A_349 : memref<1x4224xi32, #tpu.memory_space<vmem_shared>> -> memref<4224xi32, #tpu.memory_space<vmem_shared>>
        %dma_start3A_351 = tpu.memref_slice %arg12[%run_scoped3A, %sub3A_340] : memref<16x29568xi32, #tpu.memory_space<vmem_shared>> -> memref<1x4224xi32, #tpu.memory_space<vmem_shared>>
        %dma_start3A_352 = tpu.memref_squeeze %dma_start3A_351 : memref<1x4224xi32, #tpu.memory_space<vmem_shared>> -> memref<4224xi32, #tpu.memory_space<vmem_shared>>
        tpu.enqueue_dma source(%dma_start3A_352 : memref<4224xi32, #tpu.memory_space<vmem_shared>>) target(%arg7 : memref<4224xi32, #tpu.memory_space<vmem>>) target_semaphore(%run_scoped3A_348 : memref<!tpu.dma_semaphore, #tpu.memory_space<semaphore_mem>>)
        %dma_wait3A_353 = tpu.memref_slice %arg12[%run_scoped3A, %sub3A_340] : memref<16x29568xi32, #tpu.memory_space<vmem_shared>> -> memref<1x4224xi32, #tpu.memory_space<vmem_shared>>
        %dma_wait3A_354 = tpu.memref_squeeze %dma_wait3A_353 : memref<1x4224xi32, #tpu.memory_space<vmem_shared>> -> memref<4224xi32, #tpu.memory_space<vmem_shared>>
        %dma_wait3A_355 = tpu.memref_slice %arg12[%run_scoped3A, %sub3A_340] : memref<16x29568xi32, #tpu.memory_space<vmem_shared>> -> memref<1x4224xi32, #tpu.memory_space<vmem_shared>>
        %dma_wait3A_356 = tpu.memref_squeeze %dma_wait3A_355 : memref<1x4224xi32, #tpu.memory_space<vmem_shared>> -> memref<4224xi32, #tpu.memory_space<vmem_shared>>
        tpu.wait_dma2 semaphore(%run_scoped3A_348 : memref<!tpu.dma_semaphore, #tpu.memory_space<semaphore_mem>>) src(%dma_wait3A_356 : memref<4224xi32, #tpu.memory_space<vmem_shared>>) dst(%arg7 : memref<4224xi32, #tpu.memory_space<vmem>>)
        tpu.yield
      }) : () -> ()
      %scan3A_341 = arith.constant 0 : i32
      %scan3A_342 = arith.constant 0 : i32
      %scan3A_343 = arith.constant 264 : i32
      %scan3A_344 = arith.addi %scan3A_342, %scan3A_343 : i32
      %scan3A_345 = arith.constant 1 : i32
      %scan3A_346 = scf.for %scan3A_348 = %scan3A_342 to %scan3A_344 step %scan3A_345 iter_args(%scan3A_349 = %scan3A_341) -> (i32)  : i32 {
        %mul3A_350 = arith.constant 16 : i32
        %mul3A_351 = arith.muli %scan3A_348, %mul3A_350 : i32
        %get3A = arith.index_cast %mul3A_351 : i32 to index
        %get3A_352 = tpu.vector_load %arg8[%get3A] {strides = array<i32>} : memref<4224xi32, #tpu.memory_space<vmem>>, vector<16xi32>,
        %mul3A_353 = arith.constant 16 : i32
        %mul3A_354 = arith.muli %scan3A_348, %mul3A_353 : i32
        %get3A_355 = arith.index_cast %mul3A_354 : i32 to index
        %get3A_356 = tpu.vector_load %arg7[%get3A_355] {strides = array<i32>} : memref<4224xi32, #tpu.memory_space<vmem>>, vector<16xi32>,
        %min3A = arith.minsi %get3A_352, %get3A_356 : vector<16xi32>
        %mul3A_357 = arith.constant 16 : i32
        %mul3A_358 = arith.muli %scan3A_348, %mul3A_357 : i32
        %swap3A = arith.index_cast %mul3A_358 : i32 to index
        %swap3A_359 = tpu.vector_load %arg8[%swap3A] {strides = array<i32>} : memref<4224xi32, #tpu.memory_space<vmem>>, vector<16xi32>,
        tpu.vector_store %arg8[%swap3A], %min3A {strides = array<i32>} : memref<4224xi32, #tpu.memory_space<vmem>>, vector<16xi32>,
        %scan3A_360 = arith.constant 0 : i32
        scf.yield %scan3A_360 : i32
      }
      %scan3A_347 = arith.constant 264 : i32
    } else {
    }
    %ge3A_189 = arith.constant 0 : i32
    %ge3A_190 = arith.cmpi sge, %mul3A_172, %ge3A_189 : i32
    %add3A_191 = arith.constant 4224 : i32
    %add3A_192 = arith.addi %mul3A_172, %add3A_191 : i32
    %le3A_193 = arith.constant 29568 : i32
    %le3A_194 = arith.cmpi sle, %add3A_192, %le3A_193 : i32
    %and3A_195 = arith.andi %ge3A_190, %le3A_194 : i1
    %convert_element_type3A_196 = arith.extui %and3A_195 : i1 to i32
    %cond3A_197 = arith.constant 0 : i32
    %cond3A_198 = arith.cmpi ne, %convert_element_type3A_196, %cond3A_197 : i32
    scf.if %cond3A_198 {
      %sub3A_339 = arith.constant 0 : i32
      %sub3A_340 = arith.subi %mul3A_172, %sub3A_339 : i32
      %run_scoped3A = arith.constant 2 : i32
      "tpu.region"() ({
        %run_scoped3A_348 = tpu.sem_alloc : memref<!tpu.dma_semaphore, #tpu.memory_space<semaphore_mem>>
        %dma_start3A_349 = tpu.memref_slice %arg12[%run_scoped3A, %sub3A_340] : memref<16x29568xi32, #tpu.memory_space<vmem_shared>> -> memref<1x4224xi32, #tpu.memory_space<vmem_shared>>
        %dma_start3A_350 = tpu.memref_squeeze %dma_start3A_349 : memref<1x4224xi32, #tpu.memory_space<vmem_shared>> -> memref<4224xi32, #tpu.memory_space<vmem_shared>>
        %dma_start3A_351 = tpu.memref_slice %arg12[%run_scoped3A, %sub3A_340] : memref<16x29568xi32, #tpu.memory_space<vmem_shared>> -> memref<1x4224xi32, #tpu.memory_space<vmem_shared>>
        %dma_start3A_352 = tpu.memref_squeeze %dma_start3A_351 : memref<1x4224xi32, #tpu.memory_space<vmem_shared>> -> memref<4224xi32, #tpu.memory_space<vmem_shared>>
        tpu.enqueue_dma source(%dma_start3A_352 : memref<4224xi32, #tpu.memory_space<vmem_shared>>) target(%arg7 : memref<4224xi32, #tpu.memory_space<vmem>>) target_semaphore(%run_scoped3A_348 : memref<!tpu.dma_semaphore, #tpu.memory_space<semaphore_mem>>)
        %dma_wait3A_353 = tpu.memref_slice %arg12[%run_scoped3A, %sub3A_340] : memref<16x29568xi32, #tpu.memory_space<vmem_shared>> -> memref<1x4224xi32, #tpu.memory_space<vmem_shared>>
        %dma_wait3A_354 = tpu.memref_squeeze %dma_wait3A_353 : memref<1x4224xi32, #tpu.memory_space<vmem_shared>> -> memref<4224xi32, #tpu.memory_space<vmem_shared>>
        %dma_wait3A_355 = tpu.memref_slice %arg12[%run_scoped3A, %sub3A_340] : memref<16x29568xi32, #tpu.memory_space<vmem_shared>> -> memref<1x4224xi32, #tpu.memory_space<vmem_shared>>
        %dma_wait3A_356 = tpu.memref_squeeze %dma_wait3A_355 : memref<1x4224xi32, #tpu.memory_space<vmem_shared>> -> memref<4224xi32, #tpu.memory_space<vmem_shared>>
        tpu.wait_dma2 semaphore(%run_scoped3A_348 : memref<!tpu.dma_semaphore, #tpu.memory_space<semaphore_mem>>) src(%dma_wait3A_356 : memref<4224xi32, #tpu.memory_space<vmem_shared>>) dst(%arg7 : memref<4224xi32, #tpu.memory_space<vmem>>)
        tpu.yield
      }) : () -> ()
      %scan3A_341 = arith.constant 0 : i32
      %scan3A_342 = arith.constant 0 : i32
      %scan3A_343 = arith.constant 264 : i32
      %scan3A_344 = arith.addi %scan3A_342, %scan3A_343 : i32
      %scan3A_345 = arith.constant 1 : i32
      %scan3A_346 = scf.for %scan3A_348 = %scan3A_342 to %scan3A_344 step %scan3A_345 iter_args(%scan3A_349 = %scan3A_341) -> (i32)  : i32 {
        %mul3A_350 = arith.constant 16 : i32
        %mul3A_351 = arith.muli %scan3A_348, %mul3A_350 : i32
        %get3A = arith.index_cast %mul3A_351 : i32 to index
        %get3A_352 = tpu.vector_load %arg8[%get3A] {strides = array<i32>} : memref<4224xi32, #tpu.memory_space<vmem>>, vector<16xi32>,
        %mul3A_353 = arith.constant 16 : i32
        %mul3A_354 = arith.muli %scan3A_348, %mul3A_353 : i32
        %get3A_355 = arith.index_cast %mul3A_354 : i32 to index
        %get3A_356 = tpu.vector_load %arg7[%get3A_355] {strides = array<i32>} : memref<4224xi32, #tpu.memory_space<vmem>>, vector<16xi32>,
        %min3A = arith.minsi %get3A_352, %get3A_356 : vector<16xi32>
        %mul3A_357 = arith.constant 16 : i32
        %mul3A_358 = arith.muli %scan3A_348, %mul3A_357 : i32
        %swap3A = arith.index_cast %mul3A_358 : i32 to index
        %swap3A_359 = tpu.vector_load %arg8[%swap3A] {strides = array<i32>} : memref<4224xi32, #tpu.memory_space<vmem>>, vector<16xi32>,
        tpu.vector_store %arg8[%swap3A], %min3A {strides = array<i32>} : memref<4224xi32, #tpu.memory_space<vmem>>, vector<16xi32>,
        %scan3A_360 = arith.constant 0 : i32
        scf.yield %scan3A_360 : i32
      }
      %scan3A_347 = arith.constant 264 : i32
    } else {
    }
    %ge3A_199 = arith.constant 8448 : i32
    %ge3A_200 = arith.cmpi sge, %mul3A_172, %ge3A_199 : i32
    %add3A_201 = arith.constant 4224 : i32
    %add3A_202 = arith.addi %mul3A_172, %add3A_201 : i32
    %le3A_203 = arith.constant 38016 : i32
    %le3A_204 = arith.cmpi sle, %add3A_202, %le3A_203 : i32
    %and3A_205 = arith.andi %ge3A_200, %le3A_204 : i1
    %convert_element_type3A_206 = arith.extui %and3A_205 : i1 to i32
    %cond3A_207 = arith.constant 0 : i32
    %cond3A_208 = arith.cmpi ne, %convert_element_type3A_206, %cond3A_207 : i32
    scf.if %cond3A_208 {
      %sub3A_339 = arith.constant 8448 : i32
      %sub3A_340 = arith.subi %mul3A_172, %sub3A_339 : i32
      %run_scoped3A = arith.constant 3 : i32
      "tpu.region"() ({
        %run_scoped3A_348 = tpu.sem_alloc : memref<!tpu.dma_semaphore, #tpu.memory_space<semaphore_mem>>
        %dma_start3A_349 = tpu.memref_slice %arg12[%run_scoped3A, %sub3A_340] : memref<16x29568xi32, #tpu.memory_space<vmem_shared>> -> memref<1x4224xi32, #tpu.memory_space<vmem_shared>>
        %dma_start3A_350 = tpu.memref_squeeze %dma_start3A_349 : memref<1x4224xi32, #tpu.memory_space<vmem_shared>> -> memref<4224xi32, #tpu.memory_space<vmem_shared>>
        %dma_start3A_351 = tpu.memref_slice %arg12[%run_scoped3A, %sub3A_340] : memref<16x29568xi32, #tpu.memory_space<vmem_shared>> -> memref<1x4224xi32, #tpu.memory_space<vmem_shared>>
        %dma_start3A_352 = tpu.memref_squeeze %dma_start3A_351 : memref<1x4224xi32, #tpu.memory_space<vmem_shared>> -> memref<4224xi32, #tpu.memory_space<vmem_shared>>
        tpu.enqueue_dma source(%dma_start3A_352 : memref<4224xi32, #tpu.memory_space<vmem_shared>>) target(%arg7 : memref<4224xi32, #tpu.memory_space<vmem>>) target_semaphore(%run_scoped3A_348 : memref<!tpu.dma_semaphore, #tpu.memory_space<semaphore_mem>>)
        %dma_wait3A_353 = tpu.memref_slice %arg12[%run_scoped3A, %sub3A_340] : memref<16x29568xi32, #tpu.memory_space<vmem_shared>> -> memref<1x4224xi32, #tpu.memory_space<vmem_shared>>
        %dma_wait3A_354 = tpu.memref_squeeze %dma_wait3A_353 : memref<1x4224xi32, #tpu.memory_space<vmem_shared>> -> memref<4224xi32, #tpu.memory_space<vmem_shared>>
        %dma_wait3A_355 = tpu.memref_slice %arg12[%run_scoped3A, %sub3A_340] : memref<16x29568xi32, #tpu.memory_space<vmem_shared>> -> memref<1x4224xi32, #tpu.memory_space<vmem_shared>>
        %dma_wait3A_356 = tpu.memref_squeeze %dma_wait3A_355 : memref<1x4224xi32, #tpu.memory_space<vmem_shared>> -> memref<4224xi32, #tpu.memory_space<vmem_shared>>
        tpu.wait_dma2 semaphore(%run_scoped3A_348 : memref<!tpu.dma_semaphore, #tpu.memory_space<semaphore_mem>>) src(%dma_wait3A_356 : memref<4224xi32, #tpu.memory_space<vmem_shared>>) dst(%arg7 : memref<4224xi32, #tpu.memory_space<vmem>>)
        tpu.yield
      }) : () -> ()
      %scan3A_341 = arith.constant 0 : i32
      %scan3A_342 = arith.constant 0 : i32
      %scan3A_343 = arith.constant 264 : i32
      %scan3A_344 = arith.addi %scan3A_342, %scan3A_343 : i32
      %scan3A_345 = arith.constant 1 : i32
      %scan3A_346 = scf.for %scan3A_348 = %scan3A_342 to %scan3A_344 step %scan3A_345 iter_args(%scan3A_349 = %scan3A_341) -> (i32)  : i32 {
        %mul3A_350 = arith.constant 16 : i32
        %mul3A_351 = arith.muli %scan3A_348, %mul3A_350 : i32
        %get3A = arith.index_cast %mul3A_351 : i32 to index
        %get3A_352 = tpu.vector_load %arg8[%get3A] {strides = array<i32>} : memref<4224xi32, #tpu.memory_space<vmem>>, vector<16xi32>,
        %mul3A_353 = arith.constant 16 : i32
        %mul3A_354 = arith.muli %scan3A_348, %mul3A_353 : i32
        %get3A_355 = arith.index_cast %mul3A_354 : i32 to index
        %get3A_356 = tpu.vector_load %arg7[%get3A_355] {strides = array<i32>} : memref<4224xi32, #tpu.memory_space<vmem>>, vector<16xi32>,
        %min3A = arith.minsi %get3A_352, %get3A_356 : vector<16xi32>
        %mul3A_357 = arith.constant 16 : i32
        %mul3A_358 = arith.muli %scan3A_348, %mul3A_357 : i32
        %swap3A = arith.index_cast %mul3A_358 : i32 to index
        %swap3A_359 = tpu.vector_load %arg8[%swap3A] {strides = array<i32>} : memref<4224xi32, #tpu.memory_space<vmem>>, vector<16xi32>,
        tpu.vector_store %arg8[%swap3A], %min3A {strides = array<i32>} : memref<4224xi32, #tpu.memory_space<vmem>>, vector<16xi32>,
        %scan3A_360 = arith.constant 0 : i32
        scf.yield %scan3A_360 : i32
      }
      %scan3A_347 = arith.constant 264 : i32
    } else {
    }
    %ge3A_209 = arith.constant 8448 : i32
    %ge3A_210 = arith.cmpi sge, %mul3A_172, %ge3A_209 : i32
    %add3A_211 = arith.constant 4224 : i32
    %add3A_212 = arith.addi %mul3A_172, %add3A_211 : i32
    %le3A_213 = arith.constant 38016 : i32
    %le3A_214 = arith.cmpi sle, %add3A_212, %le3A_213 : i32
    %and3A_215 = arith.andi %ge3A_210, %le3A_214 : i1
    %convert_element_type3A_216 = arith.extui %and3A_215 : i1 to i32
    %cond3A_217 = arith.constant 0 : i32
    %cond3A_218 = arith.cmpi ne, %convert_element_type3A_216, %cond3A_217 : i32
    scf.if %cond3A_218 {
      %sub3A_339 = arith.constant 8448 : i32
      %sub3A_340 = arith.subi %mul3A_172, %sub3A_339 : i32
      %run_scoped3A = arith.constant 4 : i32
      "tpu.region"() ({
        %run_scoped3A_348 = tpu.sem_alloc : memref<!tpu.dma_semaphore, #tpu.memory_space<semaphore_mem>>
        %dma_start3A_349 = tpu.memref_slice %arg12[%run_scoped3A, %sub3A_340] : memref<16x29568xi32, #tpu.memory_space<vmem_shared>> -> memref<1x4224xi32, #tpu.memory_space<vmem_shared>>
        %dma_start3A_350 = tpu.memref_squeeze %dma_start3A_349 : memref<1x4224xi32, #tpu.memory_space<vmem_shared>> -> memref<4224xi32, #tpu.memory_space<vmem_shared>>
        %dma_start3A_351 = tpu.memref_slice %arg12[%run_scoped3A, %sub3A_340] : memref<16x29568xi32, #tpu.memory_space<vmem_shared>> -> memref<1x4224xi32, #tpu.memory_space<vmem_shared>>
        %dma_start3A_352 = tpu.memref_squeeze %dma_start3A_351 : memref<1x4224xi32, #tpu.memory_space<vmem_shared>> -> memref<4224xi32, #tpu.memory_space<vmem_shared>>
        tpu.enqueue_dma source(%dma_start3A_352 : memref<4224xi32, #tpu.memory_space<vmem_shared>>) target(%arg7 : memref<4224xi32, #tpu.memory_space<vmem>>) target_semaphore(%run_scoped3A_348 : memref<!tpu.dma_semaphore, #tpu.memory_space<semaphore_mem>>)
        %dma_wait3A_353 = tpu.memref_slice %arg12[%run_scoped3A, %sub3A_340] : memref<16x29568xi32, #tpu.memory_space<vmem_shared>> -> memref<1x4224xi32, #tpu.memory_space<vmem_shared>>
        %dma_wait3A_354 = tpu.memref_squeeze %dma_wait3A_353 : memref<1x4224xi32, #tpu.memory_space<vmem_shared>> -> memref<4224xi32, #tpu.memory_space<vmem_shared>>
        %dma_wait3A_355 = tpu.memref_slice %arg12[%run_scoped3A, %sub3A_340] : memref<16x29568xi32, #tpu.memory_space<vmem_shared>> -> memref<1x4224xi32, #tpu.memory_space<vmem_shared>>
        %dma_wait3A_356 = tpu.memref_squeeze %dma_wait3A_355 : memref<1x4224xi32, #tpu.memory_space<vmem_shared>> -> memref<4224xi32, #tpu.memory_space<vmem_shared>>
        tpu.wait_dma2 semaphore(%run_scoped3A_348 : memref<!tpu.dma_semaphore, #tpu.memory_space<semaphore_mem>>) src(%dma_wait3A_356 : memref<4224xi32, #tpu.memory_space<vmem_shared>>) dst(%arg7 : memref<4224xi32, #tpu.memory_space<vmem>>)
        tpu.yield
      }) : () -> ()
      %scan3A_341 = arith.constant 0 : i32
      %scan3A_342 = arith.constant 0 : i32
      %scan3A_343 = arith.constant 264 : i32
      %scan3A_344 = arith.addi %scan3A_342, %scan3A_343 : i32
      %scan3A_345 = arith.constant 1 : i32
      %scan3A_346 = scf.for %scan3A_348 = %scan3A_342 to %scan3A_344 step %scan3A_345 iter_args(%scan3A_349 = %scan3A_341) -> (i32)  : i32 {
        %mul3A_350 = arith.constant 16 : i32
        %mul3A_351 = arith.muli %scan3A_348, %mul3A_350 : i32
        %get3A = arith.index_cast %mul3A_351 : i32 to index
        %get3A_352 = tpu.vector_load %arg8[%get3A] {strides = array<i32>} : memref<4224xi32, #tpu.memory_space<vmem>>, vector<16xi32>,
        %mul3A_353 = arith.constant 16 : i32
        %mul3A_354 = arith.muli %scan3A_348, %mul3A_353 : i32
        %get3A_355 = arith.index_cast %mul3A_354 : i32 to index
        %get3A_356 = tpu.vector_load %arg7[%get3A_355] {strides = array<i32>} : memref<4224xi32, #tpu.memory_space<vmem>>, vector<16xi32>,
        %min3A = arith.minsi %get3A_352, %get3A_356 : vector<16xi32>
        %mul3A_357 = arith.constant 16 : i32
        %mul3A_358 = arith.muli %scan3A_348, %mul3A_357 : i32
        %swap3A = arith.index_cast %mul3A_358 : i32 to index
        %swap3A_359 = tpu.vector_load %arg8[%swap3A] {strides = array<i32>} : memref<4224xi32, #tpu.memory_space<vmem>>, vector<16xi32>,
        tpu.vector_store %arg8[%swap3A], %min3A {strides = array<i32>} : memref<4224xi32, #tpu.memory_space<vmem>>, vector<16xi32>,
        %scan3A_360 = arith.constant 0 : i32
        scf.yield %scan3A_360 : i32
      }
      %scan3A_347 = arith.constant 264 : i32
    } else {
    }
    %ge3A_219 = arith.constant 8448 : i32
    %ge3A_220 = arith.cmpi sge, %mul3A_172, %ge3A_219 : i32
    %add3A_221 = arith.constant 4224 : i32
    %add3A_222 = arith.addi %mul3A_172, %add3A_221 : i32
    %le3A_223 = arith.constant 38016 : i32
    %le3A_224 = arith.cmpi sle, %add3A_222, %le3A_223 : i32
    %and3A_225 = arith.andi %ge3A_220, %le3A_224 : i1
    %convert_element_type3A_226 = arith.extui %and3A_225 : i1 to i32
    %cond3A_227 = arith.constant 0 : i32
    %cond3A_228 = arith.cmpi ne, %convert_element_type3A_226, %cond3A_227 : i32
    scf.if %cond3A_228 {
      %sub3A_339 = arith.constant 8448 : i32
      %sub3A_340 = arith.subi %mul3A_172, %sub3A_339 : i32
      %run_scoped3A = arith.constant 5 : i32
      "tpu.region"() ({
        %run_scoped3A_348 = tpu.sem_alloc : memref<!tpu.dma_semaphore, #tpu.memory_space<semaphore_mem>>
        %dma_start3A_349 = tpu.memref_slice %arg12[%run_scoped3A, %sub3A_340] : memref<16x29568xi32, #tpu.memory_space<vmem_shared>> -> memref<1x4224xi32, #tpu.memory_space<vmem_shared>>
        %dma_start3A_350 = tpu.memref_squeeze %dma_start3A_349 : memref<1x4224xi32, #tpu.memory_space<vmem_shared>> -> memref<4224xi32, #tpu.memory_space<vmem_shared>>
        %dma_start3A_351 = tpu.memref_slice %arg12[%run_scoped3A, %sub3A_340] : memref<16x29568xi32, #tpu.memory_space<vmem_shared>> -> memref<1x4224xi32, #tpu.memory_space<vmem_shared>>
        %dma_start3A_352 = tpu.memref_squeeze %dma_start3A_351 : memref<1x4224xi32, #tpu.memory_space<vmem_shared>> -> memref<4224xi32, #tpu.memory_space<vmem_shared>>
        tpu.enqueue_dma source(%dma_start3A_352 : memref<4224xi32, #tpu.memory_space<vmem_shared>>) target(%arg7 : memref<4224xi32, #tpu.memory_space<vmem>>) target_semaphore(%run_scoped3A_348 : memref<!tpu.dma_semaphore, #tpu.memory_space<semaphore_mem>>)
        %dma_wait3A_353 = tpu.memref_slice %arg12[%run_scoped3A, %sub3A_340] : memref<16x29568xi32, #tpu.memory_space<vmem_shared>> -> memref<1x4224xi32, #tpu.memory_space<vmem_shared>>
        %dma_wait3A_354 = tpu.memref_squeeze %dma_wait3A_353 : memref<1x4224xi32, #tpu.memory_space<vmem_shared>> -> memref<4224xi32, #tpu.memory_space<vmem_shared>>
        %dma_wait3A_355 = tpu.memref_slice %arg12[%run_scoped3A, %sub3A_340] : memref<16x29568xi32, #tpu.memory_space<vmem_shared>> -> memref<1x4224xi32, #tpu.memory_space<vmem_shared>>
        %dma_wait3A_356 = tpu.memref_squeeze %dma_wait3A_355 : memref<1x4224xi32, #tpu.memory_space<vmem_shared>> -> memref<4224xi32, #tpu.memory_space<vmem_shared>>
        tpu.wait_dma2 semaphore(%run_scoped3A_348 : memref<!tpu.dma_semaphore, #tpu.memory_space<semaphore_mem>>) src(%dma_wait3A_356 : memref<4224xi32, #tpu.memory_space<vmem_shared>>) dst(%arg7 : memref<4224xi32, #tpu.memory_space<vmem>>)
        tpu.yield
      }) : () -> ()
      %scan3A_341 = arith.constant 0 : i32
      %scan3A_342 = arith.constant 0 : i32
      %scan3A_343 = arith.constant 264 : i32
      %scan3A_344 = arith.addi %scan3A_342, %scan3A_343 : i32
      %scan3A_345 = arith.constant 1 : i32
      %scan3A_346 = scf.for %scan3A_348 = %scan3A_342 to %scan3A_344 step %scan3A_345 iter_args(%scan3A_349 = %scan3A_341) -> (i32)  : i32 {
        %mul3A_350 = arith.constant 16 : i32
        %mul3A_351 = arith.muli %scan3A_348, %mul3A_350 : i32
        %get3A = arith.index_cast %mul3A_351 : i32 to index
        %get3A_352 = tpu.vector_load %arg8[%get3A] {strides = array<i32>} : memref<4224xi32, #tpu.memory_space<vmem>>, vector<16xi32>,
        %mul3A_353 = arith.constant 16 : i32
        %mul3A_354 = arith.muli %scan3A_348, %mul3A_353 : i32
        %get3A_355 = arith.index_cast %mul3A_354 : i32 to index
        %get3A_356 = tpu.vector_load %arg7[%get3A_355] {strides = array<i32>} : memref<4224xi32, #tpu.memory_space<vmem>>, vector<16xi32>,
        %min3A = arith.minsi %get3A_352, %get3A_356 : vector<16xi32>
        %mul3A_357 = arith.constant 16 : i32
        %mul3A_358 = arith.muli %scan3A_348, %mul3A_357 : i32
        %swap3A = arith.index_cast %mul3A_358 : i32 to index
        %swap3A_359 = tpu.vector_load %arg8[%swap3A] {strides = array<i32>} : memref<4224xi32, #tpu.memory_space<vmem>>, vector<16xi32>,
        tpu.vector_store %arg8[%swap3A], %min3A {strides = array<i32>} : memref<4224xi32, #tpu.memory_space<vmem>>, vector<16xi32>,
        %scan3A_360 = arith.constant 0 : i32
        scf.yield %scan3A_360 : i32
      }
      %scan3A_347 = arith.constant 264 : i32
    } else {
    }
    %ge3A_229 = arith.constant 21120 : i32
    %ge3A_230 = arith.cmpi sge, %mul3A_172, %ge3A_229 : i32
    %add3A_231 = arith.constant 4224 : i32
    %add3A_232 = arith.addi %mul3A_172, %add3A_231 : i32
    %le3A_233 = arith.constant 50688 : i32
    %le3A_234 = arith.cmpi sle, %add3A_232, %le3A_233 : i32
    %and3A_235 = arith.andi %ge3A_230, %le3A_234 : i1
    %convert_element_type3A_236 = arith.extui %and3A_235 : i1 to i32
    %cond3A_237 = arith.constant 0 : i32
    %cond3A_238 = arith.cmpi ne, %convert_element_type3A_236, %cond3A_237 : i32
    scf.if %cond3A_238 {
      %sub3A_339 = arith.constant 21120 : i32
      %sub3A_340 = arith.subi %mul3A_172, %sub3A_339 : i32
      %run_scoped3A = arith.constant 6 : i32
      "tpu.region"() ({
        %run_scoped3A_348 = tpu.sem_alloc : memref<!tpu.dma_semaphore, #tpu.memory_space<semaphore_mem>>
        %dma_start3A_349 = tpu.memref_slice %arg12[%run_scoped3A, %sub3A_340] : memref<16x29568xi32, #tpu.memory_space<vmem_shared>> -> memref<1x4224xi32, #tpu.memory_space<vmem_shared>>
        %dma_start3A_350 = tpu.memref_squeeze %dma_start3A_349 : memref<1x4224xi32, #tpu.memory_space<vmem_shared>> -> memref<4224xi32, #tpu.memory_space<vmem_shared>>
        %dma_start3A_351 = tpu.memref_slice %arg12[%run_scoped3A, %sub3A_340] : memref<16x29568xi32, #tpu.memory_space<vmem_shared>> -> memref<1x4224xi32, #tpu.memory_space<vmem_shared>>
        %dma_start3A_352 = tpu.memref_squeeze %dma_start3A_351 : memref<1x4224xi32, #tpu.memory_space<vmem_shared>> -> memref<4224xi32, #tpu.memory_space<vmem_shared>>
        tpu.enqueue_dma source(%dma_start3A_352 : memref<4224xi32, #tpu.memory_space<vmem_shared>>) target(%arg7 : memref<4224xi32, #tpu.memory_space<vmem>>) target_semaphore(%run_scoped3A_348 : memref<!tpu.dma_semaphore, #tpu.memory_space<semaphore_mem>>)
        %dma_wait3A_353 = tpu.memref_slice %arg12[%run_scoped3A, %sub3A_340] : memref<16x29568xi32, #tpu.memory_space<vmem_shared>> -> memref<1x4224xi32, #tpu.memory_space<vmem_shared>>
        %dma_wait3A_354 = tpu.memref_squeeze %dma_wait3A_353 : memref<1x4224xi32, #tpu.memory_space<vmem_shared>> -> memref<4224xi32, #tpu.memory_space<vmem_shared>>
        %dma_wait3A_355 = tpu.memref_slice %arg12[%run_scoped3A, %sub3A_340] : memref<16x29568xi32, #tpu.memory_space<vmem_shared>> -> memref<1x4224xi32, #tpu.memory_space<vmem_shared>>
        %dma_wait3A_356 = tpu.memref_squeeze %dma_wait3A_355 : memref<1x4224xi32, #tpu.memory_space<vmem_shared>> -> memref<4224xi32, #tpu.memory_space<vmem_shared>>
        tpu.wait_dma2 semaphore(%run_scoped3A_348 : memref<!tpu.dma_semaphore, #tpu.memory_space<semaphore_mem>>) src(%dma_wait3A_356 : memref<4224xi32, #tpu.memory_space<vmem_shared>>) dst(%arg7 : memref<4224xi32, #tpu.memory_space<vmem>>)
        tpu.yield
      }) : () -> ()
      %scan3A_341 = arith.constant 0 : i32
      %scan3A_342 = arith.constant 0 : i32
      %scan3A_343 = arith.constant 264 : i32
      %scan3A_344 = arith.addi %scan3A_342, %scan3A_343 : i32
      %scan3A_345 = arith.constant 1 : i32
      %scan3A_346 = scf.for %scan3A_348 = %scan3A_342 to %scan3A_344 step %scan3A_345 iter_args(%scan3A_349 = %scan3A_341) -> (i32)  : i32 {
        %mul3A_350 = arith.constant 16 : i32
        %mul3A_351 = arith.muli %scan3A_348, %mul3A_350 : i32
        %get3A = arith.index_cast %mul3A_351 : i32 to index
        %get3A_352 = tpu.vector_load %arg8[%get3A] {strides = array<i32>} : memref<4224xi32, #tpu.memory_space<vmem>>, vector<16xi32>,
        %mul3A_353 = arith.constant 16 : i32
        %mul3A_354 = arith.muli %scan3A_348, %mul3A_353 : i32
        %get3A_355 = arith.index_cast %mul3A_354 : i32 to index
        %get3A_356 = tpu.vector_load %arg7[%get3A_355] {strides = array<i32>} : memref<4224xi32, #tpu.memory_space<vmem>>, vector<16xi32>,
        %min3A = arith.minsi %get3A_352, %get3A_356 : vector<16xi32>
        %mul3A_357 = arith.constant 16 : i32
        %mul3A_358 = arith.muli %scan3A_348, %mul3A_357 : i32
        %swap3A = arith.index_cast %mul3A_358 : i32 to index
        %swap3A_359 = tpu.vector_load %arg8[%swap3A] {strides = array<i32>} : memref<4224xi32, #tpu.memory_space<vmem>>, vector<16xi32>,
        tpu.vector_store %arg8[%swap3A], %min3A {strides = array<i32>} : memref<4224xi32, #tpu.memory_space<vmem>>, vector<16xi32>,
        %scan3A_360 = arith.constant 0 : i32
        scf.yield %scan3A_360 : i32
      }
      %scan3A_347 = arith.constant 264 : i32
    } else {
    }
    %ge3A_239 = arith.constant 21120 : i32
    %ge3A_240 = arith.cmpi sge, %mul3A_172, %ge3A_239 : i32
    %add3A_241 = arith.constant 4224 : i32
    %add3A_242 = arith.addi %mul3A_172, %add3A_241 : i32
    %le3A_243 = arith.constant 50688 : i32
    %le3A_244 = arith.cmpi sle, %add3A_242, %le3A_243 : i32
    %and3A_245 = arith.andi %ge3A_240, %le3A_244 : i1
    %convert_element_type3A_246 = arith.extui %and3A_245 : i1 to i32
    %cond3A_247 = arith.constant 0 : i32
    %cond3A_248 = arith.cmpi ne, %convert_element_type3A_246, %cond3A_247 : i32
    scf.if %cond3A_248 {
      %sub3A_339 = arith.constant 21120 : i32
      %sub3A_340 = arith.subi %mul3A_172, %sub3A_339 : i32
      %run_scoped3A = arith.constant 7 : i32
      "tpu.region"() ({
        %run_scoped3A_348 = tpu.sem_alloc : memref<!tpu.dma_semaphore, #tpu.memory_space<semaphore_mem>>
        %dma_start3A_349 = tpu.memref_slice %arg12[%run_scoped3A, %sub3A_340] : memref<16x29568xi32, #tpu.memory_space<vmem_shared>> -> memref<1x4224xi32, #tpu.memory_space<vmem_shared>>
        %dma_start3A_350 = tpu.memref_squeeze %dma_start3A_349 : memref<1x4224xi32, #tpu.memory_space<vmem_shared>> -> memref<4224xi32, #tpu.memory_space<vmem_shared>>
        %dma_start3A_351 = tpu.memref_slice %arg12[%run_scoped3A, %sub3A_340] : memref<16x29568xi32, #tpu.memory_space<vmem_shared>> -> memref<1x4224xi32, #tpu.memory_space<vmem_shared>>
        %dma_start3A_352 = tpu.memref_squeeze %dma_start3A_351 : memref<1x4224xi32, #tpu.memory_space<vmem_shared>> -> memref<4224xi32, #tpu.memory_space<vmem_shared>>
        tpu.enqueue_dma source(%dma_start3A_352 : memref<4224xi32, #tpu.memory_space<vmem_shared>>) target(%arg7 : memref<4224xi32, #tpu.memory_space<vmem>>) target_semaphore(%run_scoped3A_348 : memref<!tpu.dma_semaphore, #tpu.memory_space<semaphore_mem>>)
        %dma_wait3A_353 = tpu.memref_slice %arg12[%run_scoped3A, %sub3A_340] : memref<16x29568xi32, #tpu.memory_space<vmem_shared>> -> memref<1x4224xi32, #tpu.memory_space<vmem_shared>>
        %dma_wait3A_354 = tpu.memref_squeeze %dma_wait3A_353 : memref<1x4224xi32, #tpu.memory_space<vmem_shared>> -> memref<4224xi32, #tpu.memory_space<vmem_shared>>
        %dma_wait3A_355 = tpu.memref_slice %arg12[%run_scoped3A, %sub3A_340] : memref<16x29568xi32, #tpu.memory_space<vmem_shared>> -> memref<1x4224xi32, #tpu.memory_space<vmem_shared>>
        %dma_wait3A_356 = tpu.memref_squeeze %dma_wait3A_355 : memref<1x4224xi32, #tpu.memory_space<vmem_shared>> -> memref<4224xi32, #tpu.memory_space<vmem_shared>>
        tpu.wait_dma2 semaphore(%run_scoped3A_348 : memref<!tpu.dma_semaphore, #tpu.memory_space<semaphore_mem>>) src(%dma_wait3A_356 : memref<4224xi32, #tpu.memory_space<vmem_shared>>) dst(%arg7 : memref<4224xi32, #tpu.memory_space<vmem>>)
        tpu.yield
      }) : () -> ()
      %scan3A_341 = arith.constant 0 : i32
      %scan3A_342 = arith.constant 0 : i32
      %scan3A_343 = arith.constant 264 : i32
      %scan3A_344 = arith.addi %scan3A_342, %scan3A_343 : i32
      %scan3A_345 = arith.constant 1 : i32
      %scan3A_346 = scf.for %scan3A_348 = %scan3A_342 to %scan3A_344 step %scan3A_345 iter_args(%scan3A_349 = %scan3A_341) -> (i32)  : i32 {
        %mul3A_350 = arith.constant 16 : i32
        %mul3A_351 = arith.muli %scan3A_348, %mul3A_350 : i32
        %get3A = arith.index_cast %mul3A_351 : i32 to index
        %get3A_352 = tpu.vector_load %arg8[%get3A] {strides = array<i32>} : memref<4224xi32, #tpu.memory_space<vmem>>, vector<16xi32>,
        %mul3A_353 = arith.constant 16 : i32
        %mul3A_354 = arith.muli %scan3A_348, %mul3A_353 : i32
        %get3A_355 = arith.index_cast %mul3A_354 : i32 to index
        %get3A_356 = tpu.vector_load %arg7[%get3A_355] {strides = array<i32>} : memref<4224xi32, #tpu.memory_space<vmem>>, vector<16xi32>,
        %min3A = arith.minsi %get3A_352, %get3A_356 : vector<16xi32>
        %mul3A_357 = arith.constant 16 : i32
        %mul3A_358 = arith.muli %scan3A_348, %mul3A_357 : i32
        %swap3A = arith.index_cast %mul3A_358 : i32 to index
        %swap3A_359 = tpu.vector_load %arg8[%swap3A] {strides = array<i32>} : memref<4224xi32, #tpu.memory_space<vmem>>, vector<16xi32>,
        tpu.vector_store %arg8[%swap3A], %min3A {strides = array<i32>} : memref<4224xi32, #tpu.memory_space<vmem>>, vector<16xi32>,
        %scan3A_360 = arith.constant 0 : i32
        scf.yield %scan3A_360 : i32
      }
      %scan3A_347 = arith.constant 264 : i32
    } else {
    }
    %ge3A_249 = arith.constant 33792 : i32
    %ge3A_250 = arith.cmpi sge, %mul3A_172, %ge3A_249 : i32
    %add3A_251 = arith.constant 4224 : i32
    %add3A_252 = arith.addi %mul3A_172, %add3A_251 : i32
    %le3A_253 = arith.constant 63360 : i32
    %le3A_254 = arith.cmpi sle, %add3A_252, %le3A_253 : i32
    %and3A_255 = arith.andi %ge3A_250, %le3A_254 : i1
    %convert_element_type3A_256 = arith.extui %and3A_255 : i1 to i32
    %cond3A_257 = arith.constant 0 : i32
    %cond3A_258 = arith.cmpi ne, %convert_element_type3A_256, %cond3A_257 : i32
    scf.if %cond3A_258 {
      %sub3A_339 = arith.constant 33792 : i32
      %sub3A_340 = arith.subi %mul3A_172, %sub3A_339 : i32
      %run_scoped3A = arith.constant 8 : i32
      "tpu.region"() ({
        %run_scoped3A_348 = tpu.sem_alloc : memref<!tpu.dma_semaphore, #tpu.memory_space<semaphore_mem>>
        %dma_start3A_349 = tpu.memref_slice %arg12[%run_scoped3A, %sub3A_340] : memref<16x29568xi32, #tpu.memory_space<vmem_shared>> -> memref<1x4224xi32, #tpu.memory_space<vmem_shared>>
        %dma_start3A_350 = tpu.memref_squeeze %dma_start3A_349 : memref<1x4224xi32, #tpu.memory_space<vmem_shared>> -> memref<4224xi32, #tpu.memory_space<vmem_shared>>
        %dma_start3A_351 = tpu.memref_slice %arg12[%run_scoped3A, %sub3A_340] : memref<16x29568xi32, #tpu.memory_space<vmem_shared>> -> memref<1x4224xi32, #tpu.memory_space<vmem_shared>>
        %dma_start3A_352 = tpu.memref_squeeze %dma_start3A_351 : memref<1x4224xi32, #tpu.memory_space<vmem_shared>> -> memref<4224xi32, #tpu.memory_space<vmem_shared>>
        tpu.enqueue_dma source(%dma_start3A_352 : memref<4224xi32, #tpu.memory_space<vmem_shared>>) target(%arg7 : memref<4224xi32, #tpu.memory_space<vmem>>) target_semaphore(%run_scoped3A_348 : memref<!tpu.dma_semaphore, #tpu.memory_space<semaphore_mem>>)
        %dma_wait3A_353 = tpu.memref_slice %arg12[%run_scoped3A, %sub3A_340] : memref<16x29568xi32, #tpu.memory_space<vmem_shared>> -> memref<1x4224xi32, #tpu.memory_space<vmem_shared>>
        %dma_wait3A_354 = tpu.memref_squeeze %dma_wait3A_353 : memref<1x4224xi32, #tpu.memory_space<vmem_shared>> -> memref<4224xi32, #tpu.memory_space<vmem_shared>>
        %dma_wait3A_355 = tpu.memref_slice %arg12[%run_scoped3A, %sub3A_340] : memref<16x29568xi32, #tpu.memory_space<vmem_shared>> -> memref<1x4224xi32, #tpu.memory_space<vmem_shared>>
        %dma_wait3A_356 = tpu.memref_squeeze %dma_wait3A_355 : memref<1x4224xi32, #tpu.memory_space<vmem_shared>> -> memref<4224xi32, #tpu.memory_space<vmem_shared>>
        tpu.wait_dma2 semaphore(%run_scoped3A_348 : memref<!tpu.dma_semaphore, #tpu.memory_space<semaphore_mem>>) src(%dma_wait3A_356 : memref<4224xi32, #tpu.memory_space<vmem_shared>>) dst(%arg7 : memref<4224xi32, #tpu.memory_space<vmem>>)
        tpu.yield
      }) : () -> ()
      %scan3A_341 = arith.constant 0 : i32
      %scan3A_342 = arith.constant 0 : i32
      %scan3A_343 = arith.constant 264 : i32
      %scan3A_344 = arith.addi %scan3A_342, %scan3A_343 : i32
      %scan3A_345 = arith.constant 1 : i32
      %scan3A_346 = scf.for %scan3A_348 = %scan3A_342 to %scan3A_344 step %scan3A_345 iter_args(%scan3A_349 = %scan3A_341) -> (i32)  : i32 {
        %mul3A_350 = arith.constant 16 : i32
        %mul3A_351 = arith.muli %scan3A_348, %mul3A_350 : i32
        %get3A = arith.index_cast %mul3A_351 : i32 to index
        %get3A_352 = tpu.vector_load %arg8[%get3A] {strides = array<i32>} : memref<4224xi32, #tpu.memory_space<vmem>>, vector<16xi32>,
        %mul3A_353 = arith.constant 16 : i32
        %mul3A_354 = arith.muli %scan3A_348, %mul3A_353 : i32
        %get3A_355 = arith.index_cast %mul3A_354 : i32 to index
        %get3A_356 = tpu.vector_load %arg7[%get3A_355] {strides = array<i32>} : memref<4224xi32, #tpu.memory_space<vmem>>, vector<16xi32>,
        %min3A = arith.minsi %get3A_352, %get3A_356 : vector<16xi32>
        %mul3A_357 = arith.constant 16 : i32
        %mul3A_358 = arith.muli %scan3A_348, %mul3A_357 : i32
        %swap3A = arith.index_cast %mul3A_358 : i32 to index
        %swap3A_359 = tpu.vector_load %arg8[%swap3A] {strides = array<i32>} : memref<4224xi32, #tpu.memory_space<vmem>>, vector<16xi32>,
        tpu.vector_store %arg8[%swap3A], %min3A {strides = array<i32>} : memref<4224xi32, #tpu.memory_space<vmem>>, vector<16xi32>,
        %scan3A_360 = arith.constant 0 : i32
        scf.yield %scan3A_360 : i32
      }
      %scan3A_347 = arith.constant 264 : i32
    } else {
    }
    %ge3A_259 = arith.constant 33792 : i32
    %ge3A_260 = arith.cmpi sge, %mul3A_172, %ge3A_259 : i32
    %add3A_261 = arith.constant 4224 : i32
    %add3A_262 = arith.addi %mul3A_172, %add3A_261 : i32
    %le3A_263 = arith.constant 63360 : i32
    %le3A_264 = arith.cmpi sle, %add3A_262, %le3A_263 : i32
    %and3A_265 = arith.andi %ge3A_260, %le3A_264 : i1
    %convert_element_type3A_266 = arith.extui %and3A_265 : i1 to i32
    %cond3A_267 = arith.constant 0 : i32
    %cond3A_268 = arith.cmpi ne, %convert_element_type3A_266, %cond3A_267 : i32
    scf.if %cond3A_268 {
      %sub3A_339 = arith.constant 33792 : i32
      %sub3A_340 = arith.subi %mul3A_172, %sub3A_339 : i32
      %run_scoped3A = arith.constant 9 : i32
      "tpu.region"() ({
        %run_scoped3A_348 = tpu.sem_alloc : memref<!tpu.dma_semaphore, #tpu.memory_space<semaphore_mem>>
        %dma_start3A_349 = tpu.memref_slice %arg12[%run_scoped3A, %sub3A_340] : memref<16x29568xi32, #tpu.memory_space<vmem_shared>> -> memref<1x4224xi32, #tpu.memory_space<vmem_shared>>
        %dma_start3A_350 = tpu.memref_squeeze %dma_start3A_349 : memref<1x4224xi32, #tpu.memory_space<vmem_shared>> -> memref<4224xi32, #tpu.memory_space<vmem_shared>>
        %dma_start3A_351 = tpu.memref_slice %arg12[%run_scoped3A, %sub3A_340] : memref<16x29568xi32, #tpu.memory_space<vmem_shared>> -> memref<1x4224xi32, #tpu.memory_space<vmem_shared>>
        %dma_start3A_352 = tpu.memref_squeeze %dma_start3A_351 : memref<1x4224xi32, #tpu.memory_space<vmem_shared>> -> memref<4224xi32, #tpu.memory_space<vmem_shared>>
        tpu.enqueue_dma source(%dma_start3A_352 : memref<4224xi32, #tpu.memory_space<vmem_shared>>) target(%arg7 : memref<4224xi32, #tpu.memory_space<vmem>>) target_semaphore(%run_scoped3A_348 : memref<!tpu.dma_semaphore, #tpu.memory_space<semaphore_mem>>)
        %dma_wait3A_353 = tpu.memref_slice %arg12[%run_scoped3A, %sub3A_340] : memref<16x29568xi32, #tpu.memory_space<vmem_shared>> -> memref<1x4224xi32, #tpu.memory_space<vmem_shared>>
        %dma_wait3A_354 = tpu.memref_squeeze %dma_wait3A_353 : memref<1x4224xi32, #tpu.memory_space<vmem_shared>> -> memref<4224xi32, #tpu.memory_space<vmem_shared>>
        %dma_wait3A_355 = tpu.memref_slice %arg12[%run_scoped3A, %sub3A_340] : memref<16x29568xi32, #tpu.memory_space<vmem_shared>> -> memref<1x4224xi32, #tpu.memory_space<vmem_shared>>
        %dma_wait3A_356 = tpu.memref_squeeze %dma_wait3A_355 : memref<1x4224xi32, #tpu.memory_space<vmem_shared>> -> memref<4224xi32, #tpu.memory_space<vmem_shared>>
        tpu.wait_dma2 semaphore(%run_scoped3A_348 : memref<!tpu.dma_semaphore, #tpu.memory_space<semaphore_mem>>) src(%dma_wait3A_356 : memref<4224xi32, #tpu.memory_space<vmem_shared>>) dst(%arg7 : memref<4224xi32, #tpu.memory_space<vmem>>)
        tpu.yield
      }) : () -> ()
      %scan3A_341 = arith.constant 0 : i32
      %scan3A_342 = arith.constant 0 : i32
      %scan3A_343 = arith.constant 264 : i32
      %scan3A_344 = arith.addi %scan3A_342, %scan3A_343 : i32
      %scan3A_345 = arith.constant 1 : i32
      %scan3A_346 = scf.for %scan3A_348 = %scan3A_342 to %scan3A_344 step %scan3A_345 iter_args(%scan3A_349 = %scan3A_341) -> (i32)  : i32 {
        %mul3A_350 = arith.constant 16 : i32
        %mul3A_351 = arith.muli %scan3A_348, %mul3A_350 : i32
        %get3A = arith.index_cast %mul3A_351 : i32 to index
        %get3A_352 = tpu.vector_load %arg8[%get3A] {strides = array<i32>} : memref<4224xi32, #tpu.memory_space<vmem>>, vector<16xi32>,
        %mul3A_353 = arith.constant 16 : i32
        %mul3A_354 = arith.muli %scan3A_348, %mul3A_353 : i32
        %get3A_355 = arith.index_cast %mul3A_354 : i32 to index
        %get3A_356 = tpu.vector_load %arg7[%get3A_355] {strides = array<i32>} : memref<4224xi32, #tpu.memory_space<vmem>>, vector<16xi32>,
        %min3A = arith.minsi %get3A_352, %get3A_356 : vector<16xi32>
        %mul3A_357 = arith.constant 16 : i32
        %mul3A_358 = arith.muli %scan3A_348, %mul3A_357 : i32
        %swap3A = arith.index_cast %mul3A_358 : i32 to index
        %swap3A_359 = tpu.vector_load %arg8[%swap3A] {strides = array<i32>} : memref<4224xi32, #tpu.memory_space<vmem>>, vector<16xi32>,
        tpu.vector_store %arg8[%swap3A], %min3A {strides = array<i32>} : memref<4224xi32, #tpu.memory_space<vmem>>, vector<16xi32>,
        %scan3A_360 = arith.constant 0 : i32
        scf.yield %scan3A_360 : i32
      }
      %scan3A_347 = arith.constant 264 : i32
    } else {
    }
    %ge3A_269 = arith.constant 33792 : i32
    %ge3A_270 = arith.cmpi sge, %mul3A_172, %ge3A_269 : i32
    %add3A_271 = arith.constant 4224 : i32
    %add3A_272 = arith.addi %mul3A_172, %add3A_271 : i32
    %le3A_273 = arith.constant 63360 : i32
    %le3A_274 = arith.cmpi sle, %add3A_272, %le3A_273 : i32
    %and3A_275 = arith.andi %ge3A_270, %le3A_274 : i1
    %convert_element_type3A_276 = arith.extui %and3A_275 : i1 to i32
    %cond3A_277 = arith.constant 0 : i32
    %cond3A_278 = arith.cmpi ne, %convert_element_type3A_276, %cond3A_277 : i32
    scf.if %cond3A_278 {
      %sub3A_339 = arith.constant 33792 : i32
      %sub3A_340 = arith.subi %mul3A_172, %sub3A_339 : i32
      %run_scoped3A = arith.constant 10 : i32
      "tpu.region"() ({
        %run_scoped3A_348 = tpu.sem_alloc : memref<!tpu.dma_semaphore, #tpu.memory_space<semaphore_mem>>
        %dma_start3A_349 = tpu.memref_slice %arg12[%run_scoped3A, %sub3A_340] : memref<16x29568xi32, #tpu.memory_space<vmem_shared>> -> memref<1x4224xi32, #tpu.memory_space<vmem_shared>>
        %dma_start3A_350 = tpu.memref_squeeze %dma_start3A_349 : memref<1x4224xi32, #tpu.memory_space<vmem_shared>> -> memref<4224xi32, #tpu.memory_space<vmem_shared>>
        %dma_start3A_351 = tpu.memref_slice %arg12[%run_scoped3A, %sub3A_340] : memref<16x29568xi32, #tpu.memory_space<vmem_shared>> -> memref<1x4224xi32, #tpu.memory_space<vmem_shared>>
        %dma_start3A_352 = tpu.memref_squeeze %dma_start3A_351 : memref<1x4224xi32, #tpu.memory_space<vmem_shared>> -> memref<4224xi32, #tpu.memory_space<vmem_shared>>
        tpu.enqueue_dma source(%dma_start3A_352 : memref<4224xi32, #tpu.memory_space<vmem_shared>>) target(%arg7 : memref<4224xi32, #tpu.memory_space<vmem>>) target_semaphore(%run_scoped3A_348 : memref<!tpu.dma_semaphore, #tpu.memory_space<semaphore_mem>>)
        %dma_wait3A_353 = tpu.memref_slice %arg12[%run_scoped3A, %sub3A_340] : memref<16x29568xi32, #tpu.memory_space<vmem_shared>> -> memref<1x4224xi32, #tpu.memory_space<vmem_shared>>
        %dma_wait3A_354 = tpu.memref_squeeze %dma_wait3A_353 : memref<1x4224xi32, #tpu.memory_space<vmem_shared>> -> memref<4224xi32, #tpu.memory_space<vmem_shared>>
        %dma_wait3A_355 = tpu.memref_slice %arg12[%run_scoped3A, %sub3A_340] : memref<16x29568xi32, #tpu.memory_space<vmem_shared>> -> memref<1x4224xi32, #tpu.memory_space<vmem_shared>>
        %dma_wait3A_356 = tpu.memref_squeeze %dma_wait3A_355 : memref<1x4224xi32, #tpu.memory_space<vmem_shared>> -> memref<4224xi32, #tpu.memory_space<vmem_shared>>
        tpu.wait_dma2 semaphore(%run_scoped3A_348 : memref<!tpu.dma_semaphore, #tpu.memory_space<semaphore_mem>>) src(%dma_wait3A_356 : memref<4224xi32, #tpu.memory_space<vmem_shared>>) dst(%arg7 : memref<4224xi32, #tpu.memory_space<vmem>>)
        tpu.yield
      }) : () -> ()
      %scan3A_341 = arith.constant 0 : i32
      %scan3A_342 = arith.constant 0 : i32
      %scan3A_343 = arith.constant 264 : i32
      %scan3A_344 = arith.addi %scan3A_342, %scan3A_343 : i32
      %scan3A_345 = arith.constant 1 : i32
      %scan3A_346 = scf.for %scan3A_348 = %scan3A_342 to %scan3A_344 step %scan3A_345 iter_args(%scan3A_349 = %scan3A_341) -> (i32)  : i32 {
        %mul3A_350 = arith.constant 16 : i32
        %mul3A_351 = arith.muli %scan3A_348, %mul3A_350 : i32
        %get3A = arith.index_cast %mul3A_351 : i32 to index
        %get3A_352 = tpu.vector_load %arg8[%get3A] {strides = array<i32>} : memref<4224xi32, #tpu.memory_space<vmem>>, vector<16xi32>,
        %mul3A_353 = arith.constant 16 : i32
        %mul3A_354 = arith.muli %scan3A_348, %mul3A_353 : i32
        %get3A_355 = arith.index_cast %mul3A_354 : i32 to index
        %get3A_356 = tpu.vector_load %arg7[%get3A_355] {strides = array<i32>} : memref<4224xi32, #tpu.memory_space<vmem>>, vector<16xi32>,
        %min3A = arith.minsi %get3A_352, %get3A_356 : vector<16xi32>
        %mul3A_357 = arith.constant 16 : i32
        %mul3A_358 = arith.muli %scan3A_348, %mul3A_357 : i32
        %swap3A = arith.index_cast %mul3A_358 : i32 to index
        %swap3A_359 = tpu.vector_load %arg8[%swap3A] {strides = array<i32>} : memref<4224xi32, #tpu.memory_space<vmem>>, vector<16xi32>,
        tpu.vector_store %arg8[%swap3A], %min3A {strides = array<i32>} : memref<4224xi32, #tpu.memory_space<vmem>>, vector<16xi32>,
        %scan3A_360 = arith.constant 0 : i32
        scf.yield %scan3A_360 : i32
      }
      %scan3A_347 = arith.constant 264 : i32
    } else {
    }
    %ge3A_279 = arith.constant 42240 : i32
    %ge3A_280 = arith.cmpi sge, %mul3A_172, %ge3A_279 : i32
    %add3A_281 = arith.constant 4224 : i32
    %add3A_282 = arith.addi %mul3A_172, %add3A_281 : i32
    %le3A_283 = arith.constant 71808 : i32
    %le3A_284 = arith.cmpi sle, %add3A_282, %le3A_283 : i32
    %and3A_285 = arith.andi %ge3A_280, %le3A_284 : i1
    %convert_element_type3A_286 = arith.extui %and3A_285 : i1 to i32
    %cond3A_287 = arith.constant 0 : i32
    %cond3A_288 = arith.cmpi ne, %convert_element_type3A_286, %cond3A_287 : i32
    scf.if %cond3A_288 {
      %sub3A_339 = arith.constant 42240 : i32
      %sub3A_340 = arith.subi %mul3A_172, %sub3A_339 : i32
      %run_scoped3A = arith.constant 11 : i32
      "tpu.region"() ({
        %run_scoped3A_348 = tpu.sem_alloc : memref<!tpu.dma_semaphore, #tpu.memory_space<semaphore_mem>>
        %dma_start3A_349 = tpu.memref_slice %arg12[%run_scoped3A, %sub3A_340] : memref<16x29568xi32, #tpu.memory_space<vmem_shared>> -> memref<1x4224xi32, #tpu.memory_space<vmem_shared>>
        %dma_start3A_350 = tpu.memref_squeeze %dma_start3A_349 : memref<1x4224xi32, #tpu.memory_space<vmem_shared>> -> memref<4224xi32, #tpu.memory_space<vmem_shared>>
        %dma_start3A_351 = tpu.memref_slice %arg12[%run_scoped3A, %sub3A_340] : memref<16x29568xi32, #tpu.memory_space<vmem_shared>> -> memref<1x4224xi32, #tpu.memory_space<vmem_shared>>
        %dma_start3A_352 = tpu.memref_squeeze %dma_start3A_351 : memref<1x4224xi32, #tpu.memory_space<vmem_shared>> -> memref<4224xi32, #tpu.memory_space<vmem_shared>>
        tpu.enqueue_dma source(%dma_start3A_352 : memref<4224xi32, #tpu.memory_space<vmem_shared>>) target(%arg7 : memref<4224xi32, #tpu.memory_space<vmem>>) target_semaphore(%run_scoped3A_348 : memref<!tpu.dma_semaphore, #tpu.memory_space<semaphore_mem>>)
        %dma_wait3A_353 = tpu.memref_slice %arg12[%run_scoped3A, %sub3A_340] : memref<16x29568xi32, #tpu.memory_space<vmem_shared>> -> memref<1x4224xi32, #tpu.memory_space<vmem_shared>>
        %dma_wait3A_354 = tpu.memref_squeeze %dma_wait3A_353 : memref<1x4224xi32, #tpu.memory_space<vmem_shared>> -> memref<4224xi32, #tpu.memory_space<vmem_shared>>
        %dma_wait3A_355 = tpu.memref_slice %arg12[%run_scoped3A, %sub3A_340] : memref<16x29568xi32, #tpu.memory_space<vmem_shared>> -> memref<1x4224xi32, #tpu.memory_space<vmem_shared>>
        %dma_wait3A_356 = tpu.memref_squeeze %dma_wait3A_355 : memref<1x4224xi32, #tpu.memory_space<vmem_shared>> -> memref<4224xi32, #tpu.memory_space<vmem_shared>>
        tpu.wait_dma2 semaphore(%run_scoped3A_348 : memref<!tpu.dma_semaphore, #tpu.memory_space<semaphore_mem>>) src(%dma_wait3A_356 : memref<4224xi32, #tpu.memory_space<vmem_shared>>) dst(%arg7 : memref<4224xi32, #tpu.memory_space<vmem>>)
        tpu.yield
      }) : () -> ()
      %scan3A_341 = arith.constant 0 : i32
      %scan3A_342 = arith.constant 0 : i32
      %scan3A_343 = arith.constant 264 : i32
      %scan3A_344 = arith.addi %scan3A_342, %scan3A_343 : i32
      %scan3A_345 = arith.constant 1 : i32
      %scan3A_346 = scf.for %scan3A_348 = %scan3A_342 to %scan3A_344 step %scan3A_345 iter_args(%scan3A_349 = %scan3A_341) -> (i32)  : i32 {
        %mul3A_350 = arith.constant 16 : i32
        %mul3A_351 = arith.muli %scan3A_348, %mul3A_350 : i32
        %get3A = arith.index_cast %mul3A_351 : i32 to index
        %get3A_352 = tpu.vector_load %arg8[%get3A] {strides = array<i32>} : memref<4224xi32, #tpu.memory_space<vmem>>, vector<16xi32>,
        %mul3A_353 = arith.constant 16 : i32
        %mul3A_354 = arith.muli %scan3A_348, %mul3A_353 : i32
        %get3A_355 = arith.index_cast %mul3A_354 : i32 to index
        %get3A_356 = tpu.vector_load %arg7[%get3A_355] {strides = array<i32>} : memref<4224xi32, #tpu.memory_space<vmem>>, vector<16xi32>,
        %min3A = arith.minsi %get3A_352, %get3A_356 : vector<16xi32>
        %mul3A_357 = arith.constant 16 : i32
        %mul3A_358 = arith.muli %scan3A_348, %mul3A_357 : i32
        %swap3A = arith.index_cast %mul3A_358 : i32 to index
        %swap3A_359 = tpu.vector_load %arg8[%swap3A] {strides = array<i32>} : memref<4224xi32, #tpu.memory_space<vmem>>, vector<16xi32>,
        tpu.vector_store %arg8[%swap3A], %min3A {strides = array<i32>} : memref<4224xi32, #tpu.memory_space<vmem>>, vector<16xi32>,
        %scan3A_360 = arith.constant 0 : i32
        scf.yield %scan3A_360 : i32
      }
      %scan3A_347 = arith.constant 264 : i32
    } else {
    }
    %ge3A_289 = arith.constant 42240 : i32
    %ge3A_290 = arith.cmpi sge, %mul3A_172, %ge3A_289 : i32
    %add3A_291 = arith.constant 4224 : i32
    %add3A_292 = arith.addi %mul3A_172, %add3A_291 : i32
    %le3A_293 = arith.constant 71808 : i32
    %le3A_294 = arith.cmpi sle, %add3A_292, %le3A_293 : i32
    %and3A_295 = arith.andi %ge3A_290, %le3A_294 : i1
    %convert_element_type3A_296 = arith.extui %and3A_295 : i1 to i32
    %cond3A_297 = arith.constant 0 : i32
    %cond3A_298 = arith.cmpi ne, %convert_element_type3A_296, %cond3A_297 : i32
    scf.if %cond3A_298 {
      %sub3A_339 = arith.constant 42240 : i32
      %sub3A_340 = arith.subi %mul3A_172, %sub3A_339 : i32
      %run_scoped3A = arith.constant 12 : i32
      "tpu.region"() ({
        %run_scoped3A_348 = tpu.sem_alloc : memref<!tpu.dma_semaphore, #tpu.memory_space<semaphore_mem>>
        %dma_start3A_349 = tpu.memref_slice %arg12[%run_scoped3A, %sub3A_340] : memref<16x29568xi32, #tpu.memory_space<vmem_shared>> -> memref<1x4224xi32, #tpu.memory_space<vmem_shared>>
        %dma_start3A_350 = tpu.memref_squeeze %dma_start3A_349 : memref<1x4224xi32, #tpu.memory_space<vmem_shared>> -> memref<4224xi32, #tpu.memory_space<vmem_shared>>
        %dma_start3A_351 = tpu.memref_slice %arg12[%run_scoped3A, %sub3A_340] : memref<16x29568xi32, #tpu.memory_space<vmem_shared>> -> memref<1x4224xi32, #tpu.memory_space<vmem_shared>>
        %dma_start3A_352 = tpu.memref_squeeze %dma_start3A_351 : memref<1x4224xi32, #tpu.memory_space<vmem_shared>> -> memref<4224xi32, #tpu.memory_space<vmem_shared>>
        tpu.enqueue_dma source(%dma_start3A_352 : memref<4224xi32, #tpu.memory_space<vmem_shared>>) target(%arg7 : memref<4224xi32, #tpu.memory_space<vmem>>) target_semaphore(%run_scoped3A_348 : memref<!tpu.dma_semaphore, #tpu.memory_space<semaphore_mem>>)
        %dma_wait3A_353 = tpu.memref_slice %arg12[%run_scoped3A, %sub3A_340] : memref<16x29568xi32, #tpu.memory_space<vmem_shared>> -> memref<1x4224xi32, #tpu.memory_space<vmem_shared>>
        %dma_wait3A_354 = tpu.memref_squeeze %dma_wait3A_353 : memref<1x4224xi32, #tpu.memory_space<vmem_shared>> -> memref<4224xi32, #tpu.memory_space<vmem_shared>>
        %dma_wait3A_355 = tpu.memref_slice %arg12[%run_scoped3A, %sub3A_340] : memref<16x29568xi32, #tpu.memory_space<vmem_shared>> -> memref<1x4224xi32, #tpu.memory_space<vmem_shared>>
        %dma_wait3A_356 = tpu.memref_squeeze %dma_wait3A_355 : memref<1x4224xi32, #tpu.memory_space<vmem_shared>> -> memref<4224xi32, #tpu.memory_space<vmem_shared>>
        tpu.wait_dma2 semaphore(%run_scoped3A_348 : memref<!tpu.dma_semaphore, #tpu.memory_space<semaphore_mem>>) src(%dma_wait3A_356 : memref<4224xi32, #tpu.memory_space<vmem_shared>>) dst(%arg7 : memref<4224xi32, #tpu.memory_space<vmem>>)
        tpu.yield
      }) : () -> ()
      %scan3A_341 = arith.constant 0 : i32
      %scan3A_342 = arith.constant 0 : i32
      %scan3A_343 = arith.constant 264 : i32
      %scan3A_344 = arith.addi %scan3A_342, %scan3A_343 : i32
      %scan3A_345 = arith.constant 1 : i32
      %scan3A_346 = scf.for %scan3A_348 = %scan3A_342 to %scan3A_344 step %scan3A_345 iter_args(%scan3A_349 = %scan3A_341) -> (i32)  : i32 {
        %mul3A_350 = arith.constant 16 : i32
        %mul3A_351 = arith.muli %scan3A_348, %mul3A_350 : i32
        %get3A = arith.index_cast %mul3A_351 : i32 to index
        %get3A_352 = tpu.vector_load %arg8[%get3A] {strides = array<i32>} : memref<4224xi32, #tpu.memory_space<vmem>>, vector<16xi32>,
        %mul3A_353 = arith.constant 16 : i32
        %mul3A_354 = arith.muli %scan3A_348, %mul3A_353 : i32
        %get3A_355 = arith.index_cast %mul3A_354 : i32 to index
        %get3A_356 = tpu.vector_load %arg7[%get3A_355] {strides = array<i32>} : memref<4224xi32, #tpu.memory_space<vmem>>, vector<16xi32>,
        %min3A = arith.minsi %get3A_352, %get3A_356 : vector<16xi32>
        %mul3A_357 = arith.constant 16 : i32
        %mul3A_358 = arith.muli %scan3A_348, %mul3A_357 : i32
        %swap3A = arith.index_cast %mul3A_358 : i32 to index
        %swap3A_359 = tpu.vector_load %arg8[%swap3A] {strides = array<i32>} : memref<4224xi32, #tpu.memory_space<vmem>>, vector<16xi32>,
        tpu.vector_store %arg8[%swap3A], %min3A {strides = array<i32>} : memref<4224xi32, #tpu.memory_space<vmem>>, vector<16xi32>,
        %scan3A_360 = arith.constant 0 : i32
        scf.yield %scan3A_360 : i32
      }
      %scan3A_347 = arith.constant 264 : i32
    } else {
    }
    %ge3A_299 = arith.constant 42240 : i32
    %ge3A_300 = arith.cmpi sge, %mul3A_172, %ge3A_299 : i32
    %add3A_301 = arith.constant 4224 : i32
    %add3A_302 = arith.addi %mul3A_172, %add3A_301 : i32
    %le3A_303 = arith.constant 71808 : i32
    %le3A_304 = arith.cmpi sle, %add3A_302, %le3A_303 : i32
    %and3A_305 = arith.andi %ge3A_300, %le3A_304 : i1
    %convert_element_type3A_306 = arith.extui %and3A_305 : i1 to i32
    %cond3A_307 = arith.constant 0 : i32
    %cond3A_308 = arith.cmpi ne, %convert_element_type3A_306, %cond3A_307 : i32
    scf.if %cond3A_308 {
      %sub3A_339 = arith.constant 42240 : i32
      %sub3A_340 = arith.subi %mul3A_172, %sub3A_339 : i32
      %run_scoped3A = arith.constant 13 : i32
      "tpu.region"() ({
        %run_scoped3A_348 = tpu.sem_alloc : memref<!tpu.dma_semaphore, #tpu.memory_space<semaphore_mem>>
        %dma_start3A_349 = tpu.memref_slice %arg12[%run_scoped3A, %sub3A_340] : memref<16x29568xi32, #tpu.memory_space<vmem_shared>> -> memref<1x4224xi32, #tpu.memory_space<vmem_shared>>
        %dma_start3A_350 = tpu.memref_squeeze %dma_start3A_349 : memref<1x4224xi32, #tpu.memory_space<vmem_shared>> -> memref<4224xi32, #tpu.memory_space<vmem_shared>>
        %dma_start3A_351 = tpu.memref_slice %arg12[%run_scoped3A, %sub3A_340] : memref<16x29568xi32, #tpu.memory_space<vmem_shared>> -> memref<1x4224xi32, #tpu.memory_space<vmem_shared>>
        %dma_start3A_352 = tpu.memref_squeeze %dma_start3A_351 : memref<1x4224xi32, #tpu.memory_space<vmem_shared>> -> memref<4224xi32, #tpu.memory_space<vmem_shared>>
        tpu.enqueue_dma source(%dma_start3A_352 : memref<4224xi32, #tpu.memory_space<vmem_shared>>) target(%arg7 : memref<4224xi32, #tpu.memory_space<vmem>>) target_semaphore(%run_scoped3A_348 : memref<!tpu.dma_semaphore, #tpu.memory_space<semaphore_mem>>)
        %dma_wait3A_353 = tpu.memref_slice %arg12[%run_scoped3A, %sub3A_340] : memref<16x29568xi32, #tpu.memory_space<vmem_shared>> -> memref<1x4224xi32, #tpu.memory_space<vmem_shared>>
        %dma_wait3A_354 = tpu.memref_squeeze %dma_wait3A_353 : memref<1x4224xi32, #tpu.memory_space<vmem_shared>> -> memref<4224xi32, #tpu.memory_space<vmem_shared>>
        %dma_wait3A_355 = tpu.memref_slice %arg12[%run_scoped3A, %sub3A_340] : memref<16x29568xi32, #tpu.memory_space<vmem_shared>> -> memref<1x4224xi32, #tpu.memory_space<vmem_shared>>
        %dma_wait3A_356 = tpu.memref_squeeze %dma_wait3A_355 : memref<1x4224xi32, #tpu.memory_space<vmem_shared>> -> memref<4224xi32, #tpu.memory_space<vmem_shared>>
        tpu.wait_dma2 semaphore(%run_scoped3A_348 : memref<!tpu.dma_semaphore, #tpu.memory_space<semaphore_mem>>) src(%dma_wait3A_356 : memref<4224xi32, #tpu.memory_space<vmem_shared>>) dst(%arg7 : memref<4224xi32, #tpu.memory_space<vmem>>)
        tpu.yield
      }) : () -> ()
      %scan3A_341 = arith.constant 0 : i32
      %scan3A_342 = arith.constant 0 : i32
      %scan3A_343 = arith.constant 264 : i32
      %scan3A_344 = arith.addi %scan3A_342, %scan3A_343 : i32
      %scan3A_345 = arith.constant 1 : i32
      %scan3A_346 = scf.for %scan3A_348 = %scan3A_342 to %scan3A_344 step %scan3A_345 iter_args(%scan3A_349 = %scan3A_341) -> (i32)  : i32 {
        %mul3A_350 = arith.constant 16 : i32
        %mul3A_351 = arith.muli %scan3A_348, %mul3A_350 : i32
        %get3A = arith.index_cast %mul3A_351 : i32 to index
        %get3A_352 = tpu.vector_load %arg8[%get3A] {strides = array<i32>} : memref<4224xi32, #tpu.memory_space<vmem>>, vector<16xi32>,
        %mul3A_353 = arith.constant 16 : i32
        %mul3A_354 = arith.muli %scan3A_348, %mul3A_353 : i32
        %get3A_355 = arith.index_cast %mul3A_354 : i32 to index
        %get3A_356 = tpu.vector_load %arg7[%get3A_355] {strides = array<i32>} : memref<4224xi32, #tpu.memory_space<vmem>>, vector<16xi32>,
        %min3A = arith.minsi %get3A_352, %get3A_356 : vector<16xi32>
        %mul3A_357 = arith.constant 16 : i32
        %mul3A_358 = arith.muli %scan3A_348, %mul3A_357 : i32
        %swap3A = arith.index_cast %mul3A_358 : i32 to index
        %swap3A_359 = tpu.vector_load %arg8[%swap3A] {strides = array<i32>} : memref<4224xi32, #tpu.memory_space<vmem>>, vector<16xi32>,
        tpu.vector_store %arg8[%swap3A], %min3A {strides = array<i32>} : memref<4224xi32, #tpu.memory_space<vmem>>, vector<16xi32>,
        %scan3A_360 = arith.constant 0 : i32
        scf.yield %scan3A_360 : i32
      }
      %scan3A_347 = arith.constant 264 : i32
    } else {
    }
    %ge3A_309 = arith.constant 54912 : i32
    %ge3A_310 = arith.cmpi sge, %mul3A_172, %ge3A_309 : i32
    %add3A_311 = arith.constant 4224 : i32
    %add3A_312 = arith.addi %mul3A_172, %add3A_311 : i32
    %le3A_313 = arith.constant 84480 : i32
    %le3A_314 = arith.cmpi sle, %add3A_312, %le3A_313 : i32
    %and3A_315 = arith.andi %ge3A_310, %le3A_314 : i1
    %convert_element_type3A_316 = arith.extui %and3A_315 : i1 to i32
    %cond3A_317 = arith.constant 0 : i32
    %cond3A_318 = arith.cmpi ne, %convert_element_type3A_316, %cond3A_317 : i32
    scf.if %cond3A_318 {
      %sub3A_339 = arith.constant 54912 : i32
      %sub3A_340 = arith.subi %mul3A_172, %sub3A_339 : i32
      %run_scoped3A = arith.constant 14 : i32
      "tpu.region"() ({
        %run_scoped3A_348 = tpu.sem_alloc : memref<!tpu.dma_semaphore, #tpu.memory_space<semaphore_mem>>
        %dma_start3A_349 = tpu.memref_slice %arg12[%run_scoped3A, %sub3A_340] : memref<16x29568xi32, #tpu.memory_space<vmem_shared>> -> memref<1x4224xi32, #tpu.memory_space<vmem_shared>>
        %dma_start3A_350 = tpu.memref_squeeze %dma_start3A_349 : memref<1x4224xi32, #tpu.memory_space<vmem_shared>> -> memref<4224xi32, #tpu.memory_space<vmem_shared>>
        %dma_start3A_351 = tpu.memref_slice %arg12[%run_scoped3A, %sub3A_340] : memref<16x29568xi32, #tpu.memory_space<vmem_shared>> -> memref<1x4224xi32, #tpu.memory_space<vmem_shared>>
        %dma_start3A_352 = tpu.memref_squeeze %dma_start3A_351 : memref<1x4224xi32, #tpu.memory_space<vmem_shared>> -> memref<4224xi32, #tpu.memory_space<vmem_shared>>
        tpu.enqueue_dma source(%dma_start3A_352 : memref<4224xi32, #tpu.memory_space<vmem_shared>>) target(%arg7 : memref<4224xi32, #tpu.memory_space<vmem>>) target_semaphore(%run_scoped3A_348 : memref<!tpu.dma_semaphore, #tpu.memory_space<semaphore_mem>>)
        %dma_wait3A_353 = tpu.memref_slice %arg12[%run_scoped3A, %sub3A_340] : memref<16x29568xi32, #tpu.memory_space<vmem_shared>> -> memref<1x4224xi32, #tpu.memory_space<vmem_shared>>
        %dma_wait3A_354 = tpu.memref_squeeze %dma_wait3A_353 : memref<1x4224xi32, #tpu.memory_space<vmem_shared>> -> memref<4224xi32, #tpu.memory_space<vmem_shared>>
        %dma_wait3A_355 = tpu.memref_slice %arg12[%run_scoped3A, %sub3A_340] : memref<16x29568xi32, #tpu.memory_space<vmem_shared>> -> memref<1x4224xi32, #tpu.memory_space<vmem_shared>>
        %dma_wait3A_356 = tpu.memref_squeeze %dma_wait3A_355 : memref<1x4224xi32, #tpu.memory_space<vmem_shared>> -> memref<4224xi32, #tpu.memory_space<vmem_shared>>
        tpu.wait_dma2 semaphore(%run_scoped3A_348 : memref<!tpu.dma_semaphore, #tpu.memory_space<semaphore_mem>>) src(%dma_wait3A_356 : memref<4224xi32, #tpu.memory_space<vmem_shared>>) dst(%arg7 : memref<4224xi32, #tpu.memory_space<vmem>>)
        tpu.yield
      }) : () -> ()
      %scan3A_341 = arith.constant 0 : i32
      %scan3A_342 = arith.constant 0 : i32
      %scan3A_343 = arith.constant 264 : i32
      %scan3A_344 = arith.addi %scan3A_342, %scan3A_343 : i32
      %scan3A_345 = arith.constant 1 : i32
      %scan3A_346 = scf.for %scan3A_348 = %scan3A_342 to %scan3A_344 step %scan3A_345 iter_args(%scan3A_349 = %scan3A_341) -> (i32)  : i32 {
        %mul3A_350 = arith.constant 16 : i32
        %mul3A_351 = arith.muli %scan3A_348, %mul3A_350 : i32
        %get3A = arith.index_cast %mul3A_351 : i32 to index
        %get3A_352 = tpu.vector_load %arg8[%get3A] {strides = array<i32>} : memref<4224xi32, #tpu.memory_space<vmem>>, vector<16xi32>,
        %mul3A_353 = arith.constant 16 : i32
        %mul3A_354 = arith.muli %scan3A_348, %mul3A_353 : i32
        %get3A_355 = arith.index_cast %mul3A_354 : i32 to index
        %get3A_356 = tpu.vector_load %arg7[%get3A_355] {strides = array<i32>} : memref<4224xi32, #tpu.memory_space<vmem>>, vector<16xi32>,
        %min3A = arith.minsi %get3A_352, %get3A_356 : vector<16xi32>
        %mul3A_357 = arith.constant 16 : i32
        %mul3A_358 = arith.muli %scan3A_348, %mul3A_357 : i32
        %swap3A = arith.index_cast %mul3A_358 : i32 to index
        %swap3A_359 = tpu.vector_load %arg8[%swap3A] {strides = array<i32>} : memref<4224xi32, #tpu.memory_space<vmem>>, vector<16xi32>,
        tpu.vector_store %arg8[%swap3A], %min3A {strides = array<i32>} : memref<4224xi32, #tpu.memory_space<vmem>>, vector<16xi32>,
        %scan3A_360 = arith.constant 0 : i32
        scf.yield %scan3A_360 : i32
      }
      %scan3A_347 = arith.constant 264 : i32
    } else {
    }
    %ge3A_319 = arith.constant 54912 : i32
    %ge3A_320 = arith.cmpi sge, %mul3A_172, %ge3A_319 : i32
    %add3A_321 = arith.constant 4224 : i32
    %add3A_322 = arith.addi %mul3A_172, %add3A_321 : i32
    %le3A_323 = arith.constant 84480 : i32
    %le3A_324 = arith.cmpi sle, %add3A_322, %le3A_323 : i32
    %and3A_325 = arith.andi %ge3A_320, %le3A_324 : i1
    %convert_element_type3A_326 = arith.extui %and3A_325 : i1 to i32
    %cond3A_327 = arith.constant 0 : i32
    %cond3A_328 = arith.cmpi ne, %convert_element_type3A_326, %cond3A_327 : i32
    scf.if %cond3A_328 {
      %sub3A_339 = arith.constant 54912 : i32
      %sub3A_340 = arith.subi %mul3A_172, %sub3A_339 : i32
      %run_scoped3A = arith.constant 15 : i32
      "tpu.region"() ({
        %run_scoped3A_348 = tpu.sem_alloc : memref<!tpu.dma_semaphore, #tpu.memory_space<semaphore_mem>>
        %dma_start3A_349 = tpu.memref_slice %arg12[%run_scoped3A, %sub3A_340] : memref<16x29568xi32, #tpu.memory_space<vmem_shared>> -> memref<1x4224xi32, #tpu.memory_space<vmem_shared>>
        %dma_start3A_350 = tpu.memref_squeeze %dma_start3A_349 : memref<1x4224xi32, #tpu.memory_space<vmem_shared>> -> memref<4224xi32, #tpu.memory_space<vmem_shared>>
        %dma_start3A_351 = tpu.memref_slice %arg12[%run_scoped3A, %sub3A_340] : memref<16x29568xi32, #tpu.memory_space<vmem_shared>> -> memref<1x4224xi32, #tpu.memory_space<vmem_shared>>
        %dma_start3A_352 = tpu.memref_squeeze %dma_start3A_351 : memref<1x4224xi32, #tpu.memory_space<vmem_shared>> -> memref<4224xi32, #tpu.memory_space<vmem_shared>>
        tpu.enqueue_dma source(%dma_start3A_352 : memref<4224xi32, #tpu.memory_space<vmem_shared>>) target(%arg7 : memref<4224xi32, #tpu.memory_space<vmem>>) target_semaphore(%run_scoped3A_348 : memref<!tpu.dma_semaphore, #tpu.memory_space<semaphore_mem>>)
        %dma_wait3A_353 = tpu.memref_slice %arg12[%run_scoped3A, %sub3A_340] : memref<16x29568xi32, #tpu.memory_space<vmem_shared>> -> memref<1x4224xi32, #tpu.memory_space<vmem_shared>>
        %dma_wait3A_354 = tpu.memref_squeeze %dma_wait3A_353 : memref<1x4224xi32, #tpu.memory_space<vmem_shared>> -> memref<4224xi32, #tpu.memory_space<vmem_shared>>
        %dma_wait3A_355 = tpu.memref_slice %arg12[%run_scoped3A, %sub3A_340] : memref<16x29568xi32, #tpu.memory_space<vmem_shared>> -> memref<1x4224xi32, #tpu.memory_space<vmem_shared>>
        %dma_wait3A_356 = tpu.memref_squeeze %dma_wait3A_355 : memref<1x4224xi32, #tpu.memory_space<vmem_shared>> -> memref<4224xi32, #tpu.memory_space<vmem_shared>>
        tpu.wait_dma2 semaphore(%run_scoped3A_348 : memref<!tpu.dma_semaphore, #tpu.memory_space<semaphore_mem>>) src(%dma_wait3A_356 : memref<4224xi32, #tpu.memory_space<vmem_shared>>) dst(%arg7 : memref<4224xi32, #tpu.memory_space<vmem>>)
        tpu.yield
      }) : () -> ()
      %scan3A_341 = arith.constant 0 : i32
      %scan3A_342 = arith.constant 0 : i32
      %scan3A_343 = arith.constant 264 : i32
      %scan3A_344 = arith.addi %scan3A_342, %scan3A_343 : i32
      %scan3A_345 = arith.constant 1 : i32
      %scan3A_346 = scf.for %scan3A_348 = %scan3A_342 to %scan3A_344 step %scan3A_345 iter_args(%scan3A_349 = %scan3A_341) -> (i32)  : i32 {
        %mul3A_350 = arith.constant 16 : i32
        %mul3A_351 = arith.muli %scan3A_348, %mul3A_350 : i32
        %get3A = arith.index_cast %mul3A_351 : i32 to index
        %get3A_352 = tpu.vector_load %arg8[%get3A] {strides = array<i32>} : memref<4224xi32, #tpu.memory_space<vmem>>, vector<16xi32>,
        %mul3A_353 = arith.constant 16 : i32
        %mul3A_354 = arith.muli %scan3A_348, %mul3A_353 : i32
        %get3A_355 = arith.index_cast %mul3A_354 : i32 to index
        %get3A_356 = tpu.vector_load %arg7[%get3A_355] {strides = array<i32>} : memref<4224xi32, #tpu.memory_space<vmem>>, vector<16xi32>,
        %min3A = arith.minsi %get3A_352, %get3A_356 : vector<16xi32>
        %mul3A_357 = arith.constant 16 : i32
        %mul3A_358 = arith.muli %scan3A_348, %mul3A_357 : i32
        %swap3A = arith.index_cast %mul3A_358 : i32 to index
        %swap3A_359 = tpu.vector_load %arg8[%swap3A] {strides = array<i32>} : memref<4224xi32, #tpu.memory_space<vmem>>, vector<16xi32>,
        tpu.vector_store %arg8[%swap3A], %min3A {strides = array<i32>} : memref<4224xi32, #tpu.memory_space<vmem>>, vector<16xi32>,
        %scan3A_360 = arith.constant 0 : i32
        scf.yield %scan3A_360 : i32
      }
      %scan3A_347 = arith.constant 264 : i32
    } else {
    }
    %scan3A_329 = arith.constant 0 : i32
    %scan3A_330 = arith.constant 0 : i32
    %scan3A_331 = arith.constant 264 : i32
    %scan3A_332 = arith.addi %scan3A_330, %scan3A_331 : i32
    %scan3A_333 = arith.constant 1 : i32
    %scan3A_334 = scf.for %scan3A_339 = %scan3A_330 to %scan3A_332 step %scan3A_333 iter_args(%scan3A_340 = %scan3A_329) -> (i32)  : i32 {
      %mul3A_341 = arith.constant 16 : i32
      %mul3A_342 = arith.muli %scan3A_339, %mul3A_341 : i32
      %get3A = arith.index_cast %mul3A_342 : i32 to index
      %get3A_343 = tpu.vector_load %arg8[%get3A] {strides = array<i32>} : memref<4224xi32, #tpu.memory_space<vmem>>, vector<16xi32>,
      %ge3A_344 = arith.constant 48 : i32
      %ge3A_345 = vector.broadcast %ge3A_344 : i32 to vector<16xi32>
      %ge3A_346 = arith.cmpi sge, %get3A_343, %ge3A_345 : vector<16xi32>
      %jit3A_347 = arith.constant -1 : i32
      %broadcast_in_dim3A_348 = vector.broadcast %jit3A_347 : i32 to vector<16xi32>
      %select_n3A_349 = arith.select %ge3A_346, %broadcast_in_dim3A_348, %get3A_343 : vector<16xi1>, vector<16xi32>
      %mul3A_350 = arith.constant 16 : i32
      %mul3A_351 = arith.muli %scan3A_339, %mul3A_350 : i32
      %swap3A = arith.index_cast %mul3A_351 : i32 to index
      %swap3A_352 = tpu.vector_load %arg9[%swap3A] {strides = array<i32>} : memref<4224xi32, #tpu.memory_space<vmem>>, vector<16xi32>,
      tpu.vector_store %arg9[%swap3A], %select_n3A_349 {strides = array<i32>} : memref<4224xi32, #tpu.memory_space<vmem>>, vector<16xi32>,
      %scan3A_353 = arith.constant 0 : i32
      scf.yield %scan3A_353 : i32
    }
    %scan3A_335 = arith.constant 264 : i32
    %mul3A_336 = arith.constant 67584 : i32
    %mul3A_337 = arith.muli %arg0, %mul3A_336 : i32
    %add3A_338 = arith.addi %mul3A_337, %mul3A_172 : i32
    "tpu.region"() ({
      %run_scoped3A = tpu.sem_alloc : memref<!tpu.dma_semaphore, #tpu.memory_space<semaphore_mem>>
      %dma_start3A_339 = tpu.memref_slice %arg3[%add3A_338] : memref<135168xi32, #tpu.memory_space<hbm>> -> memref<4224xi32, #tpu.memory_space<hbm>>
      %dma_start3A_340 = tpu.memref_slice %arg3[%add3A_338] : memref<135168xi32, #tpu.memory_space<hbm>> -> memref<4224xi32, #tpu.memory_space<hbm>>
      tpu.enqueue_dma source(%arg9 : memref<4224xi32, #tpu.memory_space<vmem>>) target(%dma_start3A_340 : memref<4224xi32, #tpu.memory_space<hbm>>) target_semaphore(%run_scoped3A : memref<!tpu.dma_semaphore, #tpu.memory_space<semaphore_mem>>)
      %dma_wait3A_341 = tpu.memref_slice %arg3[%add3A_338] : memref<135168xi32, #tpu.memory_space<hbm>> -> memref<4224xi32, #tpu.memory_space<hbm>>
      %dma_wait3A_342 = tpu.memref_slice %arg3[%add3A_338] : memref<135168xi32, #tpu.memory_space<hbm>> -> memref<4224xi32, #tpu.memory_space<hbm>>
      tpu.wait_dma2 semaphore(%run_scoped3A : memref<!tpu.dma_semaphore, #tpu.memory_space<semaphore_mem>>) src(%arg9 : memref<4224xi32, #tpu.memory_space<vmem>>) dst(%dma_wait3A_342 : memref<4224xi32, #tpu.memory_space<hbm>>)
      tpu.yield
    }) : () -> ()
    return
  }
}

module attributes {stable_mosaic.version = 14 : i64} {
  func.func @_project_body(%arg0: i32, %arg1: memref<1x784x128xf32, #tpu.memory_space<vmem>>, %arg2: memref<1x784x128xf32, #tpu.memory_space<vmem>>, %arg3: memref<1x784x128xf32, #tpu.memory_space<vmem>>, %arg4: memref<1x6x18xf32, #tpu.memory_space<smem>>, %arg5: memref<1x6x784x128xi32, #tpu.memory_space<vmem>>) attributes {dimension_semantics = [#tpu.dimension_semantics<parallel>], iteration_bounds = array<i64: 2>, scalar_prefetch = 0 : i64, scratch_operands = 0 : i64, tpu.core_type = #tpu.core_type<tc>, window_params = [{transform_indices = @transform_0, window_bounds = array<i64: 1, 784, 128>}, {transform_indices = @transform_1, window_bounds = array<i64: 1, 784, 128>}, {transform_indices = @transform_2, window_bounds = array<i64: 1, 784, 128>}, {transform_indices = @transform_3, window_bounds = array<i64: 1, 6, 18>}, {transform_indices = @transform_4, window_bounds = array<i64: 1, 6, 784, 128>}]} {
    %get3A = arith.constant 0 : index
    %get3A_0 = arith.constant 0 : index
    %get3A_1 = arith.constant 0 : index
    %get3A_2 = vector.load %arg1[%get3A, %get3A_0, %get3A_1] : memref<1x784x128xf32, #tpu.memory_space<vmem>>, vector<1x784x128xf32>
    %get3A_3 = vector.shape_cast %get3A_2 : vector<1x784x128xf32> to vector<784x128xf32>
    %convert_element_type3A = arith.truncf %get3A_3 : vector<784x128xf32> to vector<784x128xbf16>
    %convert_element_type3A_4 = arith.extf %convert_element_type3A : vector<784x128xbf16> to vector<784x128xf32>
    %get3A_5 = arith.constant 0 : index
    %get3A_6 = arith.constant 0 : index
    %get3A_7 = arith.constant 0 : index
    %get3A_8 = vector.load %arg2[%get3A_5, %get3A_6, %get3A_7] : memref<1x784x128xf32, #tpu.memory_space<vmem>>, vector<1x784x128xf32>
    %get3A_9 = vector.shape_cast %get3A_8 : vector<1x784x128xf32> to vector<784x128xf32>
    %convert_element_type3A_10 = arith.truncf %get3A_9 : vector<784x128xf32> to vector<784x128xbf16>
    %convert_element_type3A_11 = arith.extf %convert_element_type3A_10 : vector<784x128xbf16> to vector<784x128xf32>
    %get3A_12 = arith.constant 0 : index
    %get3A_13 = arith.constant 0 : index
    %get3A_14 = arith.constant 0 : index
    %get3A_15 = vector.load %arg3[%get3A_12, %get3A_13, %get3A_14] : memref<1x784x128xf32, #tpu.memory_space<vmem>>, vector<1x784x128xf32>
    %get3A_16 = vector.shape_cast %get3A_15 : vector<1x784x128xf32> to vector<784x128xf32>
    %convert_element_type3A_17 = arith.truncf %get3A_16 : vector<784x128xf32> to vector<784x128xbf16>
    %convert_element_type3A_18 = arith.extf %convert_element_type3A_17 : vector<784x128xbf16> to vector<784x128xf32>
    %get3A_19 = arith.constant 0 : index
    %get3A_20 = arith.constant 0 : index
    %get3A_21 = arith.constant 0 : index
    %get3A_22 = memref.load %arg4[%get3A_19, %get3A_20, %get3A_21] : memref<1x6x18xf32, #tpu.memory_space<smem>>
    %get3A_23 = arith.constant 0 : index
    %get3A_24 = arith.constant 0 : index
    %get3A_25 = arith.constant 1 : index
    %get3A_26 = memref.load %arg4[%get3A_23, %get3A_24, %get3A_25] : memref<1x6x18xf32, #tpu.memory_space<smem>>
    %get3A_27 = arith.constant 0 : index
    %get3A_28 = arith.constant 0 : index
    %get3A_29 = arith.constant 2 : index
    %get3A_30 = memref.load %arg4[%get3A_27, %get3A_28, %get3A_29] : memref<1x6x18xf32, #tpu.memory_space<smem>>
    %get3A_31 = arith.constant 0 : index
    %get3A_32 = arith.constant 0 : index
    %get3A_33 = arith.constant 3 : index
    %get3A_34 = memref.load %arg4[%get3A_31, %get3A_32, %get3A_33] : memref<1x6x18xf32, #tpu.memory_space<smem>>
    %get3A_35 = arith.constant 0 : index
    %get3A_36 = arith.constant 0 : index
    %get3A_37 = arith.constant 4 : index
    %get3A_38 = memref.load %arg4[%get3A_35, %get3A_36, %get3A_37] : memref<1x6x18xf32, #tpu.memory_space<smem>>
    %get3A_39 = arith.constant 0 : index
    %get3A_40 = arith.constant 0 : index
    %get3A_41 = arith.constant 5 : index
    %get3A_42 = memref.load %arg4[%get3A_39, %get3A_40, %get3A_41] : memref<1x6x18xf32, #tpu.memory_space<smem>>
    %get3A_43 = arith.constant 0 : index
    %get3A_44 = arith.constant 0 : index
    %get3A_45 = arith.constant 6 : index
    %get3A_46 = memref.load %arg4[%get3A_43, %get3A_44, %get3A_45] : memref<1x6x18xf32, #tpu.memory_space<smem>>
    %get3A_47 = arith.constant 0 : index
    %get3A_48 = arith.constant 0 : index
    %get3A_49 = arith.constant 7 : index
    %get3A_50 = memref.load %arg4[%get3A_47, %get3A_48, %get3A_49] : memref<1x6x18xf32, #tpu.memory_space<smem>>
    %get3A_51 = arith.constant 0 : index
    %get3A_52 = arith.constant 0 : index
    %get3A_53 = arith.constant 8 : index
    %get3A_54 = memref.load %arg4[%get3A_51, %get3A_52, %get3A_53] : memref<1x6x18xf32, #tpu.memory_space<smem>>
    %get3A_55 = arith.constant 0 : index
    %get3A_56 = arith.constant 0 : index
    %get3A_57 = arith.constant 9 : index
    %get3A_58 = memref.load %arg4[%get3A_55, %get3A_56, %get3A_57] : memref<1x6x18xf32, #tpu.memory_space<smem>>
    %get3A_59 = arith.constant 0 : index
    %get3A_60 = arith.constant 0 : index
    %get3A_61 = arith.constant 10 : index
    %get3A_62 = memref.load %arg4[%get3A_59, %get3A_60, %get3A_61] : memref<1x6x18xf32, #tpu.memory_space<smem>>
    %get3A_63 = arith.constant 0 : index
    %get3A_64 = arith.constant 0 : index
    %get3A_65 = arith.constant 11 : index
    %get3A_66 = memref.load %arg4[%get3A_63, %get3A_64, %get3A_65] : memref<1x6x18xf32, #tpu.memory_space<smem>>
    %get3A_67 = arith.constant 0 : index
    %get3A_68 = arith.constant 0 : index
    %get3A_69 = arith.constant 12 : index
    %get3A_70 = memref.load %arg4[%get3A_67, %get3A_68, %get3A_69] : memref<1x6x18xf32, #tpu.memory_space<smem>>
    %get3A_71 = arith.constant 0 : index
    %get3A_72 = arith.constant 0 : index
    %get3A_73 = arith.constant 13 : index
    %get3A_74 = memref.load %arg4[%get3A_71, %get3A_72, %get3A_73] : memref<1x6x18xf32, #tpu.memory_space<smem>>
    %get3A_75 = arith.constant 0 : index
    %get3A_76 = arith.constant 0 : index
    %get3A_77 = arith.constant 14 : index
    %get3A_78 = memref.load %arg4[%get3A_75, %get3A_76, %get3A_77] : memref<1x6x18xf32, #tpu.memory_space<smem>>
    %get3A_79 = arith.constant 0 : index
    %get3A_80 = arith.constant 0 : index
    %get3A_81 = arith.constant 15 : index
    %get3A_82 = memref.load %arg4[%get3A_79, %get3A_80, %get3A_81] : memref<1x6x18xf32, #tpu.memory_space<smem>>
    %get3A_83 = arith.constant 0 : index
    %get3A_84 = arith.constant 0 : index
    %get3A_85 = arith.constant 16 : index
    %get3A_86 = memref.load %arg4[%get3A_83, %get3A_84, %get3A_85] : memref<1x6x18xf32, #tpu.memory_space<smem>>
    %get3A_87 = arith.constant 0 : index
    %get3A_88 = arith.constant 0 : index
    %get3A_89 = arith.constant 17 : index
    %get3A_90 = memref.load %arg4[%get3A_87, %get3A_88, %get3A_89] : memref<1x6x18xf32, #tpu.memory_space<smem>>
    %mul3A = vector.broadcast %get3A_22 : f32 to vector<784x128xf32>
    %mul3A_91 = arith.mulf %mul3A, %convert_element_type3A_4 : vector<784x128xf32>
    %mul3A_92 = vector.broadcast %get3A_26 : f32 to vector<784x128xf32>
    %mul3A_93 = arith.mulf %mul3A_92, %convert_element_type3A_11 : vector<784x128xf32>
    %add3A = arith.addf %mul3A_91, %mul3A_93 : vector<784x128xf32>
    %mul3A_94 = vector.broadcast %get3A_30 : f32 to vector<784x128xf32>
    %mul3A_95 = arith.mulf %mul3A_94, %convert_element_type3A_18 : vector<784x128xf32>
    %add3A_96 = arith.addf %add3A, %mul3A_95 : vector<784x128xf32>
    %add3A_97 = vector.broadcast %get3A_34 : f32 to vector<784x128xf32>
    %add3A_98 = arith.addf %add3A_96, %add3A_97 : vector<784x128xf32>
    %mul3A_99 = vector.broadcast %get3A_38 : f32 to vector<784x128xf32>
    %mul3A_100 = arith.mulf %mul3A_99, %convert_element_type3A_4 : vector<784x128xf32>
    %mul3A_101 = vector.broadcast %get3A_42 : f32 to vector<784x128xf32>
    %mul3A_102 = arith.mulf %mul3A_101, %convert_element_type3A_11 : vector<784x128xf32>
    %add3A_103 = arith.addf %mul3A_100, %mul3A_102 : vector<784x128xf32>
    %mul3A_104 = vector.broadcast %get3A_46 : f32 to vector<784x128xf32>
    %mul3A_105 = arith.mulf %mul3A_104, %convert_element_type3A_18 : vector<784x128xf32>
    %add3A_106 = arith.addf %add3A_103, %mul3A_105 : vector<784x128xf32>
    %add3A_107 = vector.broadcast %get3A_50 : f32 to vector<784x128xf32>
    %add3A_108 = arith.addf %add3A_106, %add3A_107 : vector<784x128xf32>
    %mul3A_109 = vector.broadcast %get3A_54 : f32 to vector<784x128xf32>
    %mul3A_110 = arith.mulf %mul3A_109, %convert_element_type3A_4 : vector<784x128xf32>
    %mul3A_111 = vector.broadcast %get3A_58 : f32 to vector<784x128xf32>
    %mul3A_112 = arith.mulf %mul3A_111, %convert_element_type3A_11 : vector<784x128xf32>
    %add3A_113 = arith.addf %mul3A_110, %mul3A_112 : vector<784x128xf32>
    %mul3A_114 = vector.broadcast %get3A_62 : f32 to vector<784x128xf32>
    %mul3A_115 = arith.mulf %mul3A_114, %convert_element_type3A_18 : vector<784x128xf32>
    %add3A_116 = arith.addf %add3A_113, %mul3A_115 : vector<784x128xf32>
    %add3A_117 = vector.broadcast %get3A_66 : f32 to vector<784x128xf32>
    %add3A_118 = arith.addf %add3A_116, %add3A_117 : vector<784x128xf32>
    %max3A = arith.constant 9.99999997E-7 : f32
    %max3A_119 = vector.broadcast %max3A : f32 to vector<784x128xf32>
    %max3A_120 = arith.maximumf %add3A_118, %max3A_119 : vector<784x128xf32>
    %div3A = arith.divf %add3A_98, %max3A_120 : vector<784x128xf32>
    %mul3A_121 = vector.broadcast %get3A_70 : f32 to vector<784x128xf32>
    %mul3A_122 = arith.mulf %mul3A_121, %div3A : vector<784x128xf32>
    %add3A_123 = vector.broadcast %get3A_78 : f32 to vector<784x128xf32>
    %add3A_124 = arith.addf %mul3A_122, %add3A_123 : vector<784x128xf32>
    %div3A_125 = arith.divf %add3A_108, %max3A_120 : vector<784x128xf32>
    %mul3A_126 = vector.broadcast %get3A_74 : f32 to vector<784x128xf32>
    %mul3A_127 = arith.mulf %mul3A_126, %div3A_125 : vector<784x128xf32>
    %add3A_128 = vector.broadcast %get3A_82 : f32 to vector<784x128xf32>
    %add3A_129 = arith.addf %mul3A_127, %add3A_128 : vector<784x128xf32>
    %gt3A = arith.constant 1.000000e-01 : f32
    %gt3A_130 = vector.broadcast %gt3A : f32 to vector<784x128xf32>
    %gt3A_131 = arith.cmpf ogt, %add3A_118, %gt3A_130 : vector<784x128xf32>
    %ge3A = arith.constant 0.000000e+00 : f32
    %ge3A_132 = vector.broadcast %ge3A : f32 to vector<784x128xf32>
    %ge3A_133 = arith.cmpf oge, %add3A_124, %ge3A_132 : vector<784x128xf32>
    %and3A = arith.andi %gt3A_131, %ge3A_133 : vector<784x128xi1>
    %le3A = arith.constant 7.030000e+02 : f32
    %le3A_134 = vector.broadcast %le3A : f32 to vector<784x128xf32>
    %le3A_135 = arith.cmpf ole, %add3A_124, %le3A_134 : vector<784x128xf32>
    %and3A_136 = arith.andi %and3A, %le3A_135 : vector<784x128xi1>
    %ge3A_137 = arith.constant 0.000000e+00 : f32
    %ge3A_138 = vector.broadcast %ge3A_137 : f32 to vector<784x128xf32>
    %ge3A_139 = arith.cmpf oge, %add3A_129, %ge3A_138 : vector<784x128xf32>
    %and3A_140 = arith.andi %and3A_136, %ge3A_139 : vector<784x128xi1>
    %le3A_141 = arith.constant 2.550000e+02 : f32
    %le3A_142 = vector.broadcast %le3A_141 : f32 to vector<784x128xf32>
    %le3A_143 = arith.cmpf ole, %add3A_129, %le3A_142 : vector<784x128xf32>
    %and3A_144 = arith.andi %and3A_140, %le3A_143 : vector<784x128xi1>
    %mul3A_145 = arith.constant 2.500000e-01 : f32
    %mul3A_146 = vector.broadcast %mul3A_145 : f32 to vector<784x128xf32>
    %mul3A_147 = arith.mulf %add3A_124, %mul3A_146 : vector<784x128xf32>
    %convert_element_type3A_148 = arith.fptosi %mul3A_147 : vector<784x128xf32> to vector<784x128xi32>
    %mul3A_149 = arith.constant 2.500000e-01 : f32
    %mul3A_150 = vector.broadcast %mul3A_149 : f32 to vector<784x128xf32>
    %mul3A_151 = arith.mulf %add3A_129, %mul3A_150 : vector<784x128xf32>
    %convert_element_type3A_152 = arith.fptosi %mul3A_151 : vector<784x128xf32> to vector<784x128xi32>
    %max3A_153 = vector.broadcast %get3A_86 : f32 to vector<784x128xf32>
    %max3A_154 = arith.maximumf %max3A_153, %add3A_118 : vector<784x128xf32>
    %min3A = vector.broadcast %get3A_90 : f32 to vector<784x128xf32>
    %min3A_155 = arith.minimumf %min3A, %max3A_154 : vector<784x128xf32>
    %sub3A = arith.constant 1.500000e+00 : f32
    %sub3A_156 = vector.broadcast %sub3A : f32 to vector<784x128xf32>
    %sub3A_157 = arith.subf %min3A_155, %sub3A_156 : vector<784x128xf32>
    %convert_element_type3A_158 = arith.fptosi %sub3A_157 : vector<784x128xf32> to vector<784x128xi32>
    %convert_element_type3A_159 = arith.sitofp %convert_element_type3A_158 : vector<784x128xi32> to vector<784x128xf32>
    %add3A_160 = arith.constant 1.500000e+00 : f32
    %add3A_161 = vector.broadcast %add3A_160 : f32 to vector<784x128xf32>
    %add3A_162 = arith.addf %convert_element_type3A_159, %add3A_161 : vector<784x128xf32>
    %ge3A_163 = arith.cmpf oge, %add3A_162, %min3A_155 : vector<784x128xf32>
    %convert_element_type3A_164 = arith.extui %ge3A_163 : vector<784x128xi1> to vector<784x128xi32>
    %sub3A_165 = arith.subi %convert_element_type3A_158, %convert_element_type3A_164 : vector<784x128xi32>
    %jit3A = arith.constant 0 : i32
    %jit3A_166 = arith.constant 47 : i32
    %max3A_167 = vector.broadcast %jit3A : i32 to vector<784x128xi32>
    %max3A_168 = arith.maxsi %max3A_167, %sub3A_165 : vector<784x128xi32>
    %min3A_169 = vector.broadcast %jit3A_166 : i32 to vector<784x128xi32>
    %min3A_170 = arith.minsi %min3A_169, %max3A_168 : vector<784x128xi32>
    %mul3A_171 = arith.constant 11264 : i32
    %mul3A_172 = vector.broadcast %mul3A_171 : i32 to vector<784x128xi32>
    %mul3A_173 = arith.muli %convert_element_type3A_152, %mul3A_172 : vector<784x128xi32>
    %mul3A_174 = arith.constant 64 : i32
    %mul3A_175 = vector.broadcast %mul3A_174 : i32 to vector<784x128xi32>
    %mul3A_176 = arith.muli %convert_element_type3A_148, %mul3A_175 : vector<784x128xi32>
    %add3A_177 = arith.addi %mul3A_173, %mul3A_176 : vector<784x128xi32>
    %add3A_178 = arith.addi %add3A_177, %min3A_170 : vector<784x128xi32>
    %add3A_179 = arith.constant 0 : i32
    %add3A_180 = vector.broadcast %add3A_179 : i32 to vector<784x128xi32>
    %add3A_181 = arith.addi %add3A_178, %add3A_180 : vector<784x128xi32>
    %jit3A_182 = arith.constant 63 : i32
    %broadcast_in_dim3A = vector.broadcast %jit3A_182 : i32 to vector<784x128xi32>
    %select_n3A = arith.select %and3A_144, %add3A_181, %broadcast_in_dim3A : vector<784x128xi1>, vector<784x128xi32>
    %swap3A = arith.constant 0 : index
    %swap3A_183 = arith.constant 0 : index
    %swap3A_184 = arith.constant 0 : index
    %swap3A_185 = arith.constant 0 : index
    %swap3A_186 = vector.load %arg5[%swap3A, %swap3A_183, %swap3A_184, %swap3A_185] : memref<1x6x784x128xi32, #tpu.memory_space<vmem>>, vector<1x1x784x128xi32>
    %swap3A_187 = vector.shape_cast %swap3A_186 : vector<1x1x784x128xi32> to vector<784x128xi32>
    %swap3A_188 = vector.shape_cast %select_n3A : vector<784x128xi32> to vector<1x1x784x128xi32>
    tpu.vector_store %arg5[%swap3A, %swap3A_183, %swap3A_184, %swap3A_185], %swap3A_188 {strides = array<i32>} : memref<1x6x784x128xi32, #tpu.memory_space<vmem>>, vector<1x1x784x128xi32>,
    %get3A_189 = arith.constant 0 : index
    %get3A_190 = arith.constant 1 : index
    %get3A_191 = arith.constant 0 : index
    %get3A_192 = memref.load %arg4[%get3A_189, %get3A_190, %get3A_191] : memref<1x6x18xf32, #tpu.memory_space<smem>>
    %get3A_193 = arith.constant 0 : index
    %get3A_194 = arith.constant 1 : index
    %get3A_195 = arith.constant 1 : index
    %get3A_196 = memref.load %arg4[%get3A_193, %get3A_194, %get3A_195] : memref<1x6x18xf32, #tpu.memory_space<smem>>
    %get3A_197 = arith.constant 0 : index
    %get3A_198 = arith.constant 1 : index
    %get3A_199 = arith.constant 2 : index
    %get3A_200 = memref.load %arg4[%get3A_197, %get3A_198, %get3A_199] : memref<1x6x18xf32, #tpu.memory_space<smem>>
    %get3A_201 = arith.constant 0 : index
    %get3A_202 = arith.constant 1 : index
    %get3A_203 = arith.constant 3 : index
    %get3A_204 = memref.load %arg4[%get3A_201, %get3A_202, %get3A_203] : memref<1x6x18xf32, #tpu.memory_space<smem>>
    %get3A_205 = arith.constant 0 : index
    %get3A_206 = arith.constant 1 : index
    %get3A_207 = arith.constant 4 : index
    %get3A_208 = memref.load %arg4[%get3A_205, %get3A_206, %get3A_207] : memref<1x6x18xf32, #tpu.memory_space<smem>>
    %get3A_209 = arith.constant 0 : index
    %get3A_210 = arith.constant 1 : index
    %get3A_211 = arith.constant 5 : index
    %get3A_212 = memref.load %arg4[%get3A_209, %get3A_210, %get3A_211] : memref<1x6x18xf32, #tpu.memory_space<smem>>
    %get3A_213 = arith.constant 0 : index
    %get3A_214 = arith.constant 1 : index
    %get3A_215 = arith.constant 6 : index
    %get3A_216 = memref.load %arg4[%get3A_213, %get3A_214, %get3A_215] : memref<1x6x18xf32, #tpu.memory_space<smem>>
    %get3A_217 = arith.constant 0 : index
    %get3A_218 = arith.constant 1 : index
    %get3A_219 = arith.constant 7 : index
    %get3A_220 = memref.load %arg4[%get3A_217, %get3A_218, %get3A_219] : memref<1x6x18xf32, #tpu.memory_space<smem>>
    %get3A_221 = arith.constant 0 : index
    %get3A_222 = arith.constant 1 : index
    %get3A_223 = arith.constant 8 : index
    %get3A_224 = memref.load %arg4[%get3A_221, %get3A_222, %get3A_223] : memref<1x6x18xf32, #tpu.memory_space<smem>>
    %get3A_225 = arith.constant 0 : index
    %get3A_226 = arith.constant 1 : index
    %get3A_227 = arith.constant 9 : index
    %get3A_228 = memref.load %arg4[%get3A_225, %get3A_226, %get3A_227] : memref<1x6x18xf32, #tpu.memory_space<smem>>
    %get3A_229 = arith.constant 0 : index
    %get3A_230 = arith.constant 1 : index
    %get3A_231 = arith.constant 10 : index
    %get3A_232 = memref.load %arg4[%get3A_229, %get3A_230, %get3A_231] : memref<1x6x18xf32, #tpu.memory_space<smem>>
    %get3A_233 = arith.constant 0 : index
    %get3A_234 = arith.constant 1 : index
    %get3A_235 = arith.constant 11 : index
    %get3A_236 = memref.load %arg4[%get3A_233, %get3A_234, %get3A_235] : memref<1x6x18xf32, #tpu.memory_space<smem>>
    %get3A_237 = arith.constant 0 : index
    %get3A_238 = arith.constant 1 : index
    %get3A_239 = arith.constant 12 : index
    %get3A_240 = memref.load %arg4[%get3A_237, %get3A_238, %get3A_239] : memref<1x6x18xf32, #tpu.memory_space<smem>>
    %get3A_241 = arith.constant 0 : index
    %get3A_242 = arith.constant 1 : index
    %get3A_243 = arith.constant 13 : index
    %get3A_244 = memref.load %arg4[%get3A_241, %get3A_242, %get3A_243] : memref<1x6x18xf32, #tpu.memory_space<smem>>
    %get3A_245 = arith.constant 0 : index
    %get3A_246 = arith.constant 1 : index
    %get3A_247 = arith.constant 14 : index
    %get3A_248 = memref.load %arg4[%get3A_245, %get3A_246, %get3A_247] : memref<1x6x18xf32, #tpu.memory_space<smem>>
    %get3A_249 = arith.constant 0 : index
    %get3A_250 = arith.constant 1 : index
    %get3A_251 = arith.constant 15 : index
    %get3A_252 = memref.load %arg4[%get3A_249, %get3A_250, %get3A_251] : memref<1x6x18xf32, #tpu.memory_space<smem>>
    %get3A_253 = arith.constant 0 : index
    %get3A_254 = arith.constant 1 : index
    %get3A_255 = arith.constant 16 : index
    %get3A_256 = memref.load %arg4[%get3A_253, %get3A_254, %get3A_255] : memref<1x6x18xf32, #tpu.memory_space<smem>>
    %get3A_257 = arith.constant 0 : index
    %get3A_258 = arith.constant 1 : index
    %get3A_259 = arith.constant 17 : index
    %get3A_260 = memref.load %arg4[%get3A_257, %get3A_258, %get3A_259] : memref<1x6x18xf32, #tpu.memory_space<smem>>
    %mul3A_261 = vector.broadcast %get3A_192 : f32 to vector<784x128xf32>
    %mul3A_262 = arith.mulf %mul3A_261, %convert_element_type3A_4 : vector<784x128xf32>
    %mul3A_263 = vector.broadcast %get3A_196 : f32 to vector<784x128xf32>
    %mul3A_264 = arith.mulf %mul3A_263, %convert_element_type3A_11 : vector<784x128xf32>
    %add3A_265 = arith.addf %mul3A_262, %mul3A_264 : vector<784x128xf32>
    %mul3A_266 = vector.broadcast %get3A_200 : f32 to vector<784x128xf32>
    %mul3A_267 = arith.mulf %mul3A_266, %convert_element_type3A_18 : vector<784x128xf32>
    %add3A_268 = arith.addf %add3A_265, %mul3A_267 : vector<784x128xf32>
    %add3A_269 = vector.broadcast %get3A_204 : f32 to vector<784x128xf32>
    %add3A_270 = arith.addf %add3A_268, %add3A_269 : vector<784x128xf32>
    %mul3A_271 = vector.broadcast %get3A_208 : f32 to vector<784x128xf32>
    %mul3A_272 = arith.mulf %mul3A_271, %convert_element_type3A_4 : vector<784x128xf32>
    %mul3A_273 = vector.broadcast %get3A_212 : f32 to vector<784x128xf32>
    %mul3A_274 = arith.mulf %mul3A_273, %convert_element_type3A_11 : vector<784x128xf32>
    %add3A_275 = arith.addf %mul3A_272, %mul3A_274 : vector<784x128xf32>
    %mul3A_276 = vector.broadcast %get3A_216 : f32 to vector<784x128xf32>
    %mul3A_277 = arith.mulf %mul3A_276, %convert_element_type3A_18 : vector<784x128xf32>
    %add3A_278 = arith.addf %add3A_275, %mul3A_277 : vector<784x128xf32>
    %add3A_279 = vector.broadcast %get3A_220 : f32 to vector<784x128xf32>
    %add3A_280 = arith.addf %add3A_278, %add3A_279 : vector<784x128xf32>
    %mul3A_281 = vector.broadcast %get3A_224 : f32 to vector<784x128xf32>
    %mul3A_282 = arith.mulf %mul3A_281, %convert_element_type3A_4 : vector<784x128xf32>
    %mul3A_283 = vector.broadcast %get3A_228 : f32 to vector<784x128xf32>
    %mul3A_284 = arith.mulf %mul3A_283, %convert_element_type3A_11 : vector<784x128xf32>
    %add3A_285 = arith.addf %mul3A_282, %mul3A_284 : vector<784x128xf32>
    %mul3A_286 = vector.broadcast %get3A_232 : f32 to vector<784x128xf32>
    %mul3A_287 = arith.mulf %mul3A_286, %convert_element_type3A_18 : vector<784x128xf32>
    %add3A_288 = arith.addf %add3A_285, %mul3A_287 : vector<784x128xf32>
    %add3A_289 = vector.broadcast %get3A_236 : f32 to vector<784x128xf32>
    %add3A_290 = arith.addf %add3A_288, %add3A_289 : vector<784x128xf32>
    %max3A_291 = arith.constant 9.99999997E-7 : f32
    %max3A_292 = vector.broadcast %max3A_291 : f32 to vector<784x128xf32>
    %max3A_293 = arith.maximumf %add3A_290, %max3A_292 : vector<784x128xf32>
    %div3A_294 = arith.divf %add3A_270, %max3A_293 : vector<784x128xf32>
    %mul3A_295 = vector.broadcast %get3A_240 : f32 to vector<784x128xf32>
    %mul3A_296 = arith.mulf %mul3A_295, %div3A_294 : vector<784x128xf32>
    %add3A_297 = vector.broadcast %get3A_248 : f32 to vector<784x128xf32>
    %add3A_298 = arith.addf %mul3A_296, %add3A_297 : vector<784x128xf32>
    %div3A_299 = arith.divf %add3A_280, %max3A_293 : vector<784x128xf32>
    %mul3A_300 = vector.broadcast %get3A_244 : f32 to vector<784x128xf32>
    %mul3A_301 = arith.mulf %mul3A_300, %div3A_299 : vector<784x128xf32>
    %add3A_302 = vector.broadcast %get3A_252 : f32 to vector<784x128xf32>
    %add3A_303 = arith.addf %mul3A_301, %add3A_302 : vector<784x128xf32>
    %gt3A_304 = arith.constant 1.000000e-01 : f32
    %gt3A_305 = vector.broadcast %gt3A_304 : f32 to vector<784x128xf32>
    %gt3A_306 = arith.cmpf ogt, %add3A_290, %gt3A_305 : vector<784x128xf32>
    %ge3A_307 = arith.constant 0.000000e+00 : f32
    %ge3A_308 = vector.broadcast %ge3A_307 : f32 to vector<784x128xf32>
    %ge3A_309 = arith.cmpf oge, %add3A_298, %ge3A_308 : vector<784x128xf32>
    %and3A_310 = arith.andi %gt3A_306, %ge3A_309 : vector<784x128xi1>
    %le3A_311 = arith.constant 7.030000e+02 : f32
    %le3A_312 = vector.broadcast %le3A_311 : f32 to vector<784x128xf32>
    %le3A_313 = arith.cmpf ole, %add3A_298, %le3A_312 : vector<784x128xf32>
    %and3A_314 = arith.andi %and3A_310, %le3A_313 : vector<784x128xi1>
    %ge3A_315 = arith.constant 0.000000e+00 : f32
    %ge3A_316 = vector.broadcast %ge3A_315 : f32 to vector<784x128xf32>
    %ge3A_317 = arith.cmpf oge, %add3A_303, %ge3A_316 : vector<784x128xf32>
    %and3A_318 = arith.andi %and3A_314, %ge3A_317 : vector<784x128xi1>
    %le3A_319 = arith.constant 2.550000e+02 : f32
    %le3A_320 = vector.broadcast %le3A_319 : f32 to vector<784x128xf32>
    %le3A_321 = arith.cmpf ole, %add3A_303, %le3A_320 : vector<784x128xf32>
    %and3A_322 = arith.andi %and3A_318, %le3A_321 : vector<784x128xi1>
    %mul3A_323 = arith.constant 2.500000e-01 : f32
    %mul3A_324 = vector.broadcast %mul3A_323 : f32 to vector<784x128xf32>
    %mul3A_325 = arith.mulf %add3A_298, %mul3A_324 : vector<784x128xf32>
    %convert_element_type3A_326 = arith.fptosi %mul3A_325 : vector<784x128xf32> to vector<784x128xi32>
    %mul3A_327 = arith.constant 2.500000e-01 : f32
    %mul3A_328 = vector.broadcast %mul3A_327 : f32 to vector<784x128xf32>
    %mul3A_329 = arith.mulf %add3A_303, %mul3A_328 : vector<784x128xf32>
    %convert_element_type3A_330 = arith.fptosi %mul3A_329 : vector<784x128xf32> to vector<784x128xi32>
    %max3A_331 = vector.broadcast %get3A_256 : f32 to vector<784x128xf32>
    %max3A_332 = arith.maximumf %max3A_331, %add3A_290 : vector<784x128xf32>
    %min3A_333 = vector.broadcast %get3A_260 : f32 to vector<784x128xf32>
    %min3A_334 = arith.minimumf %min3A_333, %max3A_332 : vector<784x128xf32>
    %sub3A_335 = arith.constant 1.500000e+00 : f32
    %sub3A_336 = vector.broadcast %sub3A_335 : f32 to vector<784x128xf32>
    %sub3A_337 = arith.subf %min3A_334, %sub3A_336 : vector<784x128xf32>
    %convert_element_type3A_338 = arith.fptosi %sub3A_337 : vector<784x128xf32> to vector<784x128xi32>
    %convert_element_type3A_339 = arith.sitofp %convert_element_type3A_338 : vector<784x128xi32> to vector<784x128xf32>
    %add3A_340 = arith.constant 1.500000e+00 : f32
    %add3A_341 = vector.broadcast %add3A_340 : f32 to vector<784x128xf32>
    %add3A_342 = arith.addf %convert_element_type3A_339, %add3A_341 : vector<784x128xf32>
    %ge3A_343 = arith.cmpf oge, %add3A_342, %min3A_334 : vector<784x128xf32>
    %convert_element_type3A_344 = arith.extui %ge3A_343 : vector<784x128xi1> to vector<784x128xi32>
    %sub3A_345 = arith.subi %convert_element_type3A_338, %convert_element_type3A_344 : vector<784x128xi32>
    %jit3A_346 = arith.constant 0 : i32
    %jit3A_347 = arith.constant 47 : i32
    %max3A_348 = vector.broadcast %jit3A_346 : i32 to vector<784x128xi32>
    %max3A_349 = arith.maxsi %max3A_348, %sub3A_345 : vector<784x128xi32>
    %min3A_350 = vector.broadcast %jit3A_347 : i32 to vector<784x128xi32>
    %min3A_351 = arith.minsi %min3A_350, %max3A_349 : vector<784x128xi32>
    %mul3A_352 = arith.constant 11264 : i32
    %mul3A_353 = vector.broadcast %mul3A_352 : i32 to vector<784x128xi32>
    %mul3A_354 = arith.muli %convert_element_type3A_330, %mul3A_353 : vector<784x128xi32>
    %mul3A_355 = arith.constant 64 : i32
    %mul3A_356 = vector.broadcast %mul3A_355 : i32 to vector<784x128xi32>
    %mul3A_357 = arith.muli %convert_element_type3A_326, %mul3A_356 : vector<784x128xi32>
    %add3A_358 = arith.addi %mul3A_354, %mul3A_357 : vector<784x128xi32>
    %add3A_359 = arith.addi %add3A_358, %min3A_351 : vector<784x128xi32>
    %add3A_360 = arith.constant 720896 : i32
    %add3A_361 = vector.broadcast %add3A_360 : i32 to vector<784x128xi32>
    %add3A_362 = arith.addi %add3A_359, %add3A_361 : vector<784x128xi32>
    %jit3A_363 = arith.constant 720959 : i32
    %broadcast_in_dim3A_364 = vector.broadcast %jit3A_363 : i32 to vector<784x128xi32>
    %select_n3A_365 = arith.select %and3A_322, %add3A_362, %broadcast_in_dim3A_364 : vector<784x128xi1>, vector<784x128xi32>
    %swap3A_366 = arith.constant 0 : index
    %swap3A_367 = arith.constant 1 : index
    %swap3A_368 = arith.constant 0 : index
    %swap3A_369 = arith.constant 0 : index
    %swap3A_370 = vector.load %arg5[%swap3A_366, %swap3A_367, %swap3A_368, %swap3A_369] : memref<1x6x784x128xi32, #tpu.memory_space<vmem>>, vector<1x1x784x128xi32>
    %swap3A_371 = vector.shape_cast %swap3A_370 : vector<1x1x784x128xi32> to vector<784x128xi32>
    %swap3A_372 = vector.shape_cast %select_n3A_365 : vector<784x128xi32> to vector<1x1x784x128xi32>
    tpu.vector_store %arg5[%swap3A_366, %swap3A_367, %swap3A_368, %swap3A_369], %swap3A_372 {strides = array<i32>} : memref<1x6x784x128xi32, #tpu.memory_space<vmem>>, vector<1x1x784x128xi32>,
    %get3A_373 = arith.constant 0 : index
    %get3A_374 = arith.constant 2 : index
    %get3A_375 = arith.constant 0 : index
    %get3A_376 = memref.load %arg4[%get3A_373, %get3A_374, %get3A_375] : memref<1x6x18xf32, #tpu.memory_space<smem>>
    %get3A_377 = arith.constant 0 : index
    %get3A_378 = arith.constant 2 : index
    %get3A_379 = arith.constant 1 : index
    %get3A_380 = memref.load %arg4[%get3A_377, %get3A_378, %get3A_379] : memref<1x6x18xf32, #tpu.memory_space<smem>>
    %get3A_381 = arith.constant 0 : index
    %get3A_382 = arith.constant 2 : index
    %get3A_383 = arith.constant 2 : index
    %get3A_384 = memref.load %arg4[%get3A_381, %get3A_382, %get3A_383] : memref<1x6x18xf32, #tpu.memory_space<smem>>
    %get3A_385 = arith.constant 0 : index
    %get3A_386 = arith.constant 2 : index
    %get3A_387 = arith.constant 3 : index
    %get3A_388 = memref.load %arg4[%get3A_385, %get3A_386, %get3A_387] : memref<1x6x18xf32, #tpu.memory_space<smem>>
    %get3A_389 = arith.constant 0 : index
    %get3A_390 = arith.constant 2 : index
    %get3A_391 = arith.constant 4 : index
    %get3A_392 = memref.load %arg4[%get3A_389, %get3A_390, %get3A_391] : memref<1x6x18xf32, #tpu.memory_space<smem>>
    %get3A_393 = arith.constant 0 : index
    %get3A_394 = arith.constant 2 : index
    %get3A_395 = arith.constant 5 : index
    %get3A_396 = memref.load %arg4[%get3A_393, %get3A_394, %get3A_395] : memref<1x6x18xf32, #tpu.memory_space<smem>>
    %get3A_397 = arith.constant 0 : index
    %get3A_398 = arith.constant 2 : index
    %get3A_399 = arith.constant 6 : index
    %get3A_400 = memref.load %arg4[%get3A_397, %get3A_398, %get3A_399] : memref<1x6x18xf32, #tpu.memory_space<smem>>
    %get3A_401 = arith.constant 0 : index
    %get3A_402 = arith.constant 2 : index
    %get3A_403 = arith.constant 7 : index
    %get3A_404 = memref.load %arg4[%get3A_401, %get3A_402, %get3A_403] : memref<1x6x18xf32, #tpu.memory_space<smem>>
    %get3A_405 = arith.constant 0 : index
    %get3A_406 = arith.constant 2 : index
    %get3A_407 = arith.constant 8 : index
    %get3A_408 = memref.load %arg4[%get3A_405, %get3A_406, %get3A_407] : memref<1x6x18xf32, #tpu.memory_space<smem>>
    %get3A_409 = arith.constant 0 : index
    %get3A_410 = arith.constant 2 : index
    %get3A_411 = arith.constant 9 : index
    %get3A_412 = memref.load %arg4[%get3A_409, %get3A_410, %get3A_411] : memref<1x6x18xf32, #tpu.memory_space<smem>>
    %get3A_413 = arith.constant 0 : index
    %get3A_414 = arith.constant 2 : index
    %get3A_415 = arith.constant 10 : index
    %get3A_416 = memref.load %arg4[%get3A_413, %get3A_414, %get3A_415] : memref<1x6x18xf32, #tpu.memory_space<smem>>
    %get3A_417 = arith.constant 0 : index
    %get3A_418 = arith.constant 2 : index
    %get3A_419 = arith.constant 11 : index
    %get3A_420 = memref.load %arg4[%get3A_417, %get3A_418, %get3A_419] : memref<1x6x18xf32, #tpu.memory_space<smem>>
    %get3A_421 = arith.constant 0 : index
    %get3A_422 = arith.constant 2 : index
    %get3A_423 = arith.constant 12 : index
    %get3A_424 = memref.load %arg4[%get3A_421, %get3A_422, %get3A_423] : memref<1x6x18xf32, #tpu.memory_space<smem>>
    %get3A_425 = arith.constant 0 : index
    %get3A_426 = arith.constant 2 : index
    %get3A_427 = arith.constant 13 : index
    %get3A_428 = memref.load %arg4[%get3A_425, %get3A_426, %get3A_427] : memref<1x6x18xf32, #tpu.memory_space<smem>>
    %get3A_429 = arith.constant 0 : index
    %get3A_430 = arith.constant 2 : index
    %get3A_431 = arith.constant 14 : index
    %get3A_432 = memref.load %arg4[%get3A_429, %get3A_430, %get3A_431] : memref<1x6x18xf32, #tpu.memory_space<smem>>
    %get3A_433 = arith.constant 0 : index
    %get3A_434 = arith.constant 2 : index
    %get3A_435 = arith.constant 15 : index
    %get3A_436 = memref.load %arg4[%get3A_433, %get3A_434, %get3A_435] : memref<1x6x18xf32, #tpu.memory_space<smem>>
    %get3A_437 = arith.constant 0 : index
    %get3A_438 = arith.constant 2 : index
    %get3A_439 = arith.constant 16 : index
    %get3A_440 = memref.load %arg4[%get3A_437, %get3A_438, %get3A_439] : memref<1x6x18xf32, #tpu.memory_space<smem>>
    %get3A_441 = arith.constant 0 : index
    %get3A_442 = arith.constant 2 : index
    %get3A_443 = arith.constant 17 : index
    %get3A_444 = memref.load %arg4[%get3A_441, %get3A_442, %get3A_443] : memref<1x6x18xf32, #tpu.memory_space<smem>>
    %mul3A_445 = vector.broadcast %get3A_376 : f32 to vector<784x128xf32>
    %mul3A_446 = arith.mulf %mul3A_445, %convert_element_type3A_4 : vector<784x128xf32>
    %mul3A_447 = vector.broadcast %get3A_380 : f32 to vector<784x128xf32>
    %mul3A_448 = arith.mulf %mul3A_447, %convert_element_type3A_11 : vector<784x128xf32>
    %add3A_449 = arith.addf %mul3A_446, %mul3A_448 : vector<784x128xf32>
    %mul3A_450 = vector.broadcast %get3A_384 : f32 to vector<784x128xf32>
    %mul3A_451 = arith.mulf %mul3A_450, %convert_element_type3A_18 : vector<784x128xf32>
    %add3A_452 = arith.addf %add3A_449, %mul3A_451 : vector<784x128xf32>
    %add3A_453 = vector.broadcast %get3A_388 : f32 to vector<784x128xf32>
    %add3A_454 = arith.addf %add3A_452, %add3A_453 : vector<784x128xf32>
    %mul3A_455 = vector.broadcast %get3A_392 : f32 to vector<784x128xf32>
    %mul3A_456 = arith.mulf %mul3A_455, %convert_element_type3A_4 : vector<784x128xf32>
    %mul3A_457 = vector.broadcast %get3A_396 : f32 to vector<784x128xf32>
    %mul3A_458 = arith.mulf %mul3A_457, %convert_element_type3A_11 : vector<784x128xf32>
    %add3A_459 = arith.addf %mul3A_456, %mul3A_458 : vector<784x128xf32>
    %mul3A_460 = vector.broadcast %get3A_400 : f32 to vector<784x128xf32>
    %mul3A_461 = arith.mulf %mul3A_460, %convert_element_type3A_18 : vector<784x128xf32>
    %add3A_462 = arith.addf %add3A_459, %mul3A_461 : vector<784x128xf32>
    %add3A_463 = vector.broadcast %get3A_404 : f32 to vector<784x128xf32>
    %add3A_464 = arith.addf %add3A_462, %add3A_463 : vector<784x128xf32>
    %mul3A_465 = vector.broadcast %get3A_408 : f32 to vector<784x128xf32>
    %mul3A_466 = arith.mulf %mul3A_465, %convert_element_type3A_4 : vector<784x128xf32>
    %mul3A_467 = vector.broadcast %get3A_412 : f32 to vector<784x128xf32>
    %mul3A_468 = arith.mulf %mul3A_467, %convert_element_type3A_11 : vector<784x128xf32>
    %add3A_469 = arith.addf %mul3A_466, %mul3A_468 : vector<784x128xf32>
    %mul3A_470 = vector.broadcast %get3A_416 : f32 to vector<784x128xf32>
    %mul3A_471 = arith.mulf %mul3A_470, %convert_element_type3A_18 : vector<784x128xf32>
    %add3A_472 = arith.addf %add3A_469, %mul3A_471 : vector<784x128xf32>
    %add3A_473 = vector.broadcast %get3A_420 : f32 to vector<784x128xf32>
    %add3A_474 = arith.addf %add3A_472, %add3A_473 : vector<784x128xf32>
    %max3A_475 = arith.constant 9.99999997E-7 : f32
    %max3A_476 = vector.broadcast %max3A_475 : f32 to vector<784x128xf32>
    %max3A_477 = arith.maximumf %add3A_474, %max3A_476 : vector<784x128xf32>
    %div3A_478 = arith.divf %add3A_454, %max3A_477 : vector<784x128xf32>
    %mul3A_479 = vector.broadcast %get3A_424 : f32 to vector<784x128xf32>
    %mul3A_480 = arith.mulf %mul3A_479, %div3A_478 : vector<784x128xf32>
    %add3A_481 = vector.broadcast %get3A_432 : f32 to vector<784x128xf32>
    %add3A_482 = arith.addf %mul3A_480, %add3A_481 : vector<784x128xf32>
    %div3A_483 = arith.divf %add3A_464, %max3A_477 : vector<784x128xf32>
    %mul3A_484 = vector.broadcast %get3A_428 : f32 to vector<784x128xf32>
    %mul3A_485 = arith.mulf %mul3A_484, %div3A_483 : vector<784x128xf32>
    %add3A_486 = vector.broadcast %get3A_436 : f32 to vector<784x128xf32>
    %add3A_487 = arith.addf %mul3A_485, %add3A_486 : vector<784x128xf32>
    %gt3A_488 = arith.constant 1.000000e-01 : f32
    %gt3A_489 = vector.broadcast %gt3A_488 : f32 to vector<784x128xf32>
    %gt3A_490 = arith.cmpf ogt, %add3A_474, %gt3A_489 : vector<784x128xf32>
    %ge3A_491 = arith.constant 0.000000e+00 : f32
    %ge3A_492 = vector.broadcast %ge3A_491 : f32 to vector<784x128xf32>
    %ge3A_493 = arith.cmpf oge, %add3A_482, %ge3A_492 : vector<784x128xf32>
    %and3A_494 = arith.andi %gt3A_490, %ge3A_493 : vector<784x128xi1>
    %le3A_495 = arith.constant 7.030000e+02 : f32
    %le3A_496 = vector.broadcast %le3A_495 : f32 to vector<784x128xf32>
    %le3A_497 = arith.cmpf ole, %add3A_482, %le3A_496 : vector<784x128xf32>
    %and3A_498 = arith.andi %and3A_494, %le3A_497 : vector<784x128xi1>
    %ge3A_499 = arith.constant 0.000000e+00 : f32
    %ge3A_500 = vector.broadcast %ge3A_499 : f32 to vector<784x128xf32>
    %ge3A_501 = arith.cmpf oge, %add3A_487, %ge3A_500 : vector<784x128xf32>
    %and3A_502 = arith.andi %and3A_498, %ge3A_501 : vector<784x128xi1>
    %le3A_503 = arith.constant 2.550000e+02 : f32
    %le3A_504 = vector.broadcast %le3A_503 : f32 to vector<784x128xf32>
    %le3A_505 = arith.cmpf ole, %add3A_487, %le3A_504 : vector<784x128xf32>
    %and3A_506 = arith.andi %and3A_502, %le3A_505 : vector<784x128xi1>
    %mul3A_507 = arith.constant 2.500000e-01 : f32
    %mul3A_508 = vector.broadcast %mul3A_507 : f32 to vector<784x128xf32>
    %mul3A_509 = arith.mulf %add3A_482, %mul3A_508 : vector<784x128xf32>
    %convert_element_type3A_510 = arith.fptosi %mul3A_509 : vector<784x128xf32> to vector<784x128xi32>
    %mul3A_511 = arith.constant 2.500000e-01 : f32
    %mul3A_512 = vector.broadcast %mul3A_511 : f32 to vector<784x128xf32>
    %mul3A_513 = arith.mulf %add3A_487, %mul3A_512 : vector<784x128xf32>
    %convert_element_type3A_514 = arith.fptosi %mul3A_513 : vector<784x128xf32> to vector<784x128xi32>
    %max3A_515 = vector.broadcast %get3A_440 : f32 to vector<784x128xf32>
    %max3A_516 = arith.maximumf %max3A_515, %add3A_474 : vector<784x128xf32>
    %min3A_517 = vector.broadcast %get3A_444 : f32 to vector<784x128xf32>
    %min3A_518 = arith.minimumf %min3A_517, %max3A_516 : vector<784x128xf32>
    %sub3A_519 = arith.constant 1.500000e+00 : f32
    %sub3A_520 = vector.broadcast %sub3A_519 : f32 to vector<784x128xf32>
    %sub3A_521 = arith.subf %min3A_518, %sub3A_520 : vector<784x128xf32>
    %convert_element_type3A_522 = arith.fptosi %sub3A_521 : vector<784x128xf32> to vector<784x128xi32>
    %convert_element_type3A_523 = arith.sitofp %convert_element_type3A_522 : vector<784x128xi32> to vector<784x128xf32>
    %add3A_524 = arith.constant 1.500000e+00 : f32
    %add3A_525 = vector.broadcast %add3A_524 : f32 to vector<784x128xf32>
    %add3A_526 = arith.addf %convert_element_type3A_523, %add3A_525 : vector<784x128xf32>
    %ge3A_527 = arith.cmpf oge, %add3A_526, %min3A_518 : vector<784x128xf32>
    %convert_element_type3A_528 = arith.extui %ge3A_527 : vector<784x128xi1> to vector<784x128xi32>
    %sub3A_529 = arith.subi %convert_element_type3A_522, %convert_element_type3A_528 : vector<784x128xi32>
    %jit3A_530 = arith.constant 0 : i32
    %jit3A_531 = arith.constant 47 : i32
    %max3A_532 = vector.broadcast %jit3A_530 : i32 to vector<784x128xi32>
    %max3A_533 = arith.maxsi %max3A_532, %sub3A_529 : vector<784x128xi32>
    %min3A_534 = vector.broadcast %jit3A_531 : i32 to vector<784x128xi32>
    %min3A_535 = arith.minsi %min3A_534, %max3A_533 : vector<784x128xi32>
    %mul3A_536 = arith.constant 11264 : i32
    %mul3A_537 = vector.broadcast %mul3A_536 : i32 to vector<784x128xi32>
    %mul3A_538 = arith.muli %convert_element_type3A_514, %mul3A_537 : vector<784x128xi32>
    %mul3A_539 = arith.constant 64 : i32
    %mul3A_540 = vector.broadcast %mul3A_539 : i32 to vector<784x128xi32>
    %mul3A_541 = arith.muli %convert_element_type3A_510, %mul3A_540 : vector<784x128xi32>
    %add3A_542 = arith.addi %mul3A_538, %mul3A_541 : vector<784x128xi32>
    %add3A_543 = arith.addi %add3A_542, %min3A_535 : vector<784x128xi32>
    %add3A_544 = arith.constant 1441792 : i32
    %add3A_545 = vector.broadcast %add3A_544 : i32 to vector<784x128xi32>
    %add3A_546 = arith.addi %add3A_543, %add3A_545 : vector<784x128xi32>
    %jit3A_547 = arith.constant 1441855 : i32
    %broadcast_in_dim3A_548 = vector.broadcast %jit3A_547 : i32 to vector<784x128xi32>
    %select_n3A_549 = arith.select %and3A_506, %add3A_546, %broadcast_in_dim3A_548 : vector<784x128xi1>, vector<784x128xi32>
    %swap3A_550 = arith.constant 0 : index
    %swap3A_551 = arith.constant 2 : index
    %swap3A_552 = arith.constant 0 : index
    %swap3A_553 = arith.constant 0 : index
    %swap3A_554 = vector.load %arg5[%swap3A_550, %swap3A_551, %swap3A_552, %swap3A_553] : memref<1x6x784x128xi32, #tpu.memory_space<vmem>>, vector<1x1x784x128xi32>
    %swap3A_555 = vector.shape_cast %swap3A_554 : vector<1x1x784x128xi32> to vector<784x128xi32>
    %swap3A_556 = vector.shape_cast %select_n3A_549 : vector<784x128xi32> to vector<1x1x784x128xi32>
    tpu.vector_store %arg5[%swap3A_550, %swap3A_551, %swap3A_552, %swap3A_553], %swap3A_556 {strides = array<i32>} : memref<1x6x784x128xi32, #tpu.memory_space<vmem>>, vector<1x1x784x128xi32>,
    %get3A_557 = arith.constant 0 : index
    %get3A_558 = arith.constant 3 : index
    %get3A_559 = arith.constant 0 : index
    %get3A_560 = memref.load %arg4[%get3A_557, %get3A_558, %get3A_559] : memref<1x6x18xf32, #tpu.memory_space<smem>>
    %get3A_561 = arith.constant 0 : index
    %get3A_562 = arith.constant 3 : index
    %get3A_563 = arith.constant 1 : index
    %get3A_564 = memref.load %arg4[%get3A_561, %get3A_562, %get3A_563] : memref<1x6x18xf32, #tpu.memory_space<smem>>
    %get3A_565 = arith.constant 0 : index
    %get3A_566 = arith.constant 3 : index
    %get3A_567 = arith.constant 2 : index
    %get3A_568 = memref.load %arg4[%get3A_565, %get3A_566, %get3A_567] : memref<1x6x18xf32, #tpu.memory_space<smem>>
    %get3A_569 = arith.constant 0 : index
    %get3A_570 = arith.constant 3 : index
    %get3A_571 = arith.constant 3 : index
    %get3A_572 = memref.load %arg4[%get3A_569, %get3A_570, %get3A_571] : memref<1x6x18xf32, #tpu.memory_space<smem>>
    %get3A_573 = arith.constant 0 : index
    %get3A_574 = arith.constant 3 : index
    %get3A_575 = arith.constant 4 : index
    %get3A_576 = memref.load %arg4[%get3A_573, %get3A_574, %get3A_575] : memref<1x6x18xf32, #tpu.memory_space<smem>>
    %get3A_577 = arith.constant 0 : index
    %get3A_578 = arith.constant 3 : index
    %get3A_579 = arith.constant 5 : index
    %get3A_580 = memref.load %arg4[%get3A_577, %get3A_578, %get3A_579] : memref<1x6x18xf32, #tpu.memory_space<smem>>
    %get3A_581 = arith.constant 0 : index
    %get3A_582 = arith.constant 3 : index
    %get3A_583 = arith.constant 6 : index
    %get3A_584 = memref.load %arg4[%get3A_581, %get3A_582, %get3A_583] : memref<1x6x18xf32, #tpu.memory_space<smem>>
    %get3A_585 = arith.constant 0 : index
    %get3A_586 = arith.constant 3 : index
    %get3A_587 = arith.constant 7 : index
    %get3A_588 = memref.load %arg4[%get3A_585, %get3A_586, %get3A_587] : memref<1x6x18xf32, #tpu.memory_space<smem>>
    %get3A_589 = arith.constant 0 : index
    %get3A_590 = arith.constant 3 : index
    %get3A_591 = arith.constant 8 : index
    %get3A_592 = memref.load %arg4[%get3A_589, %get3A_590, %get3A_591] : memref<1x6x18xf32, #tpu.memory_space<smem>>
    %get3A_593 = arith.constant 0 : index
    %get3A_594 = arith.constant 3 : index
    %get3A_595 = arith.constant 9 : index
    %get3A_596 = memref.load %arg4[%get3A_593, %get3A_594, %get3A_595] : memref<1x6x18xf32, #tpu.memory_space<smem>>
    %get3A_597 = arith.constant 0 : index
    %get3A_598 = arith.constant 3 : index
    %get3A_599 = arith.constant 10 : index
    %get3A_600 = memref.load %arg4[%get3A_597, %get3A_598, %get3A_599] : memref<1x6x18xf32, #tpu.memory_space<smem>>
    %get3A_601 = arith.constant 0 : index
    %get3A_602 = arith.constant 3 : index
    %get3A_603 = arith.constant 11 : index
    %get3A_604 = memref.load %arg4[%get3A_601, %get3A_602, %get3A_603] : memref<1x6x18xf32, #tpu.memory_space<smem>>
    %get3A_605 = arith.constant 0 : index
    %get3A_606 = arith.constant 3 : index
    %get3A_607 = arith.constant 12 : index
    %get3A_608 = memref.load %arg4[%get3A_605, %get3A_606, %get3A_607] : memref<1x6x18xf32, #tpu.memory_space<smem>>
    %get3A_609 = arith.constant 0 : index
    %get3A_610 = arith.constant 3 : index
    %get3A_611 = arith.constant 13 : index
    %get3A_612 = memref.load %arg4[%get3A_609, %get3A_610, %get3A_611] : memref<1x6x18xf32, #tpu.memory_space<smem>>
    %get3A_613 = arith.constant 0 : index
    %get3A_614 = arith.constant 3 : index
    %get3A_615 = arith.constant 14 : index
    %get3A_616 = memref.load %arg4[%get3A_613, %get3A_614, %get3A_615] : memref<1x6x18xf32, #tpu.memory_space<smem>>
    %get3A_617 = arith.constant 0 : index
    %get3A_618 = arith.constant 3 : index
    %get3A_619 = arith.constant 15 : index
    %get3A_620 = memref.load %arg4[%get3A_617, %get3A_618, %get3A_619] : memref<1x6x18xf32, #tpu.memory_space<smem>>
    %get3A_621 = arith.constant 0 : index
    %get3A_622 = arith.constant 3 : index
    %get3A_623 = arith.constant 16 : index
    %get3A_624 = memref.load %arg4[%get3A_621, %get3A_622, %get3A_623] : memref<1x6x18xf32, #tpu.memory_space<smem>>
    %get3A_625 = arith.constant 0 : index
    %get3A_626 = arith.constant 3 : index
    %get3A_627 = arith.constant 17 : index
    %get3A_628 = memref.load %arg4[%get3A_625, %get3A_626, %get3A_627] : memref<1x6x18xf32, #tpu.memory_space<smem>>
    %mul3A_629 = vector.broadcast %get3A_560 : f32 to vector<784x128xf32>
    %mul3A_630 = arith.mulf %mul3A_629, %convert_element_type3A_4 : vector<784x128xf32>
    %mul3A_631 = vector.broadcast %get3A_564 : f32 to vector<784x128xf32>
    %mul3A_632 = arith.mulf %mul3A_631, %convert_element_type3A_11 : vector<784x128xf32>
    %add3A_633 = arith.addf %mul3A_630, %mul3A_632 : vector<784x128xf32>
    %mul3A_634 = vector.broadcast %get3A_568 : f32 to vector<784x128xf32>
    %mul3A_635 = arith.mulf %mul3A_634, %convert_element_type3A_18 : vector<784x128xf32>
    %add3A_636 = arith.addf %add3A_633, %mul3A_635 : vector<784x128xf32>
    %add3A_637 = vector.broadcast %get3A_572 : f32 to vector<784x128xf32>
    %add3A_638 = arith.addf %add3A_636, %add3A_637 : vector<784x128xf32>
    %mul3A_639 = vector.broadcast %get3A_576 : f32 to vector<784x128xf32>
    %mul3A_640 = arith.mulf %mul3A_639, %convert_element_type3A_4 : vector<784x128xf32>
    %mul3A_641 = vector.broadcast %get3A_580 : f32 to vector<784x128xf32>
    %mul3A_642 = arith.mulf %mul3A_641, %convert_element_type3A_11 : vector<784x128xf32>
    %add3A_643 = arith.addf %mul3A_640, %mul3A_642 : vector<784x128xf32>
    %mul3A_644 = vector.broadcast %get3A_584 : f32 to vector<784x128xf32>
    %mul3A_645 = arith.mulf %mul3A_644, %convert_element_type3A_18 : vector<784x128xf32>
    %add3A_646 = arith.addf %add3A_643, %mul3A_645 : vector<784x128xf32>
    %add3A_647 = vector.broadcast %get3A_588 : f32 to vector<784x128xf32>
    %add3A_648 = arith.addf %add3A_646, %add3A_647 : vector<784x128xf32>
    %mul3A_649 = vector.broadcast %get3A_592 : f32 to vector<784x128xf32>
    %mul3A_650 = arith.mulf %mul3A_649, %convert_element_type3A_4 : vector<784x128xf32>
    %mul3A_651 = vector.broadcast %get3A_596 : f32 to vector<784x128xf32>
    %mul3A_652 = arith.mulf %mul3A_651, %convert_element_type3A_11 : vector<784x128xf32>
    %add3A_653 = arith.addf %mul3A_650, %mul3A_652 : vector<784x128xf32>
    %mul3A_654 = vector.broadcast %get3A_600 : f32 to vector<784x128xf32>
    %mul3A_655 = arith.mulf %mul3A_654, %convert_element_type3A_18 : vector<784x128xf32>
    %add3A_656 = arith.addf %add3A_653, %mul3A_655 : vector<784x128xf32>
    %add3A_657 = vector.broadcast %get3A_604 : f32 to vector<784x128xf32>
    %add3A_658 = arith.addf %add3A_656, %add3A_657 : vector<784x128xf32>
    %max3A_659 = arith.constant 9.99999997E-7 : f32
    %max3A_660 = vector.broadcast %max3A_659 : f32 to vector<784x128xf32>
    %max3A_661 = arith.maximumf %add3A_658, %max3A_660 : vector<784x128xf32>
    %div3A_662 = arith.divf %add3A_638, %max3A_661 : vector<784x128xf32>
    %mul3A_663 = vector.broadcast %get3A_608 : f32 to vector<784x128xf32>
    %mul3A_664 = arith.mulf %mul3A_663, %div3A_662 : vector<784x128xf32>
    %add3A_665 = vector.broadcast %get3A_616 : f32 to vector<784x128xf32>
    %add3A_666 = arith.addf %mul3A_664, %add3A_665 : vector<784x128xf32>
    %div3A_667 = arith.divf %add3A_648, %max3A_661 : vector<784x128xf32>
    %mul3A_668 = vector.broadcast %get3A_612 : f32 to vector<784x128xf32>
    %mul3A_669 = arith.mulf %mul3A_668, %div3A_667 : vector<784x128xf32>
    %add3A_670 = vector.broadcast %get3A_620 : f32 to vector<784x128xf32>
    %add3A_671 = arith.addf %mul3A_669, %add3A_670 : vector<784x128xf32>
    %gt3A_672 = arith.constant 1.000000e-01 : f32
    %gt3A_673 = vector.broadcast %gt3A_672 : f32 to vector<784x128xf32>
    %gt3A_674 = arith.cmpf ogt, %add3A_658, %gt3A_673 : vector<784x128xf32>
    %ge3A_675 = arith.constant 0.000000e+00 : f32
    %ge3A_676 = vector.broadcast %ge3A_675 : f32 to vector<784x128xf32>
    %ge3A_677 = arith.cmpf oge, %add3A_666, %ge3A_676 : vector<784x128xf32>
    %and3A_678 = arith.andi %gt3A_674, %ge3A_677 : vector<784x128xi1>
    %le3A_679 = arith.constant 7.030000e+02 : f32
    %le3A_680 = vector.broadcast %le3A_679 : f32 to vector<784x128xf32>
    %le3A_681 = arith.cmpf ole, %add3A_666, %le3A_680 : vector<784x128xf32>
    %and3A_682 = arith.andi %and3A_678, %le3A_681 : vector<784x128xi1>
    %ge3A_683 = arith.constant 0.000000e+00 : f32
    %ge3A_684 = vector.broadcast %ge3A_683 : f32 to vector<784x128xf32>
    %ge3A_685 = arith.cmpf oge, %add3A_671, %ge3A_684 : vector<784x128xf32>
    %and3A_686 = arith.andi %and3A_682, %ge3A_685 : vector<784x128xi1>
    %le3A_687 = arith.constant 2.550000e+02 : f32
    %le3A_688 = vector.broadcast %le3A_687 : f32 to vector<784x128xf32>
    %le3A_689 = arith.cmpf ole, %add3A_671, %le3A_688 : vector<784x128xf32>
    %and3A_690 = arith.andi %and3A_686, %le3A_689 : vector<784x128xi1>
    %mul3A_691 = arith.constant 2.500000e-01 : f32
    %mul3A_692 = vector.broadcast %mul3A_691 : f32 to vector<784x128xf32>
    %mul3A_693 = arith.mulf %add3A_666, %mul3A_692 : vector<784x128xf32>
    %convert_element_type3A_694 = arith.fptosi %mul3A_693 : vector<784x128xf32> to vector<784x128xi32>
    %mul3A_695 = arith.constant 2.500000e-01 : f32
    %mul3A_696 = vector.broadcast %mul3A_695 : f32 to vector<784x128xf32>
    %mul3A_697 = arith.mulf %add3A_671, %mul3A_696 : vector<784x128xf32>
    %convert_element_type3A_698 = arith.fptosi %mul3A_697 : vector<784x128xf32> to vector<784x128xi32>
    %max3A_699 = vector.broadcast %get3A_624 : f32 to vector<784x128xf32>
    %max3A_700 = arith.maximumf %max3A_699, %add3A_658 : vector<784x128xf32>
    %min3A_701 = vector.broadcast %get3A_628 : f32 to vector<784x128xf32>
    %min3A_702 = arith.minimumf %min3A_701, %max3A_700 : vector<784x128xf32>
    %sub3A_703 = arith.constant 1.500000e+00 : f32
    %sub3A_704 = vector.broadcast %sub3A_703 : f32 to vector<784x128xf32>
    %sub3A_705 = arith.subf %min3A_702, %sub3A_704 : vector<784x128xf32>
    %convert_element_type3A_706 = arith.fptosi %sub3A_705 : vector<784x128xf32> to vector<784x128xi32>
    %convert_element_type3A_707 = arith.sitofp %convert_element_type3A_706 : vector<784x128xi32> to vector<784x128xf32>
    %add3A_708 = arith.constant 1.500000e+00 : f32
    %add3A_709 = vector.broadcast %add3A_708 : f32 to vector<784x128xf32>
    %add3A_710 = arith.addf %convert_element_type3A_707, %add3A_709 : vector<784x128xf32>
    %ge3A_711 = arith.cmpf oge, %add3A_710, %min3A_702 : vector<784x128xf32>
    %convert_element_type3A_712 = arith.extui %ge3A_711 : vector<784x128xi1> to vector<784x128xi32>
    %sub3A_713 = arith.subi %convert_element_type3A_706, %convert_element_type3A_712 : vector<784x128xi32>
    %jit3A_714 = arith.constant 0 : i32
    %jit3A_715 = arith.constant 47 : i32
    %max3A_716 = vector.broadcast %jit3A_714 : i32 to vector<784x128xi32>
    %max3A_717 = arith.maxsi %max3A_716, %sub3A_713 : vector<784x128xi32>
    %min3A_718 = vector.broadcast %jit3A_715 : i32 to vector<784x128xi32>
    %min3A_719 = arith.minsi %min3A_718, %max3A_717 : vector<784x128xi32>
    %mul3A_720 = arith.constant 11264 : i32
    %mul3A_721 = vector.broadcast %mul3A_720 : i32 to vector<784x128xi32>
    %mul3A_722 = arith.muli %convert_element_type3A_698, %mul3A_721 : vector<784x128xi32>
    %mul3A_723 = arith.constant 64 : i32
    %mul3A_724 = vector.broadcast %mul3A_723 : i32 to vector<784x128xi32>
    %mul3A_725 = arith.muli %convert_element_type3A_694, %mul3A_724 : vector<784x128xi32>
    %add3A_726 = arith.addi %mul3A_722, %mul3A_725 : vector<784x128xi32>
    %add3A_727 = arith.addi %add3A_726, %min3A_719 : vector<784x128xi32>
    %add3A_728 = arith.constant 2162688 : i32
    %add3A_729 = vector.broadcast %add3A_728 : i32 to vector<784x128xi32>
    %add3A_730 = arith.addi %add3A_727, %add3A_729 : vector<784x128xi32>
    %jit3A_731 = arith.constant 2162751 : i32
    %broadcast_in_dim3A_732 = vector.broadcast %jit3A_731 : i32 to vector<784x128xi32>
    %select_n3A_733 = arith.select %and3A_690, %add3A_730, %broadcast_in_dim3A_732 : vector<784x128xi1>, vector<784x128xi32>
    %swap3A_734 = arith.constant 0 : index
    %swap3A_735 = arith.constant 3 : index
    %swap3A_736 = arith.constant 0 : index
    %swap3A_737 = arith.constant 0 : index
    %swap3A_738 = vector.load %arg5[%swap3A_734, %swap3A_735, %swap3A_736, %swap3A_737] : memref<1x6x784x128xi32, #tpu.memory_space<vmem>>, vector<1x1x784x128xi32>
    %swap3A_739 = vector.shape_cast %swap3A_738 : vector<1x1x784x128xi32> to vector<784x128xi32>
    %swap3A_740 = vector.shape_cast %select_n3A_733 : vector<784x128xi32> to vector<1x1x784x128xi32>
    tpu.vector_store %arg5[%swap3A_734, %swap3A_735, %swap3A_736, %swap3A_737], %swap3A_740 {strides = array<i32>} : memref<1x6x784x128xi32, #tpu.memory_space<vmem>>, vector<1x1x784x128xi32>,
    %get3A_741 = arith.constant 0 : index
    %get3A_742 = arith.constant 4 : index
    %get3A_743 = arith.constant 0 : index
    %get3A_744 = memref.load %arg4[%get3A_741, %get3A_742, %get3A_743] : memref<1x6x18xf32, #tpu.memory_space<smem>>
    %get3A_745 = arith.constant 0 : index
    %get3A_746 = arith.constant 4 : index
    %get3A_747 = arith.constant 1 : index
    %get3A_748 = memref.load %arg4[%get3A_745, %get3A_746, %get3A_747] : memref<1x6x18xf32, #tpu.memory_space<smem>>
    %get3A_749 = arith.constant 0 : index
    %get3A_750 = arith.constant 4 : index
    %get3A_751 = arith.constant 2 : index
    %get3A_752 = memref.load %arg4[%get3A_749, %get3A_750, %get3A_751] : memref<1x6x18xf32, #tpu.memory_space<smem>>
    %get3A_753 = arith.constant 0 : index
    %get3A_754 = arith.constant 4 : index
    %get3A_755 = arith.constant 3 : index
    %get3A_756 = memref.load %arg4[%get3A_753, %get3A_754, %get3A_755] : memref<1x6x18xf32, #tpu.memory_space<smem>>
    %get3A_757 = arith.constant 0 : index
    %get3A_758 = arith.constant 4 : index
    %get3A_759 = arith.constant 4 : index
    %get3A_760 = memref.load %arg4[%get3A_757, %get3A_758, %get3A_759] : memref<1x6x18xf32, #tpu.memory_space<smem>>
    %get3A_761 = arith.constant 0 : index
    %get3A_762 = arith.constant 4 : index
    %get3A_763 = arith.constant 5 : index
    %get3A_764 = memref.load %arg4[%get3A_761, %get3A_762, %get3A_763] : memref<1x6x18xf32, #tpu.memory_space<smem>>
    %get3A_765 = arith.constant 0 : index
    %get3A_766 = arith.constant 4 : index
    %get3A_767 = arith.constant 6 : index
    %get3A_768 = memref.load %arg4[%get3A_765, %get3A_766, %get3A_767] : memref<1x6x18xf32, #tpu.memory_space<smem>>
    %get3A_769 = arith.constant 0 : index
    %get3A_770 = arith.constant 4 : index
    %get3A_771 = arith.constant 7 : index
    %get3A_772 = memref.load %arg4[%get3A_769, %get3A_770, %get3A_771] : memref<1x6x18xf32, #tpu.memory_space<smem>>
    %get3A_773 = arith.constant 0 : index
    %get3A_774 = arith.constant 4 : index
    %get3A_775 = arith.constant 8 : index
    %get3A_776 = memref.load %arg4[%get3A_773, %get3A_774, %get3A_775] : memref<1x6x18xf32, #tpu.memory_space<smem>>
    %get3A_777 = arith.constant 0 : index
    %get3A_778 = arith.constant 4 : index
    %get3A_779 = arith.constant 9 : index
    %get3A_780 = memref.load %arg4[%get3A_777, %get3A_778, %get3A_779] : memref<1x6x18xf32, #tpu.memory_space<smem>>
    %get3A_781 = arith.constant 0 : index
    %get3A_782 = arith.constant 4 : index
    %get3A_783 = arith.constant 10 : index
    %get3A_784 = memref.load %arg4[%get3A_781, %get3A_782, %get3A_783] : memref<1x6x18xf32, #tpu.memory_space<smem>>
    %get3A_785 = arith.constant 0 : index
    %get3A_786 = arith.constant 4 : index
    %get3A_787 = arith.constant 11 : index
    %get3A_788 = memref.load %arg4[%get3A_785, %get3A_786, %get3A_787] : memref<1x6x18xf32, #tpu.memory_space<smem>>
    %get3A_789 = arith.constant 0 : index
    %get3A_790 = arith.constant 4 : index
    %get3A_791 = arith.constant 12 : index
    %get3A_792 = memref.load %arg4[%get3A_789, %get3A_790, %get3A_791] : memref<1x6x18xf32, #tpu.memory_space<smem>>
    %get3A_793 = arith.constant 0 : index
    %get3A_794 = arith.constant 4 : index
    %get3A_795 = arith.constant 13 : index
    %get3A_796 = memref.load %arg4[%get3A_793, %get3A_794, %get3A_795] : memref<1x6x18xf32, #tpu.memory_space<smem>>
    %get3A_797 = arith.constant 0 : index
    %get3A_798 = arith.constant 4 : index
    %get3A_799 = arith.constant 14 : index
    %get3A_800 = memref.load %arg4[%get3A_797, %get3A_798, %get3A_799] : memref<1x6x18xf32, #tpu.memory_space<smem>>
    %get3A_801 = arith.constant 0 : index
    %get3A_802 = arith.constant 4 : index
    %get3A_803 = arith.constant 15 : index
    %get3A_804 = memref.load %arg4[%get3A_801, %get3A_802, %get3A_803] : memref<1x6x18xf32, #tpu.memory_space<smem>>
    %get3A_805 = arith.constant 0 : index
    %get3A_806 = arith.constant 4 : index
    %get3A_807 = arith.constant 16 : index
    %get3A_808 = memref.load %arg4[%get3A_805, %get3A_806, %get3A_807] : memref<1x6x18xf32, #tpu.memory_space<smem>>
    %get3A_809 = arith.constant 0 : index
    %get3A_810 = arith.constant 4 : index
    %get3A_811 = arith.constant 17 : index
    %get3A_812 = memref.load %arg4[%get3A_809, %get3A_810, %get3A_811] : memref<1x6x18xf32, #tpu.memory_space<smem>>
    %mul3A_813 = vector.broadcast %get3A_744 : f32 to vector<784x128xf32>
    %mul3A_814 = arith.mulf %mul3A_813, %convert_element_type3A_4 : vector<784x128xf32>
    %mul3A_815 = vector.broadcast %get3A_748 : f32 to vector<784x128xf32>
    %mul3A_816 = arith.mulf %mul3A_815, %convert_element_type3A_11 : vector<784x128xf32>
    %add3A_817 = arith.addf %mul3A_814, %mul3A_816 : vector<784x128xf32>
    %mul3A_818 = vector.broadcast %get3A_752 : f32 to vector<784x128xf32>
    %mul3A_819 = arith.mulf %mul3A_818, %convert_element_type3A_18 : vector<784x128xf32>
    %add3A_820 = arith.addf %add3A_817, %mul3A_819 : vector<784x128xf32>
    %add3A_821 = vector.broadcast %get3A_756 : f32 to vector<784x128xf32>
    %add3A_822 = arith.addf %add3A_820, %add3A_821 : vector<784x128xf32>
    %mul3A_823 = vector.broadcast %get3A_760 : f32 to vector<784x128xf32>
    %mul3A_824 = arith.mulf %mul3A_823, %convert_element_type3A_4 : vector<784x128xf32>
    %mul3A_825 = vector.broadcast %get3A_764 : f32 to vector<784x128xf32>
    %mul3A_826 = arith.mulf %mul3A_825, %convert_element_type3A_11 : vector<784x128xf32>
    %add3A_827 = arith.addf %mul3A_824, %mul3A_826 : vector<784x128xf32>
    %mul3A_828 = vector.broadcast %get3A_768 : f32 to vector<784x128xf32>
    %mul3A_829 = arith.mulf %mul3A_828, %convert_element_type3A_18 : vector<784x128xf32>
    %add3A_830 = arith.addf %add3A_827, %mul3A_829 : vector<784x128xf32>
    %add3A_831 = vector.broadcast %get3A_772 : f32 to vector<784x128xf32>
    %add3A_832 = arith.addf %add3A_830, %add3A_831 : vector<784x128xf32>
    %mul3A_833 = vector.broadcast %get3A_776 : f32 to vector<784x128xf32>
    %mul3A_834 = arith.mulf %mul3A_833, %convert_element_type3A_4 : vector<784x128xf32>
    %mul3A_835 = vector.broadcast %get3A_780 : f32 to vector<784x128xf32>
    %mul3A_836 = arith.mulf %mul3A_835, %convert_element_type3A_11 : vector<784x128xf32>
    %add3A_837 = arith.addf %mul3A_834, %mul3A_836 : vector<784x128xf32>
    %mul3A_838 = vector.broadcast %get3A_784 : f32 to vector<784x128xf32>
    %mul3A_839 = arith.mulf %mul3A_838, %convert_element_type3A_18 : vector<784x128xf32>
    %add3A_840 = arith.addf %add3A_837, %mul3A_839 : vector<784x128xf32>
    %add3A_841 = vector.broadcast %get3A_788 : f32 to vector<784x128xf32>
    %add3A_842 = arith.addf %add3A_840, %add3A_841 : vector<784x128xf32>
    %max3A_843 = arith.constant 9.99999997E-7 : f32
    %max3A_844 = vector.broadcast %max3A_843 : f32 to vector<784x128xf32>
    %max3A_845 = arith.maximumf %add3A_842, %max3A_844 : vector<784x128xf32>
    %div3A_846 = arith.divf %add3A_822, %max3A_845 : vector<784x128xf32>
    %mul3A_847 = vector.broadcast %get3A_792 : f32 to vector<784x128xf32>
    %mul3A_848 = arith.mulf %mul3A_847, %div3A_846 : vector<784x128xf32>
    %add3A_849 = vector.broadcast %get3A_800 : f32 to vector<784x128xf32>
    %add3A_850 = arith.addf %mul3A_848, %add3A_849 : vector<784x128xf32>
    %div3A_851 = arith.divf %add3A_832, %max3A_845 : vector<784x128xf32>
    %mul3A_852 = vector.broadcast %get3A_796 : f32 to vector<784x128xf32>
    %mul3A_853 = arith.mulf %mul3A_852, %div3A_851 : vector<784x128xf32>
    %add3A_854 = vector.broadcast %get3A_804 : f32 to vector<784x128xf32>
    %add3A_855 = arith.addf %mul3A_853, %add3A_854 : vector<784x128xf32>
    %gt3A_856 = arith.constant 1.000000e-01 : f32
    %gt3A_857 = vector.broadcast %gt3A_856 : f32 to vector<784x128xf32>
    %gt3A_858 = arith.cmpf ogt, %add3A_842, %gt3A_857 : vector<784x128xf32>
    %ge3A_859 = arith.constant 0.000000e+00 : f32
    %ge3A_860 = vector.broadcast %ge3A_859 : f32 to vector<784x128xf32>
    %ge3A_861 = arith.cmpf oge, %add3A_850, %ge3A_860 : vector<784x128xf32>
    %and3A_862 = arith.andi %gt3A_858, %ge3A_861 : vector<784x128xi1>
    %le3A_863 = arith.constant 7.030000e+02 : f32
    %le3A_864 = vector.broadcast %le3A_863 : f32 to vector<784x128xf32>
    %le3A_865 = arith.cmpf ole, %add3A_850, %le3A_864 : vector<784x128xf32>
    %and3A_866 = arith.andi %and3A_862, %le3A_865 : vector<784x128xi1>
    %ge3A_867 = arith.constant 0.000000e+00 : f32
    %ge3A_868 = vector.broadcast %ge3A_867 : f32 to vector<784x128xf32>
    %ge3A_869 = arith.cmpf oge, %add3A_855, %ge3A_868 : vector<784x128xf32>
    %and3A_870 = arith.andi %and3A_866, %ge3A_869 : vector<784x128xi1>
    %le3A_871 = arith.constant 2.550000e+02 : f32
    %le3A_872 = vector.broadcast %le3A_871 : f32 to vector<784x128xf32>
    %le3A_873 = arith.cmpf ole, %add3A_855, %le3A_872 : vector<784x128xf32>
    %and3A_874 = arith.andi %and3A_870, %le3A_873 : vector<784x128xi1>
    %mul3A_875 = arith.constant 2.500000e-01 : f32
    %mul3A_876 = vector.broadcast %mul3A_875 : f32 to vector<784x128xf32>
    %mul3A_877 = arith.mulf %add3A_850, %mul3A_876 : vector<784x128xf32>
    %convert_element_type3A_878 = arith.fptosi %mul3A_877 : vector<784x128xf32> to vector<784x128xi32>
    %mul3A_879 = arith.constant 2.500000e-01 : f32
    %mul3A_880 = vector.broadcast %mul3A_879 : f32 to vector<784x128xf32>
    %mul3A_881 = arith.mulf %add3A_855, %mul3A_880 : vector<784x128xf32>
    %convert_element_type3A_882 = arith.fptosi %mul3A_881 : vector<784x128xf32> to vector<784x128xi32>
    %max3A_883 = vector.broadcast %get3A_808 : f32 to vector<784x128xf32>
    %max3A_884 = arith.maximumf %max3A_883, %add3A_842 : vector<784x128xf32>
    %min3A_885 = vector.broadcast %get3A_812 : f32 to vector<784x128xf32>
    %min3A_886 = arith.minimumf %min3A_885, %max3A_884 : vector<784x128xf32>
    %sub3A_887 = arith.constant 1.500000e+00 : f32
    %sub3A_888 = vector.broadcast %sub3A_887 : f32 to vector<784x128xf32>
    %sub3A_889 = arith.subf %min3A_886, %sub3A_888 : vector<784x128xf32>
    %convert_element_type3A_890 = arith.fptosi %sub3A_889 : vector<784x128xf32> to vector<784x128xi32>
    %convert_element_type3A_891 = arith.sitofp %convert_element_type3A_890 : vector<784x128xi32> to vector<784x128xf32>
    %add3A_892 = arith.constant 1.500000e+00 : f32
    %add3A_893 = vector.broadcast %add3A_892 : f32 to vector<784x128xf32>
    %add3A_894 = arith.addf %convert_element_type3A_891, %add3A_893 : vector<784x128xf32>
    %ge3A_895 = arith.cmpf oge, %add3A_894, %min3A_886 : vector<784x128xf32>
    %convert_element_type3A_896 = arith.extui %ge3A_895 : vector<784x128xi1> to vector<784x128xi32>
    %sub3A_897 = arith.subi %convert_element_type3A_890, %convert_element_type3A_896 : vector<784x128xi32>
    %jit3A_898 = arith.constant 0 : i32
    %jit3A_899 = arith.constant 47 : i32
    %max3A_900 = vector.broadcast %jit3A_898 : i32 to vector<784x128xi32>
    %max3A_901 = arith.maxsi %max3A_900, %sub3A_897 : vector<784x128xi32>
    %min3A_902 = vector.broadcast %jit3A_899 : i32 to vector<784x128xi32>
    %min3A_903 = arith.minsi %min3A_902, %max3A_901 : vector<784x128xi32>
    %mul3A_904 = arith.constant 11264 : i32
    %mul3A_905 = vector.broadcast %mul3A_904 : i32 to vector<784x128xi32>
    %mul3A_906 = arith.muli %convert_element_type3A_882, %mul3A_905 : vector<784x128xi32>
    %mul3A_907 = arith.constant 64 : i32
    %mul3A_908 = vector.broadcast %mul3A_907 : i32 to vector<784x128xi32>
    %mul3A_909 = arith.muli %convert_element_type3A_878, %mul3A_908 : vector<784x128xi32>
    %add3A_910 = arith.addi %mul3A_906, %mul3A_909 : vector<784x128xi32>
    %add3A_911 = arith.addi %add3A_910, %min3A_903 : vector<784x128xi32>
    %add3A_912 = arith.constant 2883584 : i32
    %add3A_913 = vector.broadcast %add3A_912 : i32 to vector<784x128xi32>
    %add3A_914 = arith.addi %add3A_911, %add3A_913 : vector<784x128xi32>
    %jit3A_915 = arith.constant 2883647 : i32
    %broadcast_in_dim3A_916 = vector.broadcast %jit3A_915 : i32 to vector<784x128xi32>
    %select_n3A_917 = arith.select %and3A_874, %add3A_914, %broadcast_in_dim3A_916 : vector<784x128xi1>, vector<784x128xi32>
    %swap3A_918 = arith.constant 0 : index
    %swap3A_919 = arith.constant 4 : index
    %swap3A_920 = arith.constant 0 : index
    %swap3A_921 = arith.constant 0 : index
    %swap3A_922 = vector.load %arg5[%swap3A_918, %swap3A_919, %swap3A_920, %swap3A_921] : memref<1x6x784x128xi32, #tpu.memory_space<vmem>>, vector<1x1x784x128xi32>
    %swap3A_923 = vector.shape_cast %swap3A_922 : vector<1x1x784x128xi32> to vector<784x128xi32>
    %swap3A_924 = vector.shape_cast %select_n3A_917 : vector<784x128xi32> to vector<1x1x784x128xi32>
    tpu.vector_store %arg5[%swap3A_918, %swap3A_919, %swap3A_920, %swap3A_921], %swap3A_924 {strides = array<i32>} : memref<1x6x784x128xi32, #tpu.memory_space<vmem>>, vector<1x1x784x128xi32>,
    %get3A_925 = arith.constant 0 : index
    %get3A_926 = arith.constant 5 : index
    %get3A_927 = arith.constant 0 : index
    %get3A_928 = memref.load %arg4[%get3A_925, %get3A_926, %get3A_927] : memref<1x6x18xf32, #tpu.memory_space<smem>>
    %get3A_929 = arith.constant 0 : index
    %get3A_930 = arith.constant 5 : index
    %get3A_931 = arith.constant 1 : index
    %get3A_932 = memref.load %arg4[%get3A_929, %get3A_930, %get3A_931] : memref<1x6x18xf32, #tpu.memory_space<smem>>
    %get3A_933 = arith.constant 0 : index
    %get3A_934 = arith.constant 5 : index
    %get3A_935 = arith.constant 2 : index
    %get3A_936 = memref.load %arg4[%get3A_933, %get3A_934, %get3A_935] : memref<1x6x18xf32, #tpu.memory_space<smem>>
    %get3A_937 = arith.constant 0 : index
    %get3A_938 = arith.constant 5 : index
    %get3A_939 = arith.constant 3 : index
    %get3A_940 = memref.load %arg4[%get3A_937, %get3A_938, %get3A_939] : memref<1x6x18xf32, #tpu.memory_space<smem>>
    %get3A_941 = arith.constant 0 : index
    %get3A_942 = arith.constant 5 : index
    %get3A_943 = arith.constant 4 : index
    %get3A_944 = memref.load %arg4[%get3A_941, %get3A_942, %get3A_943] : memref<1x6x18xf32, #tpu.memory_space<smem>>
    %get3A_945 = arith.constant 0 : index
    %get3A_946 = arith.constant 5 : index
    %get3A_947 = arith.constant 5 : index
    %get3A_948 = memref.load %arg4[%get3A_945, %get3A_946, %get3A_947] : memref<1x6x18xf32, #tpu.memory_space<smem>>
    %get3A_949 = arith.constant 0 : index
    %get3A_950 = arith.constant 5 : index
    %get3A_951 = arith.constant 6 : index
    %get3A_952 = memref.load %arg4[%get3A_949, %get3A_950, %get3A_951] : memref<1x6x18xf32, #tpu.memory_space<smem>>
    %get3A_953 = arith.constant 0 : index
    %get3A_954 = arith.constant 5 : index
    %get3A_955 = arith.constant 7 : index
    %get3A_956 = memref.load %arg4[%get3A_953, %get3A_954, %get3A_955] : memref<1x6x18xf32, #tpu.memory_space<smem>>
    %get3A_957 = arith.constant 0 : index
    %get3A_958 = arith.constant 5 : index
    %get3A_959 = arith.constant 8 : index
    %get3A_960 = memref.load %arg4[%get3A_957, %get3A_958, %get3A_959] : memref<1x6x18xf32, #tpu.memory_space<smem>>
    %get3A_961 = arith.constant 0 : index
    %get3A_962 = arith.constant 5 : index
    %get3A_963 = arith.constant 9 : index
    %get3A_964 = memref.load %arg4[%get3A_961, %get3A_962, %get3A_963] : memref<1x6x18xf32, #tpu.memory_space<smem>>
    %get3A_965 = arith.constant 0 : index
    %get3A_966 = arith.constant 5 : index
    %get3A_967 = arith.constant 10 : index
    %get3A_968 = memref.load %arg4[%get3A_965, %get3A_966, %get3A_967] : memref<1x6x18xf32, #tpu.memory_space<smem>>
    %get3A_969 = arith.constant 0 : index
    %get3A_970 = arith.constant 5 : index
    %get3A_971 = arith.constant 11 : index
    %get3A_972 = memref.load %arg4[%get3A_969, %get3A_970, %get3A_971] : memref<1x6x18xf32, #tpu.memory_space<smem>>
    %get3A_973 = arith.constant 0 : index
    %get3A_974 = arith.constant 5 : index
    %get3A_975 = arith.constant 12 : index
    %get3A_976 = memref.load %arg4[%get3A_973, %get3A_974, %get3A_975] : memref<1x6x18xf32, #tpu.memory_space<smem>>
    %get3A_977 = arith.constant 0 : index
    %get3A_978 = arith.constant 5 : index
    %get3A_979 = arith.constant 13 : index
    %get3A_980 = memref.load %arg4[%get3A_977, %get3A_978, %get3A_979] : memref<1x6x18xf32, #tpu.memory_space<smem>>
    %get3A_981 = arith.constant 0 : index
    %get3A_982 = arith.constant 5 : index
    %get3A_983 = arith.constant 14 : index
    %get3A_984 = memref.load %arg4[%get3A_981, %get3A_982, %get3A_983] : memref<1x6x18xf32, #tpu.memory_space<smem>>
    %get3A_985 = arith.constant 0 : index
    %get3A_986 = arith.constant 5 : index
    %get3A_987 = arith.constant 15 : index
    %get3A_988 = memref.load %arg4[%get3A_985, %get3A_986, %get3A_987] : memref<1x6x18xf32, #tpu.memory_space<smem>>
    %get3A_989 = arith.constant 0 : index
    %get3A_990 = arith.constant 5 : index
    %get3A_991 = arith.constant 16 : index
    %get3A_992 = memref.load %arg4[%get3A_989, %get3A_990, %get3A_991] : memref<1x6x18xf32, #tpu.memory_space<smem>>
    %get3A_993 = arith.constant 0 : index
    %get3A_994 = arith.constant 5 : index
    %get3A_995 = arith.constant 17 : index
    %get3A_996 = memref.load %arg4[%get3A_993, %get3A_994, %get3A_995] : memref<1x6x18xf32, #tpu.memory_space<smem>>
    %mul3A_997 = vector.broadcast %get3A_928 : f32 to vector<784x128xf32>
    %mul3A_998 = arith.mulf %mul3A_997, %convert_element_type3A_4 : vector<784x128xf32>
    %mul3A_999 = vector.broadcast %get3A_932 : f32 to vector<784x128xf32>
    %mul3A_1000 = arith.mulf %mul3A_999, %convert_element_type3A_11 : vector<784x128xf32>
    %add3A_1001 = arith.addf %mul3A_998, %mul3A_1000 : vector<784x128xf32>
    %mul3A_1002 = vector.broadcast %get3A_936 : f32 to vector<784x128xf32>
    %mul3A_1003 = arith.mulf %mul3A_1002, %convert_element_type3A_18 : vector<784x128xf32>
    %add3A_1004 = arith.addf %add3A_1001, %mul3A_1003 : vector<784x128xf32>
    %add3A_1005 = vector.broadcast %get3A_940 : f32 to vector<784x128xf32>
    %add3A_1006 = arith.addf %add3A_1004, %add3A_1005 : vector<784x128xf32>
    %mul3A_1007 = vector.broadcast %get3A_944 : f32 to vector<784x128xf32>
    %mul3A_1008 = arith.mulf %mul3A_1007, %convert_element_type3A_4 : vector<784x128xf32>
    %mul3A_1009 = vector.broadcast %get3A_948 : f32 to vector<784x128xf32>
    %mul3A_1010 = arith.mulf %mul3A_1009, %convert_element_type3A_11 : vector<784x128xf32>
    %add3A_1011 = arith.addf %mul3A_1008, %mul3A_1010 : vector<784x128xf32>
    %mul3A_1012 = vector.broadcast %get3A_952 : f32 to vector<784x128xf32>
    %mul3A_1013 = arith.mulf %mul3A_1012, %convert_element_type3A_18 : vector<784x128xf32>
    %add3A_1014 = arith.addf %add3A_1011, %mul3A_1013 : vector<784x128xf32>
    %add3A_1015 = vector.broadcast %get3A_956 : f32 to vector<784x128xf32>
    %add3A_1016 = arith.addf %add3A_1014, %add3A_1015 : vector<784x128xf32>
    %mul3A_1017 = vector.broadcast %get3A_960 : f32 to vector<784x128xf32>
    %mul3A_1018 = arith.mulf %mul3A_1017, %convert_element_type3A_4 : vector<784x128xf32>
    %mul3A_1019 = vector.broadcast %get3A_964 : f32 to vector<784x128xf32>
    %mul3A_1020 = arith.mulf %mul3A_1019, %convert_element_type3A_11 : vector<784x128xf32>
    %add3A_1021 = arith.addf %mul3A_1018, %mul3A_1020 : vector<784x128xf32>
    %mul3A_1022 = vector.broadcast %get3A_968 : f32 to vector<784x128xf32>
    %mul3A_1023 = arith.mulf %mul3A_1022, %convert_element_type3A_18 : vector<784x128xf32>
    %add3A_1024 = arith.addf %add3A_1021, %mul3A_1023 : vector<784x128xf32>
    %add3A_1025 = vector.broadcast %get3A_972 : f32 to vector<784x128xf32>
    %add3A_1026 = arith.addf %add3A_1024, %add3A_1025 : vector<784x128xf32>
    %max3A_1027 = arith.constant 9.99999997E-7 : f32
    %max3A_1028 = vector.broadcast %max3A_1027 : f32 to vector<784x128xf32>
    %max3A_1029 = arith.maximumf %add3A_1026, %max3A_1028 : vector<784x128xf32>
    %div3A_1030 = arith.divf %add3A_1006, %max3A_1029 : vector<784x128xf32>
    %mul3A_1031 = vector.broadcast %get3A_976 : f32 to vector<784x128xf32>
    %mul3A_1032 = arith.mulf %mul3A_1031, %div3A_1030 : vector<784x128xf32>
    %add3A_1033 = vector.broadcast %get3A_984 : f32 to vector<784x128xf32>
    %add3A_1034 = arith.addf %mul3A_1032, %add3A_1033 : vector<784x128xf32>
    %div3A_1035 = arith.divf %add3A_1016, %max3A_1029 : vector<784x128xf32>
    %mul3A_1036 = vector.broadcast %get3A_980 : f32 to vector<784x128xf32>
    %mul3A_1037 = arith.mulf %mul3A_1036, %div3A_1035 : vector<784x128xf32>
    %add3A_1038 = vector.broadcast %get3A_988 : f32 to vector<784x128xf32>
    %add3A_1039 = arith.addf %mul3A_1037, %add3A_1038 : vector<784x128xf32>
    %gt3A_1040 = arith.constant 1.000000e-01 : f32
    %gt3A_1041 = vector.broadcast %gt3A_1040 : f32 to vector<784x128xf32>
    %gt3A_1042 = arith.cmpf ogt, %add3A_1026, %gt3A_1041 : vector<784x128xf32>
    %ge3A_1043 = arith.constant 0.000000e+00 : f32
    %ge3A_1044 = vector.broadcast %ge3A_1043 : f32 to vector<784x128xf32>
    %ge3A_1045 = arith.cmpf oge, %add3A_1034, %ge3A_1044 : vector<784x128xf32>
    %and3A_1046 = arith.andi %gt3A_1042, %ge3A_1045 : vector<784x128xi1>
    %le3A_1047 = arith.constant 7.030000e+02 : f32
    %le3A_1048 = vector.broadcast %le3A_1047 : f32 to vector<784x128xf32>
    %le3A_1049 = arith.cmpf ole, %add3A_1034, %le3A_1048 : vector<784x128xf32>
    %and3A_1050 = arith.andi %and3A_1046, %le3A_1049 : vector<784x128xi1>
    %ge3A_1051 = arith.constant 0.000000e+00 : f32
    %ge3A_1052 = vector.broadcast %ge3A_1051 : f32 to vector<784x128xf32>
    %ge3A_1053 = arith.cmpf oge, %add3A_1039, %ge3A_1052 : vector<784x128xf32>
    %and3A_1054 = arith.andi %and3A_1050, %ge3A_1053 : vector<784x128xi1>
    %le3A_1055 = arith.constant 2.550000e+02 : f32
    %le3A_1056 = vector.broadcast %le3A_1055 : f32 to vector<784x128xf32>
    %le3A_1057 = arith.cmpf ole, %add3A_1039, %le3A_1056 : vector<784x128xf32>
    %and3A_1058 = arith.andi %and3A_1054, %le3A_1057 : vector<784x128xi1>
    %mul3A_1059 = arith.constant 2.500000e-01 : f32
    %mul3A_1060 = vector.broadcast %mul3A_1059 : f32 to vector<784x128xf32>
    %mul3A_1061 = arith.mulf %add3A_1034, %mul3A_1060 : vector<784x128xf32>
    %convert_element_type3A_1062 = arith.fptosi %mul3A_1061 : vector<784x128xf32> to vector<784x128xi32>
    %mul3A_1063 = arith.constant 2.500000e-01 : f32
    %mul3A_1064 = vector.broadcast %mul3A_1063 : f32 to vector<784x128xf32>
    %mul3A_1065 = arith.mulf %add3A_1039, %mul3A_1064 : vector<784x128xf32>
    %convert_element_type3A_1066 = arith.fptosi %mul3A_1065 : vector<784x128xf32> to vector<784x128xi32>
    %max3A_1067 = vector.broadcast %get3A_992 : f32 to vector<784x128xf32>
    %max3A_1068 = arith.maximumf %max3A_1067, %add3A_1026 : vector<784x128xf32>
    %min3A_1069 = vector.broadcast %get3A_996 : f32 to vector<784x128xf32>
    %min3A_1070 = arith.minimumf %min3A_1069, %max3A_1068 : vector<784x128xf32>
    %sub3A_1071 = arith.constant 1.500000e+00 : f32
    %sub3A_1072 = vector.broadcast %sub3A_1071 : f32 to vector<784x128xf32>
    %sub3A_1073 = arith.subf %min3A_1070, %sub3A_1072 : vector<784x128xf32>
    %convert_element_type3A_1074 = arith.fptosi %sub3A_1073 : vector<784x128xf32> to vector<784x128xi32>
    %convert_element_type3A_1075 = arith.sitofp %convert_element_type3A_1074 : vector<784x128xi32> to vector<784x128xf32>
    %add3A_1076 = arith.constant 1.500000e+00 : f32
    %add3A_1077 = vector.broadcast %add3A_1076 : f32 to vector<784x128xf32>
    %add3A_1078 = arith.addf %convert_element_type3A_1075, %add3A_1077 : vector<784x128xf32>
    %ge3A_1079 = arith.cmpf oge, %add3A_1078, %min3A_1070 : vector<784x128xf32>
    %convert_element_type3A_1080 = arith.extui %ge3A_1079 : vector<784x128xi1> to vector<784x128xi32>
    %sub3A_1081 = arith.subi %convert_element_type3A_1074, %convert_element_type3A_1080 : vector<784x128xi32>
    %jit3A_1082 = arith.constant 0 : i32
    %jit3A_1083 = arith.constant 47 : i32
    %max3A_1084 = vector.broadcast %jit3A_1082 : i32 to vector<784x128xi32>
    %max3A_1085 = arith.maxsi %max3A_1084, %sub3A_1081 : vector<784x128xi32>
    %min3A_1086 = vector.broadcast %jit3A_1083 : i32 to vector<784x128xi32>
    %min3A_1087 = arith.minsi %min3A_1086, %max3A_1085 : vector<784x128xi32>
    %mul3A_1088 = arith.constant 11264 : i32
    %mul3A_1089 = vector.broadcast %mul3A_1088 : i32 to vector<784x128xi32>
    %mul3A_1090 = arith.muli %convert_element_type3A_1066, %mul3A_1089 : vector<784x128xi32>
    %mul3A_1091 = arith.constant 64 : i32
    %mul3A_1092 = vector.broadcast %mul3A_1091 : i32 to vector<784x128xi32>
    %mul3A_1093 = arith.muli %convert_element_type3A_1062, %mul3A_1092 : vector<784x128xi32>
    %add3A_1094 = arith.addi %mul3A_1090, %mul3A_1093 : vector<784x128xi32>
    %add3A_1095 = arith.addi %add3A_1094, %min3A_1087 : vector<784x128xi32>
    %add3A_1096 = arith.constant 3604480 : i32
    %add3A_1097 = vector.broadcast %add3A_1096 : i32 to vector<784x128xi32>
    %add3A_1098 = arith.addi %add3A_1095, %add3A_1097 : vector<784x128xi32>
    %jit3A_1099 = arith.constant 3604543 : i32
    %broadcast_in_dim3A_1100 = vector.broadcast %jit3A_1099 : i32 to vector<784x128xi32>
    %select_n3A_1101 = arith.select %and3A_1058, %add3A_1098, %broadcast_in_dim3A_1100 : vector<784x128xi1>, vector<784x128xi32>
    %swap3A_1102 = arith.constant 0 : index
    %swap3A_1103 = arith.constant 5 : index
    %swap3A_1104 = arith.constant 0 : index
    %swap3A_1105 = arith.constant 0 : index
    %swap3A_1106 = vector.load %arg5[%swap3A_1102, %swap3A_1103, %swap3A_1104, %swap3A_1105] : memref<1x6x784x128xi32, #tpu.memory_space<vmem>>, vector<1x1x784x128xi32>
    %swap3A_1107 = vector.shape_cast %swap3A_1106 : vector<1x1x784x128xi32> to vector<784x128xi32>
    %swap3A_1108 = vector.shape_cast %select_n3A_1101 : vector<784x128xi32> to vector<1x1x784x128xi32>
    tpu.vector_store %arg5[%swap3A_1102, %swap3A_1103, %swap3A_1104, %swap3A_1105], %swap3A_1108 {strides = array<i32>} : memref<1x6x784x128xi32, #tpu.memory_space<vmem>>, vector<1x1x784x128xi32>,
    return
  }
  func.func @transform_0(%arg0: i32) -> (i32, i32, i32) {
    %c0_i32 = arith.constant 0 : i32
    %c0_i32_0 = arith.constant 0 : i32
    %c0_i32_1 = arith.constant 0 : i32
    return %arg0, %c0_i32, %c0_i32_0 : i32, i32, i32
  }
  func.func @transform_1(%arg0: i32) -> (i32, i32, i32) {
    %c0_i32 = arith.constant 0 : i32
    %c0_i32_0 = arith.constant 0 : i32
    %c0_i32_1 = arith.constant 0 : i32
    return %arg0, %c0_i32, %c0_i32_0 : i32, i32, i32
  }
  func.func @transform_2(%arg0: i32) -> (i32, i32, i32) {
    %c0_i32 = arith.constant 0 : i32
    %c0_i32_0 = arith.constant 0 : i32
    %c0_i32_1 = arith.constant 0 : i32
    return %arg0, %c0_i32, %c0_i32_0 : i32, i32, i32
  }
  func.func @transform_3(%arg0: i32) -> (i32, i32, i32) {
    %c0_i32 = arith.constant 0 : i32
    %c0_i32_0 = arith.constant 0 : i32
    %c0_i32_1 = arith.constant 0 : i32
    return %arg0, %c0_i32, %c0_i32_0 : i32, i32, i32
  }
  func.func @transform_4(%arg0: i32) -> (i32, i32, i32, i32) {
    %c0_i32 = arith.constant 0 : i32
    %c0_i32_0 = arith.constant 0 : i32
    %c0_i32_1 = arith.constant 0 : i32
    %c0_i32_2 = arith.constant 0 : i32
    return %arg0, %c0_i32, %c0_i32_0, %c0_i32_1 : i32, i32, i32, i32
  }
}

</mosaic_0001>

<sc_bundles>
// kernel: kernel.4.cloned.1.call-start
scs
__scs_entry_jumppad:
0x0: {  	(pc) =	sbr.rel $0x88, $3  }
0x1: {  	(tag) =	ssettag $0x0;
	lr =	simm.s32 $0x1  }
0x2: {  	[smem:$0x3F9E] =	sst lr;
	_ =	strace $0xD0000000  }
0x3: {  	_ = 	snop  }
0x4: {  	_ = 	snop  }
0x5: {  	_ = 	snop  }
0x6: {  	_ = 	snop  }
0x7: {  	_ = 	snop  }
__scs_overlays_trampoline_lowered:
0x8: {  	[smem:$0x3FAD] =	sst s0  }
0x9: {  	[smem:$0x3FAE] =	sst s1  }
0xa: {  	[smem:$0x3FAF] =	sst s2  }
0xb: {  	[smem:$0x3FB0] =	sst s3  }
0xc: {  	[smem:$0x3FB1] =	sst s4  }
0xd: {  	[smem:$0x3FB2] =	sst s5  }
0xe: {  	[smem:$0x3FB3] =	sst s6  }
0xf: {  	[smem:$0x3FB4] =	sst s7  }
0x10: {  	[smem:$0x3FB5] =	sst s8  }
0x11: {  	[smem:$0x3FB6] =	sst s9;
	s0 =	simm.s32 @!p0 $0x0  }
0x12: {  	s1 =	sld [smem:$0x3F9C];
	s0 =	simm.s32 @p0 $0x1  }
0x13: {  	[smem:$0x3FB7] =	sst s0;
	s0 =	simm.s32 @!p1 $0x0  }
0x14: {  	s2 =	sld [smem:$0x3F9B];
	s0 =	simm.s32 @p1 $0x1  }
0x15: {  	[smem:$0x3FB8] =	sst s0;
	s0 =	simm.s32 @!p2 $0x0  }
0x16: {  	s3 =	sld [smem:$0x3FDB];
	s0 =	simm.s32 @p2 $0x1  }
0x17: {  	s4 =	simm.s32 $0x1BF5;
	[smem:$0x3FBA] =	sst s0  }
0x18: {  	s0 =	sld [smem:$0x3F9D];
	_ =	swait.ge [sflag:s4], $0x0  }
0x19: {  	s7 =	sld [smem:$0x3F9E]  }
0x1a: {  	s8 =	sadd.s32 $0xFFFFE003, lr  }
0x1b: {  	s9 =	sadd.s32 $0xFFFFFEF7, lr;
	s5 =	simm.s32 $0xFFFFFFFF;
	p2 =	slt.u32 s8, $0xFFFFF086  }
0x1c: {  	p1 =	slt.u32 s9, $0xF7A;
	s5 =	simm.s32 @!p2 $0x0  }
0x1d: {  	s5 =	simm.s32 @p1 $0x1;
	p0 =	seq.s32 s7, s2  }
0x1e: {  	s7 =	smul.u32 @!p0 $0xF7A, s2;
	p2 =	seq.s32 @!p0 s5, $0x0  }
0x1f: {  	s9 =	smul.u32 $0xF7A, s1;
	s8 =	simm.s32 @!p0 $0x1BF5;
	p2 =	por !p2, p0  }
0x20: {  	[sflag:s8] =	ssyncset.s32 @!p0 $0xFFFFF086;
	s6 =	sadd.s32 @!p0 s3, s7;
	s7 =	simm.s32 @!p0 $0x108  }
0x21: {  	s3 =	sadd.s32 s3, s9;
	s6 =	sadd.s32 @!p0 $0x88, s6;
	s7 =	simm.s32 @p2 $0x1082  }
0x22: {  	[simem:s7], [sflag:s8] =	dma.local @!p0 [hbm:s6], $0xF7A  }
0x23: {  	s9 =	sor.u32 $0xD0000000, s2;
	s6 =	simm.s32 $0x108;
	_ =	swait.ge @!p0 [sflag:s8], $0x0  }
0x24: {  	s3 =	sadd.s32 $0x88, s3;
	s6 =	simm.s32 @!p1 $0x1082;
	[sflag:s4] =	ssyncset.s32 $0xFFFFF086  }
0x25: {  	[simem:s6], [sflag:s4] =	dma.local [hbm:s3], $0xF7A  }
0x26: {  	[smem:$0x3F9E] =	sst s1;
	(tag) =	ssettag s2;
	_ =	strace s9  }
0x27: {  	s1 =	sld [smem:$0x3FAE]  }
0x28: {  	s2 =	sld [smem:$0x3FAF]  }
0x29: {  	s4 =	sld [smem:$0x3FB1]  }
0x2a: {  	p0 =	seq.s32 s5, $0x0;
	s5 =	sld [smem:$0x3FB2]  }
0x2b: {  	s6 =	sld [smem:$0x3FB3]  }
0x2c: {  	s7 =	sld [smem:$0x3FB4]  }
0x2d: {  	s3 =	simm.s32 $0x108;
	s8 =	sld [smem:$0x3FB5]  }
0x2e: {  	s3 =	simm.s32 @!p0 $0x1082;
	s9 =	sld [smem:$0x3FB6]  }
0x2f: {  	lr =	sadd.s32 s0, s3;
	s0 =	sld [smem:$0x3FAD]  }
0x30: {  	s3 =	sld [smem:$0x3FB0]  }
0x31: {  	[smem:$0x3FB9] =	sst s10  }
0x32: {  	s10 =	sld [smem:$0x3FB7];
	_ =	sdelay $0x3  }
0x33: {  	p0 =	seq.s32 s10, $0x1;
	s10 =	sld [smem:$0x3FB9];
	_ =	sdelay $0x3  }
0x34: {  	[smem:$0x3FB9] =	sst s10  }
0x35: {  	s10 =	sld [smem:$0x3FB8];
	_ =	sdelay $0x3  }
0x36: {  	p1 =	seq.s32 s10, $0x1;
	s10 =	sld [smem:$0x3FB9];
	_ =	sdelay $0x3  }
0x37: {  	[smem:$0x3FB9] =	sst s10  }
0x38: {  	s10 =	sld [smem:$0x3FBA]  }
0x39: {  	_ = 	snop;
	(pc) =	sbr.ind lr, $3  }
0x3a: {  	_ = 	snop  }
0x3b: {  	_ = 	snop  }
0x3c: {  	p2 =	seq.s32 s10, $0x1;
	s10 =	sld [smem:$0x3FB9]  }
0x3d: {  	_ =	shalt  }
0x3e: {  	_ =	shalt  }
0x3f: {  	_ =	shalt  }
0x40: {  	_ =	shalt  }
0x41: {  	_ =	shalt  }
0x42: {  	_ =	shalt  }
0x43: {  	_ =	shalt  }
0x44: {  	_ =	shalt  }
0x45: {  	_ =	shalt  }
0x46: {  	_ =	shalt  }
0x47: {  	_ =	shalt  }
0x48: {  	_ =	shalt  }
0x49: {  	_ =	shalt  }
0x4a: {  	_ =	shalt  }
0x4b: {  	_ =	shalt  }
0x4c: {  	_ =	shalt  }
0x4d: {  	_ =	shalt  }
0x4e: {  	_ =	shalt  }
0x4f: {  	_ =	shalt  }
0x50: {  	_ =	shalt  }
0x51: {  	_ =	shalt  }
0x52: {  	_ =	shalt  }
0x53: {  	_ =	shalt  }
0x54: {  	_ =	shalt  }
0x55: {  	_ =	shalt  }
0x56: {  	_ =	shalt  }
0x57: {  	_ =	shalt  }
0x58: {  	_ =	shalt  }
0x59: {  	_ =	shalt  }
0x5a: {  	_ =	shalt  }
0x5b: {  	_ =	shalt  }
0x5c: {  	_ =	shalt  }
0x5d: {  	_ =	shalt  }
0x5e: {  	_ =	shalt  }
0x5f: {  	_ =	shalt  }
0x60: {  	_ =	shalt  }
0x61: {  	_ =	shalt  }
0x62: {  	_ =	shalt  }
0x63: {  	_ =	shalt  }
0x64: {  	_ =	shalt  }
0x65: {  	_ =	shalt  }
0x66: {  	_ =	shalt  }
0x67: {  	_ =	shalt  }
0x68: {  	_ =	shalt  }
0x69: {  	_ =	shalt  }
0x6a: {  	_ =	shalt  }
0x6b: {  	_ =	shalt  }
0x6c: {  	_ =	shalt  }
0x6d: {  	_ =	shalt  }
0x6e: {  	_ =	shalt  }
0x6f: {  	_ =	shalt  }
0x70: {  	_ =	shalt  }
0x71: {  	_ =	shalt  }
0x72: {  	_ =	shalt  }
0x73: {  	_ =	shalt  }
0x74: {  	_ =	shalt  }
0x75: {  	_ =	shalt  }
0x76: {  	_ =	shalt  }
0x77: {  	_ =	shalt  }
0x78: {  	_ =	shalt  }
0x79: {  	_ =	shalt  }
0x7a: {  	_ =	shalt  }
0x7b: {  	_ =	shalt  }
0x7c: {  	_ =	shalt  }
0x7d: {  	_ =	shalt  }
0x7e: {  	_ =	shalt  }
0x7f: {  	_ =	shalt  }
0x80: {  	_ =	shalt  }
0x81: {  	_ =	shalt  }
0x82: {  	_ =	shalt  }
0x83: {  	_ =	shalt  }
0x84: {  	_ =	shalt  }
0x85: {  	_ =	shalt  }
0x86: {  	_ =	shalt  }
0x87: {  	_ =	shalt  }
.Lfunc_end0:
.L_simem_size_0:
called_computation_lowered:
.L_overlay_start_0:
0x88: {  	s2 =	sld [smem:$0x3FD9]  }
0x89: {  	s3 =	sld [smem:$0x3FFE];
	_ =	sdelay $0x1  }
0x8a: {  	s1 =	srdreg.scid  }
0x8b: {  	s0 =	sand.u32 $0x1, s1  }
0x8c: {  	s16 =	sshll.u32 s0, $0xA;
	s2 =	sadd.s32 s3, s2  }
0x8d: {  	s2 =	sadd.s32 s2, s16  }
0x8e: {  	[smem:$0x3FC5] =	sst s2  }
0x8f: {  	_ = 	snop  }
0x90: {  	(tm) =	ssettm $0x1  }
0x91: {  	s17 =	sld [smem:$0x3FFB];
	_ =	sdelay $0x3  }
0x92: {  	_ =	strace s17  }
0x93: {  	s2 =	sld [smem:$0x3FFC];
	_ =	sdelay $0x3  }
0x94: {  	_ =	strace s2  }
0x95: {  	s2 =	sld [smem:$0x3FFD];
	_ =	sdelay $0x3  }
0x96: {  	_ =	strace s2  }
0x97: {  	_ =	strace $0x8FFFFFFF  }
0x98: {  	s18 =	sld [smem:$0x3FDB];
	_ =	sdelay $0x1  }
0x99: {  	s19 =	simm.s32 $_scs_section_size  }
0x9a: {  	s4 =	simm.s32 $_size__tile_overlayer_lowered;
	s5 =	simm.s32 $_tile_overlayer_lowered  }
0x9b: {  	s22 =	simm.s32 $0x1BFF;
	s21 =	sshll.u32 s5, $0x1;
	s2 =	sadd.s32 s19, s18  }
0x9c: {  	s6 =	simm.s32 $0x0;
	s20 =	sshll.u32 s4, $0x1;
	s4 =	sadd.s32 s21, s2  }
0x9d: {  	[timem:s6], [sflag:s22] =	dma.local [hbm:s4], s20  }
0x9e: {  	_ =	swait.ge [sflag:s22], s20  }
0x9f: {  	s3 =	ssub.s32 $0x0, s20;
	[sflag:s22] =	ssyncset.done $0x0  }
0xa0: {  	[sflag:s22] =	ssyncadd.s32 s3;
	_ =	sdelay $0x1  }
0xa1: {  	s23 =	simm.s32 $0x1B8B  }
0xa2: {  	_ =	swait.ge [sflag:s23], $0x1  }
0xa3: {  	[sflag:s23] =	ssyncset.done $0x0  }
0xa4: {  	s25 =	simm.s32 $0x1B8E;
	s24 =	sld [smem:$0x3FFE];
	[sflag:s23] =	ssyncadd.s32 $0xFFFFFFFF  }
0xa5: {  	s26 =	simm.s32 $execute0_lowered;
	[smem:$0x3FD2] =	sst s25  }
0xa6: {  	s4 =	sshll.u32 s26, $0x1;
	_ =	strace $0x80000046;
	[dreg:$0x1] =	wrdreg $0xFFFFFFFF  }
0xa7: {  	s28 =	simm.s32 $_size_execute0_lowered;
	s2 =	sadd.s32 s2, s4;
	[dreg:$0x0] =	wrdreg $0x0  }
0xa8: {  	s4 =	sshll.u32 s28, $0x1;
	[dreg:$0x2] =	wrdreg s2  }
0xa9: {  	[dreg:$0x3] =	wrdreg s4  }
0xaa: {  	[dreg:$0x4] =	wrdreg $0xC0  }
0xab: {  	_ =	task [dreg:s6], $0x5FFFF  }
0xac: {  	[dreg:$0x1] =	wrdreg $0xFFFFFFFF  }
0xad: {  	[dreg:$0x0] =	wrdreg $0x60  }
0xae: {  	[dreg:$0x2] =	wrdreg s24  }
0xaf: {  	[dreg:$0x3] =	wrdreg $0xD6000  }
0xb0: {  	[dreg:$0x4] =	wrdreg $0x9  }
0xb1: {  	_ =	task.clear_ibuf [dreg:s6], $0x5FFFF;
	_ =	strace $0x90000046  }
0xb2: {  	s29 =	simm.s32 $0x9;
	_ =	strace $0x80000048  }
0xb3: {  	_ =	swait.ge [sflag:s29], $0x1  }
0xb4: {  	[sflag:s29] =	ssyncadd.s32 $0xFFFFFFFF  }
0xb5: {  	_ =	strace $0x90000048  }
0xb6: {  	_ =	sfence  }
0xb7: {  	s30 =	sld [smem:$0x0];
	_ =	sdelay $0x2  }
0xb8: {  	s31 =	sshll.u32 s1, $0xD;
	s1 =	sshrl.u32 s1, $0x2  }
0xb9: {  	s3 =	sand.u32 $0x4000, s31;
	s1 =	sadd.s32 s1, s30  }
0xba: {  	s0 =	sor.u32 s3, s0;
	s1 =	sshll.u32 s1, $0x11  }
0xbb: {  	s0 =	sor.u32 s1, s0  }
0xbc: {  	s0 =	sadd.s32 $0x8F2B, s0  }
0xbd: {  	[sflag:s0] =	ssyncadd.remote.s32 $0x1  }
0xbe: {  	_ =	sfence.sel $0xFFFF  }
0xbf: {  	[dreg:$0x0] =	wrdreg $0xFFFFFFFF;
	(pc) =	sbr.abs _section_cstart, $3  }
0xc0: {  	[dreg:$0x1] =	wrdreg $0xFFFFFFFF  }
0xc1: {  	_ =	task.clear_ibuf [dreg:s6], $0x2FFFF;
	_ =	strace $0x9FFFFFFF  }
0xc2: {  	(tm) =	ssettm $0x7FFFFFFF  }
0xc3: {  	_ =	shalt  }
tec
execute0_lowered:
.L_overlay_start_1:
0x0: {  	(tag) =	ssettag $0x1  }
0x1: {  	s15 =	stileid.u32;
	s0 =	rddreg [dreg:$0x0]  }
0x2: {  	s2 =	rddreg [dreg:$0x1];
	s3 =	srdreg.scid  }
0x3: {  	s6 =	simm.s32 $0x0;
	s30 =	simm.s32 $0x1880;
	s31 =	simm.s32 $0x3100  }
0x4: {  	s28 =	simm.s32 $0x400;
	s29 =	simm.s32 $0x3;
	s1 =	smul.u32 $0x9300, s15  }
0x5: {  	s3 =	sand.u32 $0x1, s3;
	[smem:$0x7FF] =	sst s6;
	s16 =	smul.u32 $0x1080, s15  }
0x6: {  	p0 =	slt.u32 s15, $0x3;
	s18 =	sshrl.u32 s15, $0x3;
	s11 =	smul.u32 $0x21000, s15  }
0x7: {  	s19 =	sshll.u32 s15, $0x7;
	s22 =	sadd.s32 $0xFFFFFFFE, s15;
	s25 =	sadd.s32 $0xFFFFFFFB, s15  }
0x8: {  	s26 =	sadd.s32 $0xFFFFFFF8, s15;
	p3 =	sgt.u32 s15, $0x6;
	s5 =	smul.u32 $0x93000, s3  }
0x9: {  	p4 =	slt.u32 s15, $0xA;
	p5 =	slt.u32 s15, $0xD;
	s7 =	smul.u32 $0x10800, s3  }
0xa: {  	_ =	strace $0x80000047;
	s3 =	ssub.s32 $0x2, s3;
	s10 =	smul.u32 $0xE7000, s18  }
0xb: {  	p2 =	sgt.u32 s26, $0x6;
	s4 =	smulhi.u32 $0xA72F1, s1;
	s17 =	sshrl.u32 s3, $0x1  }
0xc: {  	s11 =	sshrl.u32 s11, $0x2;
	s1 =	sadd.s32 s1, s5;
	s5 =	sadd.s32 s16, s7  }
0xd: {  	s12 =	ssub.s32 s3, s17;
	s3 =	simm.s32 $0x1;
	s4 =	sshrl.u32 s4, $0x4  }
0xe: {  	s10 =	sshrl.u32 s10, $0x2;
	s1 =	sshrl.u32 s1, $0x3;
	s14 =	smul.u32 $0xFFFFAC00, s4  }
0xf: {  	s5 =	sshrl.u32 s5, $0x3;
	s4 =	smul.u32 $0x2C00, s4;
	s1 =	sadd.s32 s1, s0  }
0x10: {  	s0 =	sadd.s32 s5, s0;
	s5 =	sadd.s32 $0x1710, s1;
	s7 =	sadd.s32 $0x1D30, s1  }
0x11: {  	s8 =	sadd.s32 $0x2040, s1;
	s9 =	sadd.s32 $0x2350, s1;
	s6 =	sand.u32 $0xFC00, s14  }
0x12: {  	s4 =	sand.u32 $0xFC00, s4;
	s14 =	sadd.s32 s10, s2;
	s10 =	sadd.s32 s11, s2  }
0x13: {  	s6 =	sshrl.u32 s6, $0x7;
	s4 =	smul.u32 $0xF83F, s4;
	s20 =	sadd.s32 $0x80, s10  }
0x14: {  	s21 =	sadd.s32 $0x100, s10;
	s2 =	sadd.s32 $0xFFFEF980, s10;
	s23 =	sadd.s32 $0xFFFEFA00, s10  }
0x15: {  	s24 =	sadd.s32 $0xFFFEFA80, s10;
	s17 =	sadd.s32 $0xFFFD6F00, s10;
	[dreg:$0x3] =	wrdreg s20  }
0x16: {  	s18 =	sadd.s32 $0xFFFD6F80, s10;
	s26 =	sadd.s32 $0xFFFE7680, s10;
	[dreg:$0x4] =	wrdreg s21  }
0x17: {  	s15 =	sadd.s32 $0xFFFCEB00, s10;
	s16 =	sadd.s32 $0xFFFCEB80, s10;
	[dreg:$0x5] =	wrdreg s2  }
0x18: {  	p1 =	sgt.u32 s6, $0xF;
	s6 =	simm.s32 $0x1;
	[dreg:$0x6] =	wrdreg s23  }
0x19: {  	[dreg:$0x7] =	wrdreg s24;
	s20 =	sadd.s32 $0xFFFF7C80, s10;
	s21 =	sadd.s32 $0xFFFF7D00, s10  }
0x1a: {  	s23 =	sadd.s32 $0x26000, s0;
	s24 =	smax.u32 s12, $0x1;
	[dreg:$0x8] =	wrdreg s15  }
0x1b: {  	v0 =	vimm.s32 $0xEDCBA987;
	[dreg:$0x9] =	wrdreg s16;
	s0 =	simm.s32 $0x80;
	p0 =	por !p0, !p1  }
0x1c: {  	v1 =	vimm.s32 $0x65432100;
	v0 =	vunpack.c.l.s4.s8 v0;
	s2 =	simm.s32 $0xA480;
	s12 =	simm.s32 $0xC580;
	p0 =	por !p0, !p0  }
0x1d: {  	v1 =	vunpack.c.l.s4.s8 v1;
	s4 =	sshrl.u32 s4, $0x1C;
	p1 =	sgt.u32 s25, $0x6;
	s6 =	simm.s32 @!p0 $0x0  }
0x1e: {  	v2 =	vunpack.c.0.s8.s32 v0;
	s25 =	sadd.s32 $0xFFFE7600, s10;
	p0 =	sgt.u32 s22, $0x6;
	s4 =	ssub.s32 s4, s6  }
0x1f: {  	v3 =	vunpack.c.0.s8.s32 v1;
	s22 =	sadd.s32 $0xFFFE7580, s10;
	s6 =	sadd.s32 $0x1A20, s1;
	s13 =	smul.u32 $0x1080, s4  }
0x20: {  	vm0 =	vmmov $0x1;
	v2 =	vand.u32 $0xF, v2;
	s4 =	sadd.s32 $0x1400, s1;
	s1 =	sand.u32 $0x380, s19;
	s19 =	sadd.s32 $0xFFFF7C00, s10  }
0x21: {  	v1 =	vimm.s32 $0x3F;
	v2 =	vcombine.low v3, v2;
	s11 =	sadd.s32 s1, s14;
	s1 =	simm.s32 $0x2;
	v0 =	vmov s13;
	s13 =	simm.s32 $0x0  }
.LBB2_1:
0x22: {  	s15 =	simm.s32 $0x100;
	s14 =	simm.s32 $0x0  }
.LBB2_2:
0x23: {  	p6 =	sne.s32 s15, $0x1CD00;
	[tilespmem:s14+$0x3130] =	vst v1;
	s16 =	smov.u32 s15;
	s15 =	sadd.s32 $0x100, s15  }
.Ltmp0:
0x24: {  	[tilespmem:s14+$0x3120] =	vst v1;
	(pc) =	sbr.rel @p6 .LBB2_2-.Ltmp0, $3  }
0x25: {  	[tilespmem:s14+$0x3100] =	vst v1  }
0x26: {  	[tilespmem:s14+$0x3110] =	vst v1;
	_ =	sdelay $0x1  }
0x27: {  	s14 =	sshra.s32 s16, $0x2  }
0x28: {  	[tilespmem:s14+$0x3130] =	vst v1  }
0x29: {  	[tilespmem:s14+$0x3120] =	vst v1  }
0x2a: {  	[tilespmem:s14+$0x3100] =	vst v1  }
0x2b: {  	[tilespmem:s14+$0x3110] =	vst v1;
	s14 =	simm.s32 $0x0  }
0x2c: {  	[tilespmem:s14], [sflag:$0x1] =	stream.linear.gather [hbm4b:s4+s14], $0x1880, $0x38;
	[tilespmem:$0x14980] =	vst v63  }
0x2d: {  	_ =	swait.ge [sflag:s3], $0x1880  }
0x2e: {  	[sflag:s3] =	ssyncset.done $0x0  }
0x2f: {  	[sflag:s3] =	ssyncadd.s32 $0xFFFFE780  }
0x30: {  	[tilespmem:s30], [sflag:$0x2] =	stream.linear.gather [hbm4b:s5+s14], $0x1880, $0x38;
	[tilespmem:$0x14980] =	vst v63  }
.LBB2_4:
0x31: {  	s15 =	sshra.s32 s14, $0x2  }
0x32: {  	v3 =	vld [tilespmem:s15+$0x0];
	_ =	sdelay $0x4  }
0x33: {  	v4 =	vxor.u32 $0x80000000, v3  }
0x34: {  	(xrf1) =	vsort.ascd.msk.u32 $0xffff, v4, v3;
	_ =	sdelay $0xd  }
0x35: {  	v3, _, _ =	vpop (xrf1)  }
0x36: {  	v63 =	vshra.s32 v3, $0x6  }
0x37: {  	v5 =	vxor.u32 $0xFE000000, v63  }
0x38: {  	v5 =	vsub.s32 v5, v0  }
0x39: {  	v4 =	vand.u32 $0x7F, v63;
	v6 =	vand.u32 $0xFFFFFF80, v5  }
0x3a: {  	v4 =	vor.u32 v4, v6;
	_ =	sdelay $0x4  }
0x3b: {  	v6 =	vld.idx.msk [tilespmem:v4+s31+$0x0], $0xffff;
	_ =	sdelay $0x1  }
0x3c: {  	v7 =	vperm.xlane v5, v2;
	_ =	sdelay $0x1  }
0x3d: {  	v3 =	vand.u32 $0x3F, v3;
	vm1 =	vne.s32 v5, v7  }
0x3e: {  	vm1 =	vmor vm1, vm0;
	vm2 =	vlt.s32 v3, v6  }
0x3f: {  	vm1 =	vmand vm2, vm1  }
0x40: {  	p6 =	sne.s32 s14, $0x61C0  }
.Ltmp1:
0x41: {  	_ = 	snop;
	(pc) =	sbr.rel @p6 .LBB2_4-.Ltmp1, $2  }
0x42: {  	_ =	sdelay $0x2  }
0x43: {  	s14 =	sadd.s32 $0x40, s14;
	[tilespmem:v4+s31+$0x0] =	vst.idx.msk vm1, v3  }
0x44: {  	_ =	swait.ge [sflag:s1], $0x1880  }
0x45: {  	[sflag:s1] =	ssyncset.done $0x0  }
0x46: {  	s14 =	simm.s32 $0x0;
	[sflag:s1] =	ssyncadd.s32 $0xFFFFE780  }
0x47: {  	[tilespmem:s14], [sflag:$0x1] =	stream.linear.gather [hbm4b:s6+s14], $0x1880, $0x38;
	[tilespmem:$0x14980] =	vst v63  }
.LBB2_6:
0x48: {  	s15 =	sshra.s32 s14, $0x2  }
0x49: {  	v3 =	vld [tilespmem:s15+$0x1880];
	_ =	sdelay $0x4  }
0x4a: {  	v4 =	vxor.u32 $0x80000000, v3  }
0x4b: {  	(xrf1) =	vsort.ascd.msk.u32 $0xffff, v4, v3;
	_ =	sdelay $0xd  }
0x4c: {  	v3, _, _ =	vpop (xrf1)  }
0x4d: {  	v63 =	vshra.s32 v3, $0x6  }
0x4e: {  	v5 =	vxor.u32 $0xFE000000, v63  }
0x4f: {  	v5 =	vsub.s32 v5, v0  }
0x50: {  	v4 =	vand.u32 $0x7F, v63;
	v6 =	vand.u32 $0xFFFFFF80, v5  }
0x51: {  	v4 =	vor.u32 v4, v6;
	_ =	sdelay $0x4  }
0x52: {  	v6 =	vld.idx.msk [tilespmem:v4+s31+$0x0], $0xffff;
	_ =	sdelay $0x1  }
0x53: {  	v7 =	vperm.xlane v5, v2;
	_ =	sdelay $0x1  }
0x54: {  	v3 =	vand.u32 $0x3F, v3;
	vm1 =	vne.s32 v5, v7  }
0x55: {  	vm1 =	vmor vm1, vm0;
	vm2 =	vlt.s32 v3, v6  }
0x56: {  	vm1 =	vmand vm2, vm1  }
0x57: {  	p6 =	sne.s32 s14, $0x61C0  }
.Ltmp2:
0x58: {  	_ = 	snop;
	(pc) =	sbr.rel @p6 .LBB2_6-.Ltmp2, $2  }
0x59: {  	_ =	sdelay $0x2  }
0x5a: {  	s14 =	sadd.s32 $0x40, s14;
	[tilespmem:v4+s31+$0x0] =	vst.idx.msk vm1, v3  }
0x5b: {  	_ =	swait.ge [sflag:s3], $0x1880  }
0x5c: {  	[sflag:s3] =	ssyncset.done $0x0  }
0x5d: {  	s14 =	simm.s32 $0x0;
	[sflag:s3] =	ssyncadd.s32 $0xFFFFE780  }
0x5e: {  	[tilespmem:s30], [sflag:$0x2] =	stream.linear.gather [hbm4b:s7+s14], $0x1880, $0x38;
	[tilespmem:$0x14980] =	vst v63  }
.LBB2_8:
0x5f: {  	s15 =	sshra.s32 s14, $0x2  }
0x60: {  	v3 =	vld [tilespmem:s15+$0x0];
	_ =	sdelay $0x4  }
0x61: {  	v4 =	vxor.u32 $0x80000000, v3  }
0x62: {  	(xrf1) =	vsort.ascd.msk.u32 $0xffff, v4, v3;
	_ =	sdelay $0xd  }
0x63: {  	v3, _, _ =	vpop (xrf1)  }
0x64: {  	v63 =	vshra.s32 v3, $0x6  }
0x65: {  	v5 =	vxor.u32 $0xFE000000, v63  }
0x66: {  	v5 =	vsub.s32 v5, v0  }
0x67: {  	v4 =	vand.u32 $0x7F, v63;
	v6 =	vand.u32 $0xFFFFFF80, v5  }
0x68: {  	v4 =	vor.u32 v4, v6;
	_ =	sdelay $0x4  }
0x69: {  	v6 =	vld.idx.msk [tilespmem:v4+s31+$0x0], $0xffff;
	_ =	sdelay $0x1  }
0x6a: {  	v7 =	vperm.xlane v5, v2;
	_ =	sdelay $0x1  }
0x6b: {  	v3 =	vand.u32 $0x3F, v3;
	vm1 =	vne.s32 v5, v7  }
0x6c: {  	vm1 =	vmor vm1, vm0;
	vm2 =	vlt.s32 v3, v6  }
0x6d: {  	vm1 =	vmand vm2, vm1  }
0x6e: {  	p6 =	sne.s32 s14, $0x61C0  }
.Ltmp3:
0x6f: {  	_ = 	snop;
	(pc) =	sbr.rel @p6 .LBB2_8-.Ltmp3, $2  }
0x70: {  	_ =	sdelay $0x2  }
0x71: {  	s14 =	sadd.s32 $0x40, s14;
	[tilespmem:v4+s31+$0x0] =	vst.idx.msk vm1, v3  }
0x72: {  	_ =	swait.ge [sflag:s1], $0x1880  }
0x73: {  	[sflag:s1] =	ssyncset.done $0x0  }
0x74: {  	s14 =	simm.s32 $0x0;
	[sflag:s1] =	ssyncadd.s32 $0xFFFFE780  }
0x75: {  	[tilespmem:s14], [sflag:$0x1] =	stream.linear.gather [hbm4b:s8+s14], $0x1880, $0x38;
	[tilespmem:$0x14980] =	vst v63  }
.LBB2_10:
0x76: {  	s15 =	sshra.s32 s14, $0x2  }
0x77: {  	v3 =	vld [tilespmem:s15+$0x1880];
	_ =	sdelay $0x4  }
0x78: {  	v4 =	vxor.u32 $0x80000000, v3  }
0x79: {  	(xrf1) =	vsort.ascd.msk.u32 $0xffff, v4, v3;
	_ =	sdelay $0xd  }
0x7a: {  	v3, _, _ =	vpop (xrf1)  }
0x7b: {  	v63 =	vshra.s32 v3, $0x6  }
0x7c: {  	v5 =	vxor.u32 $0xFE000000, v63  }
0x7d: {  	v5 =	vsub.s32 v5, v0  }
0x7e: {  	v4 =	vand.u32 $0x7F, v63;
	v6 =	vand.u32 $0xFFFFFF80, v5  }
0x7f: {  	v4 =	vor.u32 v4, v6;
	_ =	sdelay $0x4  }
0x80: {  	v6 =	vld.idx.msk [tilespmem:v4+s31+$0x0], $0xffff;
	_ =	sdelay $0x1  }
0x81: {  	v7 =	vperm.xlane v5, v2;
	_ =	sdelay $0x1  }
0x82: {  	v3 =	vand.u32 $0x3F, v3;
	vm1 =	vne.s32 v5, v7  }
0x83: {  	vm1 =	vmor vm1, vm0;
	vm2 =	vlt.s32 v3, v6  }
0x84: {  	vm1 =	vmand vm2, vm1  }
0x85: {  	p6 =	sne.s32 s14, $0x61C0  }
.Ltmp4:
0x86: {  	_ = 	snop;
	(pc) =	sbr.rel @p6 .LBB2_10-.Ltmp4, $2  }
0x87: {  	_ =	sdelay $0x2  }
0x88: {  	s14 =	sadd.s32 $0x40, s14;
	[tilespmem:v4+s31+$0x0] =	vst.idx.msk vm1, v3  }
0x89: {  	_ =	swait.ge [sflag:s3], $0x1880  }
0x8a: {  	[sflag:s3] =	ssyncset.done $0x0  }
0x8b: {  	s14 =	simm.s32 $0x0;
	[sflag:s3] =	ssyncadd.s32 $0xFFFFE780  }
0x8c: {  	[tilespmem:s30], [sflag:$0x2] =	stream.linear.gather [hbm4b:s9+s14], $0x1880, $0x38;
	[tilespmem:$0x14980] =	vst v63  }
.LBB2_12:
0x8d: {  	s15 =	sshra.s32 s14, $0x2  }
0x8e: {  	v3 =	vld [tilespmem:s15+$0x0];
	_ =	sdelay $0x4  }
0x8f: {  	v4 =	vxor.u32 $0x80000000, v3  }
0x90: {  	(xrf1) =	vsort.ascd.msk.u32 $0xffff, v4, v3;
	_ =	sdelay $0xd  }
0x91: {  	v3, _, _ =	vpop (xrf1)  }
0x92: {  	v63 =	vshra.s32 v3, $0x6  }
0x93: {  	v5 =	vxor.u32 $0xFE000000, v63  }
0x94: {  	v5 =	vsub.s32 v5, v0  }
0x95: {  	v4 =	vand.u32 $0x7F, v63;
	v6 =	vand.u32 $0xFFFFFF80, v5  }
0x96: {  	v4 =	vor.u32 v4, v6;
	_ =	sdelay $0x4  }
0x97: {  	v6 =	vld.idx.msk [tilespmem:v4+s31+$0x0], $0xffff;
	_ =	sdelay $0x1  }
0x98: {  	v7 =	vperm.xlane v5, v2;
	_ =	sdelay $0x1  }
0x99: {  	v3 =	vand.u32 $0x3F, v3;
	vm1 =	vne.s32 v5, v7  }
0x9a: {  	vm1 =	vmor vm1, vm0;
	vm2 =	vlt.s32 v3, v6  }
0x9b: {  	vm1 =	vmand vm2, vm1  }
0x9c: {  	p6 =	sne.s32 s14, $0x61C0  }
.Ltmp5:
0x9d: {  	_ = 	snop;
	(pc) =	sbr.rel @p6 .LBB2_12-.Ltmp5, $2  }
0x9e: {  	_ =	sdelay $0x2  }
0x9f: {  	s14 =	sadd.s32 $0x40, s14;
	[tilespmem:v4+s31+$0x0] =	vst.idx.msk vm1, v3  }
0xa0: {  	_ =	swait.ge [sflag:s1], $0x1880  }
0xa1: {  	[sflag:s1] =	ssyncset.done $0x0  }
0xa2: {  	s14 =	simm.s32 $0x0;
	[sflag:s1] =	ssyncadd.s32 $0xFFFFE780  }
.LBB2_14:
0xa3: {  	s15 =	sshra.s32 s14, $0x2  }
0xa4: {  	v3 =	vld [tilespmem:s15+$0x1880];
	_ =	sdelay $0x4  }
0xa5: {  	v4 =	vxor.u32 $0x80000000, v3  }
0xa6: {  	(xrf1) =	vsort.ascd.msk.u32 $0xffff, v4, v3;
	_ =	sdelay $0xd  }
0xa7: {  	v3, _, _ =	vpop (xrf1)  }
0xa8: {  	v63 =	vshra.s32 v3, $0x6  }
0xa9: {  	v5 =	vxor.u32 $0xFE000000, v63  }
0xaa: {  	v5 =	vsub.s32 v5, v0  }
0xab: {  	v4 =	vand.u32 $0x7F, v63;
	v6 =	vand.u32 $0xFFFFFF80, v5  }
0xac: {  	v4 =	vor.u32 v4, v6;
	_ =	sdelay $0x4  }
0xad: {  	v6 =	vld.idx.msk [tilespmem:v4+s31+$0x0], $0xffff;
	_ =	sdelay $0x1  }
0xae: {  	v7 =	vperm.xlane v5, v2;
	_ =	sdelay $0x1  }
0xaf: {  	v3 =	vand.u32 $0x3F, v3;
	vm1 =	vne.s32 v5, v7  }
0xb0: {  	vm1 =	vmor vm1, vm0;
	vm2 =	vlt.s32 v3, v6  }
0xb1: {  	vm1 =	vmand vm2, vm1  }
0xb2: {  	p6 =	sne.s32 s14, $0x61C0  }
.Ltmp6:
0xb3: {  	_ = 	snop;
	(pc) =	sbr.rel @p6 .LBB2_14-.Ltmp6, $2  }
0xb4: {  	_ =	sdelay $0x2  }
0xb5: {  	s14 =	sadd.s32 $0x40, s14;
	[tilespmem:v4+s31+$0x0] =	vst.idx.msk vm1, v3  }
0xb6: {  	[spmem:s11] =	stream.strided.scatter [tilespmem:s31], [sflag:$0x3], $0x7380, s28, s0, $0x38;
	[tilespmem:$0x14980] =	vst v63  }
0xb7: {  	_ =	swait.ge [sflag:s29], $0x7380  }
0xb8: {  	[sflag:s29] =	ssyncset.done $0x0  }
0xb9: {  	[sflag:s29] =	ssyncadd.s32 $0xFFFF8C80  }
0xba: {  	s14 =	simm.s32 $0x40;
	s15 =	simm.s32 $0x0;
	[bflag:$0x0] =	sbarrier.arrive $0xFFFF  }
.LBB2_16:
0xbb: {  	p6 =	sne.s32 s14, $0x41C0;
	[tilespmem:s15+$0xB500] =	vst v1;
	s15 =	smov.u32 s14;
	s14 =	sadd.s32 $0x40, s14  }
.Ltmp7:
0xbc: {  	(pc) =	sbr.rel @p6 .LBB2_16-.Ltmp7, $2  }
0xbd: {  	_ =	sdelay $0x2  }
0xbe: {  	s15 =	sshra.s32 s15, $0x2  }
.Ltmp8:
0xbf: {  	(pc) =	sbr.rel @p3 .LBB2_25-.Ltmp8, $2  }
0xc0: {  	_ =	sdelay $0x2  }
0xc1: {  	[tilespmem:s15+$0xB500] =	vst v1  }
0xc2: {  	[tilespmem:s2], [sflag:$0x3] =	stream.strided.gather [spmem:s10], $0x1080, s28, s0, $0x38;
	[tilespmem:$0x14980] =	vst v63  }
0xc3: {  	_ =	swait.ge [sflag:s29], $0x1080  }
0xc4: {  	[sflag:s29] =	ssyncset.done $0x0  }
0xc5: {  	s14 =	simm.s32 $0x0;
	[sflag:s29] =	ssyncadd.s32 $0xFFFFEF80  }
0xc6: {  	s15 =	simm.s32 $0x40;
	v3 =	vld [tilespmem:s14+$0xA480]  }
.LBB2_19:
0xc7: {  	p6 =	sne.s32 s15, $0x41C0;
	v4 =	vld [tilespmem:s14+$0xB500];
	_ =	sdelay $0x2  }
.Ltmp9:
0xc8: {  	(pc) =	sbr.rel @p6 .LBB2_19-.Ltmp9, $4  }
0xc9: {  	_ = 	snop  }
0xca: {  	vm1 =	vlt.s32 v4, v3  }
0xcb: {  	s16 =	sshra.s32 s15, $0x2;
	v4 =	vsel vm1, v4, v3  }
0xcc: {  	s15 =	sadd.s32 $0x40, s15;
	v3 =	vld [tilespmem:s16+$0xA480];
	[tilespmem:s14+$0xB500] =	vst v4;
	s14 =	smov.u32 s16  }
0xcd: {  	v4 =	vld [tilespmem:s14+$0xB500];
	_ =	sdelay $0x4  }
0xce: {  	vm1 =	vlt.s32 v4, v3  }
0xcf: {  	v3 =	vsel vm1, v4, v3  }
0xd0: {  	s16 =	rddreg [dreg:$0x3];
	[tilespmem:s14+$0xB500] =	vst v3  }
0xd1: {  	[tilespmem:s2], [sflag:$0x3] =	stream.strided.gather [spmem:s16], $0x1080, s28, s0, $0x38;
	[tilespmem:$0x14980] =	vst v63  }
0xd2: {  	_ =	swait.ge [sflag:s29], $0x1080  }
0xd3: {  	[sflag:s29] =	ssyncset.done $0x0  }
0xd4: {  	s14 =	simm.s32 $0x0;
	[sflag:s29] =	ssyncadd.s32 $0xFFFFEF80  }
0xd5: {  	s15 =	simm.s32 $0x40;
	v3 =	vld [tilespmem:s14+$0xA480]  }
.LBB2_21:
0xd6: {  	p6 =	sne.s32 s15, $0x41C0;
	v4 =	vld [tilespmem:s14+$0xB500];
	_ =	sdelay $0x2  }
.Ltmp10:
0xd7: {  	(pc) =	sbr.rel @p6 .LBB2_21-.Ltmp10, $4  }
0xd8: {  	_ = 	snop  }
0xd9: {  	vm1 =	vlt.s32 v4, v3  }
0xda: {  	s16 =	sshra.s32 s15, $0x2;
	v4 =	vsel vm1, v4, v3  }
0xdb: {  	s15 =	sadd.s32 $0x40, s15;
	v3 =	vld [tilespmem:s16+$0xA480];
	[tilespmem:s14+$0xB500] =	vst v4;
	s14 =	smov.u32 s16  }
0xdc: {  	v4 =	vld [tilespmem:s14+$0xB500];
	_ =	sdelay $0x4  }
0xdd: {  	vm1 =	vlt.s32 v4, v3  }
0xde: {  	v3 =	vsel vm1, v4, v3  }
0xdf: {  	s16 =	rddreg [dreg:$0x4];
	[tilespmem:s14+$0xB500] =	vst v3  }
0xe0: {  	[tilespmem:s2], [sflag:$0x3] =	stream.strided.gather [spmem:s16], $0x1080, s28, s0, $0x38;
	[tilespmem:$0x14980] =	vst v63  }
0xe1: {  	_ =	swait.ge [sflag:s29], $0x1080  }
0xe2: {  	[sflag:s29] =	ssyncset.done $0x0  }
0xe3: {  	s14 =	simm.s32 $0x0;
	[sflag:s29] =	ssyncadd.s32 $0xFFFFEF80  }
0xe4: {  	s15 =	simm.s32 $0x40;
	v3 =	vld [tilespmem:s14+$0xA480]  }
.LBB2_23:
0xe5: {  	p6 =	sne.s32 s15, $0x41C0;
	v4 =	vld [tilespmem:s14+$0xB500];
	_ =	sdelay $0x2  }
.Ltmp11:
0xe6: {  	(pc) =	sbr.rel @p6 .LBB2_23-.Ltmp11, $4  }
0xe7: {  	_ = 	snop  }
0xe8: {  	vm1 =	vlt.s32 v4, v3  }
0xe9: {  	s16 =	sshra.s32 s15, $0x2;
	v4 =	vsel vm1, v4, v3  }
0xea: {  	s15 =	sadd.s32 $0x40, s15;
	v3 =	vld [tilespmem:s16+$0xA480];
	[tilespmem:s14+$0xB500] =	vst v4;
	s14 =	smov.u32 s16  }
0xeb: {  	v4 =	vld [tilespmem:s14+$0xB500];
	_ =	sdelay $0x4  }
0xec: {  	vm1 =	vlt.s32 v4, v3  }
0xed: {  	v3 =	vsel vm1, v4, v3  }
0xee: {  	[tilespmem:s14+$0xB500] =	vst v3  }
.LBB2_25:
.Ltmp12:
0xef: {  	(pc) =	sbr.rel @p0 .LBB2_33-.Ltmp12, $1  }
0xf0: {  	_ =	sdelay $0x3  }
0xf1: {  	s14 =	rddreg [dreg:$0x5]  }
0xf2: {  	[tilespmem:s2], [sflag:$0x3] =	stream.strided.gather [spmem:s14], $0x1080, s28, s0, $0x38;
	[tilespmem:$0x14980] =	vst v63  }
0xf3: {  	_ =	swait.ge [sflag:s29], $0x1080  }
0xf4: {  	[sflag:s29] =	ssyncset.done $0x0  }
0xf5: {  	s14 =	simm.s32 $0x0;
	[sflag:s29] =	ssyncadd.s32 $0xFFFFEF80  }
0xf6: {  	s15 =	simm.s32 $0x40;
	v3 =	vld [tilespmem:s14+$0xA480]  }
.LBB2_27:
0xf7: {  	p6 =	sne.s32 s15, $0x41C0;
	v4 =	vld [tilespmem:s14+$0xB500];
	_ =	sdelay $0x2  }
.Ltmp13:
0xf8: {  	(pc) =	sbr.rel @p6 .LBB2_27-.Ltmp13, $4  }
0xf9: {  	_ = 	snop  }
0xfa: {  	vm1 =	vlt.s32 v4, v3  }
0xfb: {  	s16 =	sshra.s32 s15, $0x2;
	v4 =	vsel vm1, v4, v3  }
0xfc: {  	s15 =	sadd.s32 $0x40, s15;
	v3 =	vld [tilespmem:s16+$0xA480];
	[tilespmem:s14+$0xB500] =	vst v4;
	s14 =	smov.u32 s16  }
0xfd: {  	v4 =	vld [tilespmem:s14+$0xB500];
	_ =	sdelay $0x4  }
0xfe: {  	vm1 =	vlt.s32 v4, v3  }
0xff: {  	v3 =	vsel vm1, v4, v3  }
0x100: {  	s16 =	rddreg [dreg:$0x6];
	[tilespmem:s14+$0xB500] =	vst v3  }
0x101: {  	[tilespmem:s2], [sflag:$0x3] =	stream.strided.gather [spmem:s16], $0x1080, s28, s0, $0x38;
	[tilespmem:$0x14980] =	vst v63  }
0x102: {  	_ =	swait.ge [sflag:s29], $0x1080  }
0x103: {  	[sflag:s29] =	ssyncset.done $0x0  }
0x104: {  	s14 =	simm.s32 $0x0;
	[sflag:s29] =	ssyncadd.s32 $0xFFFFEF80  }
0x105: {  	s15 =	simm.s32 $0x40;
	v3 =	vld [tilespmem:s14+$0xA480]  }
.LBB2_29:
0x106: {  	p6 =	sne.s32 s15, $0x41C0;
	v4 =	vld [tilespmem:s14+$0xB500];
	_ =	sdelay $0x2  }
.Ltmp14:
0x107: {  	(pc) =	sbr.rel @p6 .LBB2_29-.Ltmp14, $4  }
0x108: {  	_ = 	snop  }
0x109: {  	vm1 =	vlt.s32 v4, v3  }
0x10a: {  	s16 =	sshra.s32 s15, $0x2;
	v4 =	vsel vm1, v4, v3  }
0x10b: {  	s15 =	sadd.s32 $0x40, s15;
	v3 =	vld [tilespmem:s16+$0xA480];
	[tilespmem:s14+$0xB500] =	vst v4;
	s14 =	smov.u32 s16  }
0x10c: {  	v4 =	vld [tilespmem:s14+$0xB500];
	_ =	sdelay $0x4  }
0x10d: {  	vm1 =	vlt.s32 v4, v3  }
0x10e: {  	v3 =	vsel vm1, v4, v3  }
0x10f: {  	s16 =	rddreg [dreg:$0x7];
	[tilespmem:s14+$0xB500] =	vst v3  }
0x110: {  	[tilespmem:s2], [sflag:$0x3] =	stream.strided.gather [spmem:s16], $0x1080, s28, s0, $0x38;
	[tilespmem:$0x14980] =	vst v63  }
0x111: {  	_ =	swait.ge [sflag:s29], $0x1080  }
0x112: {  	[sflag:s29] =	ssyncset.done $0x0  }
0x113: {  	s14 =	simm.s32 $0x0;
	[sflag:s29] =	ssyncadd.s32 $0xFFFFEF80  }
0x114: {  	s15 =	simm.s32 $0x40;
	v3 =	vld [tilespmem:s14+$0xA480]  }
.LBB2_31:
0x115: {  	p6 =	sne.s32 s15, $0x41C0;
	v4 =	vld [tilespmem:s14+$0xB500];
	_ =	sdelay $0x2  }
.Ltmp15:
0x116: {  	(pc) =	sbr.rel @p6 .LBB2_31-.Ltmp15, $4  }
0x117: {  	_ = 	snop  }
0x118: {  	vm1 =	vlt.s32 v4, v3  }
0x119: {  	s16 =	sshra.s32 s15, $0x2;
	v4 =	vsel vm1, v4, v3  }
0x11a: {  	s15 =	sadd.s32 $0x40, s15;
	v3 =	vld [tilespmem:s16+$0xA480];
	[tilespmem:s14+$0xB500] =	vst v4;
	s14 =	smov.u32 s16  }
0x11b: {  	v4 =	vld [tilespmem:s14+$0xB500];
	_ =	sdelay $0x4  }
0x11c: {  	vm1 =	vlt.s32 v4, v3  }
0x11d: {  	v3 =	vsel vm1, v4, v3  }
0x11e: {  	[tilespmem:s14+$0xB500] =	vst v3  }
.LBB2_33:
.Ltmp16:
0x11f: {  	(pc) =	sbr.rel @p1 .LBB2_39-.Ltmp16, $1  }
0x120: {  	_ =	sdelay $0x3  }
0x121: {  	[tilespmem:s2], [sflag:$0x3] =	stream.strided.gather [spmem:s17], $0x1080, s28, s0, $0x38;
	[tilespmem:$0x14980] =	vst v63  }
0x122: {  	_ =	swait.ge [sflag:s29], $0x1080  }
0x123: {  	[sflag:s29] =	ssyncset.done $0x0  }
0x124: {  	s14 =	simm.s32 $0x0;
	[sflag:s29] =	ssyncadd.s32 $0xFFFFEF80  }
0x125: {  	s15 =	simm.s32 $0x40;
	v3 =	vld [tilespmem:s14+$0xA480]  }
.LBB2_35:
0x126: {  	p6 =	sne.s32 s15, $0x41C0;
	v4 =	vld [tilespmem:s14+$0xB500];
	_ =	sdelay $0x2  }
.Ltmp17:
0x127: {  	(pc) =	sbr.rel @p6 .LBB2_35-.Ltmp17, $4  }
0x128: {  	_ = 	snop  }
0x129: {  	vm1 =	vlt.s32 v4, v3  }
0x12a: {  	s16 =	sshra.s32 s15, $0x2;
	v4 =	vsel vm1, v4, v3  }
0x12b: {  	s15 =	sadd.s32 $0x40, s15;
	v3 =	vld [tilespmem:s16+$0xA480];
	[tilespmem:s14+$0xB500] =	vst v4;
	s14 =	smov.u32 s16  }
0x12c: {  	v4 =	vld [tilespmem:s14+$0xB500];
	_ =	sdelay $0x4  }
0x12d: {  	vm1 =	vlt.s32 v4, v3  }
0x12e: {  	v3 =	vsel vm1, v4, v3  }
0x12f: {  	[tilespmem:s14+$0xB500] =	vst v3  }
0x130: {  	[tilespmem:s2], [sflag:$0x3] =	stream.strided.gather [spmem:s18], $0x1080, s28, s0, $0x38;
	[tilespmem:$0x14980] =	vst v63  }
0x131: {  	_ =	swait.ge [sflag:s29], $0x1080  }
0x132: {  	[sflag:s29] =	ssyncset.done $0x0  }
0x133: {  	s14 =	simm.s32 $0x0;
	[sflag:s29] =	ssyncadd.s32 $0xFFFFEF80  }
0x134: {  	s15 =	simm.s32 $0x40;
	v3 =	vld [tilespmem:s14+$0xA480]  }
.LBB2_37:
0x135: {  	p6 =	sne.s32 s15, $0x41C0;
	v4 =	vld [tilespmem:s14+$0xB500];
	_ =	sdelay $0x2  }
.Ltmp18:
0x136: {  	(pc) =	sbr.rel @p6 .LBB2_37-.Ltmp18, $4  }
0x137: {  	_ = 	snop  }
0x138: {  	vm1 =	vlt.s32 v4, v3  }
0x139: {  	s16 =	sshra.s32 s15, $0x2;
	v4 =	vsel vm1, v4, v3  }
0x13a: {  	s15 =	sadd.s32 $0x40, s15;
	v3 =	vld [tilespmem:s16+$0xA480];
	[tilespmem:s14+$0xB500] =	vst v4;
	s14 =	smov.u32 s16  }
0x13b: {  	v4 =	vld [tilespmem:s14+$0xB500];
	_ =	sdelay $0x4  }
0x13c: {  	vm1 =	vlt.s32 v4, v3  }
0x13d: {  	v3 =	vsel vm1, v4, v3  }
0x13e: {  	[tilespmem:s14+$0xB500] =	vst v3  }
.LBB2_39:
.Ltmp19:
0x13f: {  	(pc) =	sbr.rel @p2 .LBB2_47-.Ltmp19, $1  }
0x140: {  	_ =	sdelay $0x3  }
0x141: {  	[tilespmem:s2], [sflag:$0x3] =	stream.strided.gather [spmem:s19], $0x1080, s28, s0, $0x38;
	[tilespmem:$0x14980] =	vst v63  }
0x142: {  	_ =	swait.ge [sflag:s29], $0x1080  }
0x143: {  	[sflag:s29] =	ssyncset.done $0x0  }
0x144: {  	s14 =	simm.s32 $0x0;
	[sflag:s29] =	ssyncadd.s32 $0xFFFFEF80  }
0x145: {  	s15 =	simm.s32 $0x40;
	v3 =	vld [tilespmem:s14+$0xA480]  }
.LBB2_41:
0x146: {  	p6 =	sne.s32 s15, $0x41C0;
	v4 =	vld [tilespmem:s14+$0xB500];
	_ =	sdelay $0x2  }
.Ltmp20:
0x147: {  	(pc) =	sbr.rel @p6 .LBB2_41-.Ltmp20, $4  }
0x148: {  	_ = 	snop  }
0x149: {  	vm1 =	vlt.s32 v4, v3  }
0x14a: {  	s16 =	sshra.s32 s15, $0x2;
	v4 =	vsel vm1, v4, v3  }
0x14b: {  	s15 =	sadd.s32 $0x40, s15;
	v3 =	vld [tilespmem:s16+$0xA480];
	[tilespmem:s14+$0xB500] =	vst v4;
	s14 =	smov.u32 s16  }
0x14c: {  	v4 =	vld [tilespmem:s14+$0xB500];
	_ =	sdelay $0x4  }
0x14d: {  	vm1 =	vlt.s32 v4, v3  }
0x14e: {  	v3 =	vsel vm1, v4, v3  }
0x14f: {  	[tilespmem:s14+$0xB500] =	vst v3  }
0x150: {  	[tilespmem:s2], [sflag:$0x3] =	stream.strided.gather [spmem:s20], $0x1080, s28, s0, $0x38;
	[tilespmem:$0x14980] =	vst v63  }
0x151: {  	_ =	swait.ge [sflag:s29], $0x1080  }
0x152: {  	[sflag:s29] =	ssyncset.done $0x0  }
0x153: {  	s14 =	simm.s32 $0x0;
	[sflag:s29] =	ssyncadd.s32 $0xFFFFEF80  }
0x154: {  	s15 =	simm.s32 $0x40;
	v3 =	vld [tilespmem:s14+$0xA480]  }
.LBB2_43:
0x155: {  	p6 =	sne.s32 s15, $0x41C0;
	v4 =	vld [tilespmem:s14+$0xB500];
	_ =	sdelay $0x2  }
.Ltmp21:
0x156: {  	(pc) =	sbr.rel @p6 .LBB2_43-.Ltmp21, $4  }
0x157: {  	_ = 	snop  }
0x158: {  	vm1 =	vlt.s32 v4, v3  }
0x159: {  	s16 =	sshra.s32 s15, $0x2;
	v4 =	vsel vm1, v4, v3  }
0x15a: {  	s15 =	sadd.s32 $0x40, s15;
	v3 =	vld [tilespmem:s16+$0xA480];
	[tilespmem:s14+$0xB500] =	vst v4;
	s14 =	smov.u32 s16  }
0x15b: {  	v4 =	vld [tilespmem:s14+$0xB500];
	_ =	sdelay $0x4  }
0x15c: {  	vm1 =	vlt.s32 v4, v3  }
0x15d: {  	v3 =	vsel vm1, v4, v3  }
0x15e: {  	[tilespmem:s14+$0xB500] =	vst v3  }
0x15f: {  	[tilespmem:s2], [sflag:$0x3] =	stream.strided.gather [spmem:s21], $0x1080, s28, s0, $0x38;
	[tilespmem:$0x14980] =	vst v63  }
0x160: {  	_ =	swait.ge [sflag:s29], $0x1080  }
0x161: {  	[sflag:s29] =	ssyncset.done $0x0  }
0x162: {  	s14 =	simm.s32 $0x0;
	[sflag:s29] =	ssyncadd.s32 $0xFFFFEF80  }
0x163: {  	s15 =	simm.s32 $0x40;
	v3 =	vld [tilespmem:s14+$0xA480]  }
.LBB2_45:
0x164: {  	p6 =	sne.s32 s15, $0x41C0;
	v4 =	vld [tilespmem:s14+$0xB500];
	_ =	sdelay $0x2  }
.Ltmp22:
0x165: {  	(pc) =	sbr.rel @p6 .LBB2_45-.Ltmp22, $4  }
0x166: {  	_ = 	snop  }
0x167: {  	vm1 =	vlt.s32 v4, v3  }
0x168: {  	s16 =	sshra.s32 s15, $0x2;
	v4 =	vsel vm1, v4, v3  }
0x169: {  	s15 =	sadd.s32 $0x40, s15;
	v3 =	vld [tilespmem:s16+$0xA480];
	[tilespmem:s14+$0xB500] =	vst v4;
	s14 =	smov.u32 s16  }
0x16a: {  	v4 =	vld [tilespmem:s14+$0xB500];
	_ =	sdelay $0x4  }
0x16b: {  	vm1 =	vlt.s32 v4, v3  }
0x16c: {  	v3 =	vsel vm1, v4, v3  }
0x16d: {  	[tilespmem:s14+$0xB500] =	vst v3  }
.LBB2_47:
.Ltmp23:
0x16e: {  	(pc) =	sbr.rel @p4 .LBB2_60-.Ltmp23, $1  }
0x16f: {  	_ =	sdelay $0x3  }
0x170: {  	[tilespmem:s2], [sflag:$0x3] =	stream.strided.gather [spmem:s22], $0x1080, s28, s0, $0x38;
	[tilespmem:$0x14980] =	vst v63  }
0x171: {  	_ =	swait.ge [sflag:s29], $0x1080  }
0x172: {  	[sflag:s29] =	ssyncset.done $0x0  }
0x173: {  	s14 =	simm.s32 $0x0;
	[sflag:s29] =	ssyncadd.s32 $0xFFFFEF80  }
0x174: {  	s15 =	simm.s32 $0x40;
	v3 =	vld [tilespmem:s14+$0xA480]  }
.LBB2_49:
0x175: {  	p6 =	sne.s32 s15, $0x41C0;
	v4 =	vld [tilespmem:s14+$0xB500];
	_ =	sdelay $0x2  }
.Ltmp24:
0x176: {  	(pc) =	sbr.rel @p6 .LBB2_49-.Ltmp24, $4  }
0x177: {  	_ = 	snop  }
0x178: {  	vm1 =	vlt.s32 v4, v3  }
0x179: {  	s16 =	sshra.s32 s15, $0x2;
	v4 =	vsel vm1, v4, v3  }
0x17a: {  	s15 =	sadd.s32 $0x40, s15;
	v3 =	vld [tilespmem:s16+$0xA480];
	[tilespmem:s14+$0xB500] =	vst v4;
	s14 =	smov.u32 s16  }
0x17b: {  	v4 =	vld [tilespmem:s14+$0xB500];
	_ =	sdelay $0x4  }
0x17c: {  	vm1 =	vlt.s32 v4, v3  }
0x17d: {  	v3 =	vsel vm1, v4, v3  }
0x17e: {  	[tilespmem:s14+$0xB500] =	vst v3  }
0x17f: {  	[tilespmem:s2], [sflag:$0x3] =	stream.strided.gather [spmem:s25], $0x1080, s28, s0, $0x38;
	[tilespmem:$0x14980] =	vst v63  }
0x180: {  	_ =	swait.ge [sflag:s29], $0x1080  }
0x181: {  	[sflag:s29] =	ssyncset.done $0x0  }
0x182: {  	s14 =	simm.s32 $0x0;
	[sflag:s29] =	ssyncadd.s32 $0xFFFFEF80  }
0x183: {  	s15 =	simm.s32 $0x40;
	v3 =	vld [tilespmem:s14+$0xA480]  }
.LBB2_51:
0x184: {  	p6 =	sne.s32 s15, $0x41C0;
	v4 =	vld [tilespmem:s14+$0xB500];
	_ =	sdelay $0x2  }
.Ltmp25:
0x185: {  	(pc) =	sbr.rel @p6 .LBB2_51-.Ltmp25, $4  }
0x186: {  	_ = 	snop  }
0x187: {  	vm1 =	vlt.s32 v4, v3  }
0x188: {  	s16 =	sshra.s32 s15, $0x2;
	v4 =	vsel vm1, v4, v3  }
0x189: {  	s15 =	sadd.s32 $0x40, s15;
	v3 =	vld [tilespmem:s16+$0xA480];
	[tilespmem:s14+$0xB500] =	vst v4;
	s14 =	smov.u32 s16  }
0x18a: {  	v4 =	vld [tilespmem:s14+$0xB500];
	_ =	sdelay $0x4  }
0x18b: {  	vm1 =	vlt.s32 v4, v3  }
0x18c: {  	v3 =	vsel vm1, v4, v3  }
0x18d: {  	[tilespmem:s14+$0xB500] =	vst v3  }
0x18e: {  	[tilespmem:s2], [sflag:$0x3] =	stream.strided.gather [spmem:s26], $0x1080, s28, s0, $0x38;
	[tilespmem:$0x14980] =	vst v63  }
0x18f: {  	_ =	swait.ge [sflag:s29], $0x1080  }
0x190: {  	[sflag:s29] =	ssyncset.done $0x0  }
0x191: {  	s14 =	simm.s32 $0x0;
	[sflag:s29] =	ssyncadd.s32 $0xFFFFEF80  }
0x192: {  	s15 =	simm.s32 $0x40;
	v3 =	vld [tilespmem:s14+$0xA480]  }
.LBB2_53:
0x193: {  	p6 =	sne.s32 s15, $0x41C0;
	v4 =	vld [tilespmem:s14+$0xB500];
	_ =	sdelay $0x2  }
.Ltmp26:
0x194: {  	(pc) =	sbr.rel @p6 .LBB2_53-.Ltmp26, $4  }
0x195: {  	_ = 	snop  }
0x196: {  	vm1 =	vlt.s32 v4, v3  }
0x197: {  	s16 =	sshra.s32 s15, $0x2;
	v4 =	vsel vm1, v4, v3  }
0x198: {  	s15 =	sadd.s32 $0x40, s15;
	v3 =	vld [tilespmem:s16+$0xA480];
	[tilespmem:s14+$0xB500] =	vst v4;
	s14 =	smov.u32 s16  }
0x199: {  	v4 =	vld [tilespmem:s14+$0xB500];
	_ =	sdelay $0x2  }
.Ltmp27:
0x19a: {  	_ = 	snop;
	(pc) =	sbr.rel @p5 .LBB2_60-.Ltmp27, $4  }
0x19b: {  	_ = 	snop  }
0x19c: {  	vm1 =	vlt.s32 v4, v3  }
0x19d: {  	v3 =	vsel vm1, v4, v3  }
0x19e: {  	[tilespmem:s14+$0xB500] =	vst v3  }
0x19f: {  	s14 =	rddreg [dreg:$0x8]  }
0x1a0: {  	[tilespmem:s2], [sflag:$0x3] =	stream.strided.gather [spmem:s14], $0x1080, s28, s0, $0x38;
	[tilespmem:$0x14980] =	vst v63  }
0x1a1: {  	_ =	swait.ge [sflag:s29], $0x1080  }
0x1a2: {  	[sflag:s29] =	ssyncset.done $0x0  }
0x1a3: {  	s14 =	simm.s32 $0x0;
	[sflag:s29] =	ssyncadd.s32 $0xFFFFEF80  }
0x1a4: {  	s15 =	simm.s32 $0x40;
	v3 =	vld [tilespmem:s14+$0xA480]  }
.LBB2_56:
0x1a5: {  	p6 =	sne.s32 s15, $0x41C0;
	v4 =	vld [tilespmem:s14+$0xB500];
	_ =	sdelay $0x2  }
.Ltmp28:
0x1a6: {  	(pc) =	sbr.rel @p6 .LBB2_56-.Ltmp28, $4  }
0x1a7: {  	_ = 	snop  }
0x1a8: {  	vm1 =	vlt.s32 v4, v3  }
0x1a9: {  	s16 =	sshra.s32 s15, $0x2;
	v4 =	vsel vm1, v4, v3  }
0x1aa: {  	s15 =	sadd.s32 $0x40, s15;
	v3 =	vld [tilespmem:s16+$0xA480];
	[tilespmem:s14+$0xB500] =	vst v4;
	s14 =	smov.u32 s16  }
0x1ab: {  	v4 =	vld [tilespmem:s14+$0xB500];
	_ =	sdelay $0x4  }
0x1ac: {  	vm1 =	vlt.s32 v4, v3  }
0x1ad: {  	v3 =	vsel vm1, v4, v3  }
0x1ae: {  	s16 =	rddreg [dreg:$0x9];
	[tilespmem:s14+$0xB500] =	vst v3  }
0x1af: {  	[tilespmem:s2], [sflag:$0x3] =	stream.strided.gather [spmem:s16], $0x1080, s28, s0, $0x38;
	[tilespmem:$0x14980] =	vst v63  }
0x1b0: {  	_ =	swait.ge [sflag:s29], $0x1080  }
0x1b1: {  	[sflag:s29] =	ssyncset.done $0x0  }
0x1b2: {  	s14 =	simm.s32 $0x0;
	[sflag:s29] =	ssyncadd.s32 $0xFFFFEF80  }
0x1b3: {  	s15 =	simm.s32 $0x40;
	v3 =	vld [tilespmem:s14+$0xA480]  }
.LBB2_58:
0x1b4: {  	p6 =	sne.s32 s15, $0x41C0;
	v4 =	vld [tilespmem:s14+$0xB500];
	_ =	sdelay $0x2  }
.Ltmp29:
0x1b5: {  	(pc) =	sbr.rel @p6 .LBB2_58-.Ltmp29, $4  }
0x1b6: {  	_ = 	snop  }
0x1b7: {  	vm1 =	vlt.s32 v4, v3  }
0x1b8: {  	s16 =	sshra.s32 s15, $0x2;
	v4 =	vsel vm1, v4, v3  }
0x1b9: {  	s15 =	sadd.s32 $0x40, s15;
	v3 =	vld [tilespmem:s16+$0xA480];
	[tilespmem:s14+$0xB500] =	vst v4;
	s14 =	smov.u32 s16  }
0x1ba: {  	v4 =	vld [tilespmem:s14+$0xB500];
	_ =	sdelay $0x4  }
0x1bb: {  	vm1 =	vlt.s32 v4, v3  }
0x1bc: {  	v3 =	vsel vm1, v4, v3  }
0x1bd: {  	[tilespmem:s14+$0xB500] =	vst v3  }
.LBB2_60:
0x1be: {  	s14 =	simm.s32 $0x0  }
0x1bf: {  	v3 =	vld [tilespmem:s14+$0xB500]  }
0x1c0: {  	s15 =	simm.s32 $0x40  }
.LBB2_61:
0x1c1: {  	p6 =	sne.s32 s15, $0x41C0  }
.Ltmp30:
0x1c2: {  	_ = 	snop;
	(pc) =	sbr.rel @p6 .LBB2_61-.Ltmp30, $4  }
0x1c3: {  	_ = 	snop  }
0x1c4: {  	s16 =	sshra.s32 s15, $0x2;
	s15 =	sadd.s32 $0x40, s15;
	vm1 =	vgt.s32 v3, $0x2F  }
0x1c5: {  	v4 =	vsel vm1, $0xFFFFFFFF, v3;
	v3 =	vld [tilespmem:s16+$0xB500]  }
0x1c6: {  	[tilespmem:s14+$0xC580] =	vst v4;
	s14 =	smov.u32 s16  }
0x1c7: {  	_ =	sdelay $0x2  }
0x1c8: {  	s13 =	sadd.s32 $0x1, s13;
	vm1 =	vgt.s32 v3, $0x2F  }
0x1c9: {  	p6 =	sne.s32 s13, s24;
	v3 =	vsel vm1, $0xFFFFFFFF, v3  }
.Ltmp31:
0x1ca: {  	s16 =	simm.s32 $0x0;
	[tilespmem:s14+$0xC580] =	vst v3;
	(pc) =	sbr.rel @p6 .LBB2_1-.Ltmp31, $4  }
0x1cb: {  	[hbm4b:s23+s16] =	stream.linear.scatter [tilespmem:s12], [sflag:$0x3], $0x1080, $0x38;
	[tilespmem:$0x14980] =	vst v63  }
0x1cc: {  	_ =	swait.ge [sflag:s29], $0x1080  }
0x1cd: {  	[sflag:s29] =	ssyncset.done $0x0  }
0x1ce: {  	[sflag:s29] =	ssyncadd.s32 $0xFFFFEF80  }
0x1cf: {  	_ =	sfence.sel $0x180000  }
0x1d0: {  	[bflag:$0x0] =	sbarrier.arrive $0xFFFF  }
0x1d1: {  	_ =	strace $0x90000047  }
0x1d2: {  	s0 =	stileid.u32;
	[bflag:$0x2] =	sbarrier.arrive $0xFFFF  }
0x1d3: {  	p0 =	sne.s32 s0, $0x0;
	s0 =	rddreg [dreg:$0x2]  }
0x1d4: {  	s0 =	sadd.s32 @!p0 $0x100000, s0  }
0x1d5: {  	[sflag:s0] =	ssyncadd.tile.s32 @!p0 $0x1;
	_ =	shalt  }
.Lfunc_end2:
_tile_overlayer_lowered:
.L_overlay_start_2:
0x1d6: {  	(tag) =	ssettag $0x2  }
0x1d7: {  	s0 =	rddreg [dreg:$0x0];
	s2 =	stileid.u32  }
0x1d8: {  	s1 =	rddreg [dreg:$0x1];
	p0 =	sne.s32 s2, $0x0  }
0x1d9: {  	s3 =	rddreg [dreg:$0x2];
	[bflag:$0x3] =	sbarrier.arrive $0xFFFF;
	s2 =	simm.s32 @!p0 $0x1C03  }
0x1da: {  	[timem:s3], [sflag:s2] =	dma.local @!p0 [hbm:s0], s1  }
0x1db: {  	s0 =	simm.s32 @!p0 $0x3  }
0x1dc: {  	_ =	swait.ge @!p0 [sflag:s0], s1  }
0x1dd: {  	s1 =	ssub.s32 @!p0 $0x0, s1;
	[sflag:s0] =	ssyncset.done @!p0 $0x0  }
0x1de: {  	[sflag:s0] =	ssyncadd.s32 @!p0 s1  }
0x1df: {  	[bflag:$0x3] =	sbarrier.arrive $0xFFFF  }
0x1e0: {  	_ =	shalt  }

</sc_bundles>
